<compile_context>
chip_gen: v7x
topology: tpu7x:2x2x1
jax: 0.10.2.dev20260603
libtpu: 0.0.44.dev20260713+nightly
codegen_flags: <defaults>
</compile_context>

<pallas_src>
import functools

import jax
import jax.numpy as jnp
from jax import lax
from jax.experimental import pallas as pl
from jax.experimental.pallas import tpu as pltpu
from jax.experimental.pallas import tpu_sc as plsc

_N_COARSE = 10000
_N_FINE = 50000
_VAL_DIM = 128
_FE = 9
_NF = 64
_HALF = _N_COARSE // 2

_NC = 2
_NS = 16
_NW = _NC * _NS
_BPW = 1568
_C = 56
_NCHUNK = _BPW // _C
_PR = _C // 2


def _mm_body(x_ref, w_ref, o_ref):
    wk = w_ref[0].astype(jnp.bfloat16)
    x = x_ref[...].astype(jnp.bfloat16)
    a = jnp.dot(x[:_HALF], wk, preferred_element_type=jnp.float32)
    b = jnp.dot(x[_HALF:], wk, preferred_element_type=jnp.float32)
    o_ref[...] = jnp.concatenate([a, b], axis=1)


def _project_table(table, w3):
    return pl.pallas_call(
        _mm_body,
        grid=(_FE,),
        in_specs=[
            pl.BlockSpec((_N_COARSE, _VAL_DIM), lambda k: (0, 0)),
            pl.BlockSpec((1, _VAL_DIM, _NF), lambda k: (k, 0, 0)),
        ],
        out_specs=pl.BlockSpec((_HALF, 2 * _NF), lambda k: (k, 0)),
        out_shape=jax.ShapeDtypeStruct((_FE * _HALF, 2 * _NF), jnp.float32),
    )(table, w3)


def _sc_gather_sum(p_flat, idx_r):
    mesh = plsc.VectorSubcoreMesh(core_axis_name="c", subcore_axis_name="s")

    @functools.partial(
        pl.kernel,
        mesh=mesh,
        out_type=jax.ShapeDtypeStruct((_N_FINE, _NF), jnp.float32),
        scratch_types=[
            pltpu.VMEM((_FE, _BPW), jnp.int32),
            pltpu.VMEM((_FE * _C, _NF), jnp.float32),
            pltpu.VMEM((_FE * _C, _NF), jnp.float32),
            pltpu.VMEM((_FE * _C, _NF), jnp.float32),
            pltpu.VMEM((_C, _NF), jnp.float32),
            pltpu.VMEM((_C, _NF), jnp.float32),
            pltpu.VMEM((_C, _NF), jnp.float32),
            pltpu.SemaphoreType.DMA,
            pltpu.SemaphoreType.DMA,
            pltpu.SemaphoreType.DMA,
            pltpu.SemaphoreType.DMA,
            pltpu.SemaphoreType.DMA,
            pltpu.SemaphoreType.DMA,
            pltpu.SemaphoreType.DMA,
        ],
        compiler_params=pltpu.CompilerParams(use_tc_tiling_on_sc=False),
    )
    def sc_fn(p_hbm, idx_hbm, out_hbm, idxb,
              rows0, rows1, rows2, outb0, outb1, outb2,
              si, sg0, sg1, sg2, so0, so1, so2):
        w = lax.axis_index("s") * _NC + lax.axis_index("c")
        start = jnp.where(w < _NW - 1, w * _BPW, _N_FINE - _BPW)

        for k in range(_FE):
            pltpu.async_copy(idx_hbm.at[pl.ds(k * _N_FINE + start, _BPW)],
                             idxb.at[k], si)
        pltpu.make_async_copy(idx_hbm.at[pl.ds(0, _FE * _BPW)], idxb, si).wait()

        def fire(c, rows, sg):
            for k in range(_FE):
                pltpu.async_copy(p_hbm.at[idxb.at[k, pl.ds(c * _C, _C)]],
                                 rows.at[pl.ds(k * _C, _C)], sg)

        def wait_rows(rows, sg):
            pltpu.make_async_copy(p_hbm.at[pl.ds(0, _FE * _C)], rows, sg).wait()

        def wait_store(outb, so):
            pltpu.make_async_copy(outb, out_hbm.at[pl.ds(0, _C)], so).wait()

        def accum(rows, outb):
            @plsc.parallel_loop(0, _C)
            def _(i):
                for j in range(_NF // 16):
                    sj = pl.ds(j * 16, 16)
                    acc = rows[i, sj]
                    for k in range(1, _FE):
                        acc = acc + rows[k * _C + i, sj]
                    outb[i, sj] = acc

        bufs = ((rows0, outb0, sg0, so0), (rows1, outb1, sg1, so1),
                (rows2, outb2, sg2, so2))
        fire(0, rows0, sg0)
        fire(1, rows1, sg1)
        fire(2, rows2, sg2)

        def body(c, t, rows, outb, sg, so):
            wait_rows(rows, sg)

            @pl.when(t > 0)
            def _():
                wait_store(outb, so)

            accum(rows, outb)
            pltpu.async_copy(
                outb, out_hbm.at[pl.ds(start + c * _C, _C)], so)

        def step(t, carry):
            for b, (rows, outb, sg, so) in enumerate(bufs):
                c = 3 * t + b
                body(c, t, rows, outb, sg, so)
                if b == 0:
                    fire(c + 3, rows, sg)
                else:
                    @pl.when(t < _NCHUNK // 3 - 1)
                    def _():
                        fire(c + 3, rows, sg)
            return carry

        lax.fori_loop(0, _NCHUNK // 3, step, 0)
        body(_NCHUNK - 1, 1, rows0, outb0, sg0, so0)
        wait_store(outb0, so0)
        wait_store(outb1, so1)
        wait_store(outb2, so2)

    return sc_fn(p_flat, idx_r)


def kernel(lattice_coarse_values, neighbor_indices, weight):
    table = lattice_coarse_values
    w3 = weight.reshape(_FE, _VAL_DIM, _NF)
    p2 = _project_table(table, w3)
    p_flat = p2.reshape(_N_COARSE * _FE, _NF)

    v = neighbor_indices.T.astype(jnp.int32)
    v2 = v * 2
    idx2 = jnp.where(v < _HALF, v2, v2 - (_N_COARSE - 1)) + \
        (jnp.arange(_FE, dtype=jnp.int32) * _N_COARSE)[:, None]
    idx_r = idx2.reshape(_FE * _N_FINE)

    return _sc_gather_sum(p_flat, idx_r)

# --- scband reference (transcript-rebuilt; emitter-appended) ---
"""Pipeline reference for scband-finefy-lattice-module-25400436588642 (READ-ONLY COPY).

The authoritative reference and input builder live on the scoring server;
editing this copy changes nothing except your own understanding.
"""

import jax, jax.numpy as jnp
import numpy as np
import math

N_COARSE = 10000
N_FINE = 50000
VAL_DIM = 128
FILTER_EXTENT = 9
NR_FILTERS = 64


def setup_inputs(seed: int = 0) -> dict:
    key = jax.random.key(seed)
    k1, k2, k3 = jax.random.split(key, 3)
    lattice_coarse_values = jax.random.normal(k1, (N_COARSE, VAL_DIM), dtype=jnp.float32)
    # neighbor indices of each fine vertex into the coarse lattice (custom CUDA op's
    # implicit splatting structure, modeled as an explicit int index tensor)
    neighbor_indices = jax.random.randint(k2, (N_FINE, FILTER_EXTENT), 0, N_COARSE, dtype=jnp.int64)
    # weight init faithful to reset_parameters: fan_out/2, relu gain, *2, kaiming-uniform bound
    fan = (FILTER_EXTENT * VAL_DIM) / 2.0
    gain = math.sqrt(2.0)
    std = gain / math.sqrt(fan) * 2.0
    bound = math.sqrt(3.0) * std
    weight = jax.random.uniform(k3, (FILTER_EXTENT * VAL_DIM, NR_FILTERS), dtype=jnp.float32, minval=-bound, maxval=bound)
    return {
        "lattice_coarse_values": lattice_coarse_values,
        "neighbor_indices": neighbor_indices,
        "weight": weight,
    }


def reference(lattice_coarse_values, neighbor_indices, weight):
    # FinefyLattice: for every fine-lattice vertex, gather the values of its
    # filter_extent coarse-lattice neighbours (incl. the center vertex since
    # use_center_vertex_from_lattice_neigbhours=True), flatten the receptive
    # field, and apply the learned linear filter -> new fine-lattice values.
    gathered = jnp.take(lattice_coarse_values, neighbor_indices, axis=0)  # [N_fine, FE, val_dim]
    flat = gathered.reshape(gathered.shape[0], FILTER_EXTENT * VAL_DIM)   # [N_fine, FE*val_dim]
    lv = flat @ weight                                                    # [N_fine, nr_filters]
    return lv

if __name__ == "__main__":
    import jax
    _d = setup_inputs()
    print(jax.jit(kernel)(*tuple(_d.values())))

</pallas_src>

<mosaic_0001>
#map = affine_map<(d0, d1) -> (0, 0)>
#map1 = affine_map<(d0, d1) -> (0)>
module attributes {stable_mosaic.version = 14 : i64} {
  func.func @sc_fn(%arg0: i32, %arg1: i32, %arg2: memref<90000x64xf32, #tpu.memory_space<hbm>>, %arg3: memref<450000xi32, #tpu.memory_space<hbm>>, %arg4: memref<50000x64xf32, #tpu.memory_space<hbm>>, %arg5: memref<9x1568xi32, #tpu.memory_space<vmem>>, %arg6: memref<504x64xf32, #tpu.memory_space<vmem>>, %arg7: memref<504x64xf32, #tpu.memory_space<vmem>>, %arg8: memref<504x64xf32, #tpu.memory_space<vmem>>, %arg9: memref<56x64xf32, #tpu.memory_space<vmem>>, %arg10: memref<56x64xf32, #tpu.memory_space<vmem>>, %arg11: memref<56x64xf32, #tpu.memory_space<vmem>>, %arg12: memref<!tpu.dma_semaphore, #tpu.memory_space<semaphore_mem>>, %arg13: memref<!tpu.dma_semaphore, #tpu.memory_space<semaphore_mem>>, %arg14: memref<!tpu.dma_semaphore, #tpu.memory_space<semaphore_mem>>, %arg15: memref<!tpu.dma_semaphore, #tpu.memory_space<semaphore_mem>>, %arg16: memref<!tpu.dma_semaphore, #tpu.memory_space<semaphore_mem>>, %arg17: memref<!tpu.dma_semaphore, #tpu.memory_space<semaphore_mem>>, %arg18: memref<!tpu.dma_semaphore, #tpu.memory_space<semaphore_mem>>) attributes {dimension_semantics = [#tpu.dimension_semantics<core_parallel>, #tpu.dimension_semantics<subcore_parallel>], iteration_bounds = array<i64: 2, 16>, scalar_prefetch = 0 : i64, scratch_operands = 14 : i64, tpu.core_type = #tpu.core_type<sc_vector_subcore>, window_params = [{transform_indices = #map}, {transform_indices = #map1}, {transform_indices = #map}]} {
    %mul3A = arith.constant 2 : i32
    %mul3A_0 = arith.muli %arg1, %mul3A : i32
    %add3A = arith.addi %mul3A_0, %arg0 : i32
    %lt3A = arith.constant 31 : i32
    %lt3A_1 = arith.cmpi slt, %add3A, %lt3A : i32
    %mul3A_2 = arith.constant 1568 : i32
    %mul3A_3 = arith.muli %add3A, %mul3A_2 : i32
    %jit3A = arith.constant 48432 : i32
    %select_n3A = arith.select %lt3A_1, %mul3A_3, %jit3A : i32
    %add3A_4 = arith.constant 0 : i32
    %add3A_5 = arith.addi %add3A_4, %select_n3A : i32
    %dma_start3A = arith.constant 0 : i32
    %dma_start3A_6 = arith.constant 0 : i32
    %dma_start3A_7 = tpu.memref_slice %arg5[%dma_start3A, %dma_start3A_6] : memref<9x1568xi32, #tpu.memory_space<vmem>> -> memref<1x1568xi32, #tpu.memory_space<vmem>>
    %dma_start3A_8 = tpu.memref_squeeze %dma_start3A_7 : memref<1x1568xi32, #tpu.memory_space<vmem>> -> memref<1568xi32, #tpu.memory_space<vmem>>
    %dma_start3A_9 = tpu.memref_slice %arg3[%add3A_5] : memref<450000xi32, #tpu.memory_space<hbm>> -> memref<1568xi32, #tpu.memory_space<hbm>>
    %dma_start3A_10 = arith.constant 0 : i32
    %dma_start3A_11 = tpu.memref_slice %arg5[%dma_start3A, %dma_start3A_10] : memref<9x1568xi32, #tpu.memory_space<vmem>> -> memref<1x1568xi32, #tpu.memory_space<vmem>>
    %dma_start3A_12 = tpu.memref_squeeze %dma_start3A_11 : memref<1x1568xi32, #tpu.memory_space<vmem>> -> memref<1568xi32, #tpu.memory_space<vmem>>
    %dma_start3A_13 = tpu.memref_slice %arg3[%add3A_5] : memref<450000xi32, #tpu.memory_space<hbm>> -> memref<1568xi32, #tpu.memory_space<hbm>>
    tpu.enqueue_dma source(%dma_start3A_13 : memref<1568xi32, #tpu.memory_space<hbm>>) target(%dma_start3A_12 : memref<1568xi32, #tpu.memory_space<vmem>>) target_semaphore(%arg12 : memref<!tpu.dma_semaphore, #tpu.memory_space<semaphore_mem>>)
    %add3A_14 = arith.constant 50000 : i32
    %add3A_15 = arith.addi %add3A_14, %select_n3A : i32
    %dma_start3A_16 = arith.constant 1 : i32
    %dma_start3A_17 = arith.constant 0 : i32
    %dma_start3A_18 = tpu.memref_slice %arg5[%dma_start3A_16, %dma_start3A_17] : memref<9x1568xi32, #tpu.memory_space<vmem>> -> memref<1x1568xi32, #tpu.memory_space<vmem>>
    %dma_start3A_19 = tpu.memref_squeeze %dma_start3A_18 : memref<1x1568xi32, #tpu.memory_space<vmem>> -> memref<1568xi32, #tpu.memory_space<vmem>>
    %dma_start3A_20 = tpu.memref_slice %arg3[%add3A_15] : memref<450000xi32, #tpu.memory_space<hbm>> -> memref<1568xi32, #tpu.memory_space<hbm>>
    %dma_start3A_21 = arith.constant 0 : i32
    %dma_start3A_22 = tpu.memref_slice %arg5[%dma_start3A_16, %dma_start3A_21] : memref<9x1568xi32, #tpu.memory_space<vmem>> -> memref<1x1568xi32, #tpu.memory_space<vmem>>
    %dma_start3A_23 = tpu.memref_squeeze %dma_start3A_22 : memref<1x1568xi32, #tpu.memory_space<vmem>> -> memref<1568xi32, #tpu.memory_space<vmem>>
    %dma_start3A_24 = tpu.memref_slice %arg3[%add3A_15] : memref<450000xi32, #tpu.memory_space<hbm>> -> memref<1568xi32, #tpu.memory_space<hbm>>
    tpu.enqueue_dma source(%dma_start3A_24 : memref<1568xi32, #tpu.memory_space<hbm>>) target(%dma_start3A_23 : memref<1568xi32, #tpu.memory_space<vmem>>) target_semaphore(%arg12 : memref<!tpu.dma_semaphore, #tpu.memory_space<semaphore_mem>>)
    %add3A_25 = arith.constant 100000 : i32
    %add3A_26 = arith.addi %add3A_25, %select_n3A : i32
    %dma_start3A_27 = arith.constant 2 : i32
    %dma_start3A_28 = arith.constant 0 : i32
    %dma_start3A_29 = tpu.memref_slice %arg5[%dma_start3A_27, %dma_start3A_28] : memref<9x1568xi32, #tpu.memory_space<vmem>> -> memref<1x1568xi32, #tpu.memory_space<vmem>>
    %dma_start3A_30 = tpu.memref_squeeze %dma_start3A_29 : memref<1x1568xi32, #tpu.memory_space<vmem>> -> memref<1568xi32, #tpu.memory_space<vmem>>
    %dma_start3A_31 = tpu.memref_slice %arg3[%add3A_26] : memref<450000xi32, #tpu.memory_space<hbm>> -> memref<1568xi32, #tpu.memory_space<hbm>>
    %dma_start3A_32 = arith.constant 0 : i32
    %dma_start3A_33 = tpu.memref_slice %arg5[%dma_start3A_27, %dma_start3A_32] : memref<9x1568xi32, #tpu.memory_space<vmem>> -> memref<1x1568xi32, #tpu.memory_space<vmem>>
    %dma_start3A_34 = tpu.memref_squeeze %dma_start3A_33 : memref<1x1568xi32, #tpu.memory_space<vmem>> -> memref<1568xi32, #tpu.memory_space<vmem>>
    %dma_start3A_35 = tpu.memref_slice %arg3[%add3A_26] : memref<450000xi32, #tpu.memory_space<hbm>> -> memref<1568xi32, #tpu.memory_space<hbm>>
    tpu.enqueue_dma source(%dma_start3A_35 : memref<1568xi32, #tpu.memory_space<hbm>>) target(%dma_start3A_34 : memref<1568xi32, #tpu.memory_space<vmem>>) target_semaphore(%arg12 : memref<!tpu.dma_semaphore, #tpu.memory_space<semaphore_mem>>)
    %add3A_36 = arith.constant 150000 : i32
    %add3A_37 = arith.addi %add3A_36, %select_n3A : i32
    %dma_start3A_38 = arith.constant 3 : i32
    %dma_start3A_39 = arith.constant 0 : i32
    %dma_start3A_40 = tpu.memref_slice %arg5[%dma_start3A_38, %dma_start3A_39] : memref<9x1568xi32, #tpu.memory_space<vmem>> -> memref<1x1568xi32, #tpu.memory_space<vmem>>
    %dma_start3A_41 = tpu.memref_squeeze %dma_start3A_40 : memref<1x1568xi32, #tpu.memory_space<vmem>> -> memref<1568xi32, #tpu.memory_space<vmem>>
    %dma_start3A_42 = tpu.memref_slice %arg3[%add3A_37] : memref<450000xi32, #tpu.memory_space<hbm>> -> memref<1568xi32, #tpu.memory_space<hbm>>
    %dma_start3A_43 = arith.constant 0 : i32
    %dma_start3A_44 = tpu.memref_slice %arg5[%dma_start3A_38, %dma_start3A_43] : memref<9x1568xi32, #tpu.memory_space<vmem>> -> memref<1x1568xi32, #tpu.memory_space<vmem>>
    %dma_start3A_45 = tpu.memref_squeeze %dma_start3A_44 : memref<1x1568xi32, #tpu.memory_space<vmem>> -> memref<1568xi32, #tpu.memory_space<vmem>>
    %dma_start3A_46 = tpu.memref_slice %arg3[%add3A_37] : memref<450000xi32, #tpu.memory_space<hbm>> -> memref<1568xi32, #tpu.memory_space<hbm>>
    tpu.enqueue_dma source(%dma_start3A_46 : memref<1568xi32, #tpu.memory_space<hbm>>) target(%dma_start3A_45 : memref<1568xi32, #tpu.memory_space<vmem>>) target_semaphore(%arg12 : memref<!tpu.dma_semaphore, #tpu.memory_space<semaphore_mem>>)
    %add3A_47 = arith.constant 200000 : i32
    %add3A_48 = arith.addi %add3A_47, %select_n3A : i32
    %dma_start3A_49 = arith.constant 4 : i32
    %dma_start3A_50 = arith.constant 0 : i32
    %dma_start3A_51 = tpu.memref_slice %arg5[%dma_start3A_49, %dma_start3A_50] : memref<9x1568xi32, #tpu.memory_space<vmem>> -> memref<1x1568xi32, #tpu.memory_space<vmem>>
    %dma_start3A_52 = tpu.memref_squeeze %dma_start3A_51 : memref<1x1568xi32, #tpu.memory_space<vmem>> -> memref<1568xi32, #tpu.memory_space<vmem>>
    %dma_start3A_53 = tpu.memref_slice %arg3[%add3A_48] : memref<450000xi32, #tpu.memory_space<hbm>> -> memref<1568xi32, #tpu.memory_space<hbm>>
    %dma_start3A_54 = arith.constant 0 : i32
    %dma_start3A_55 = tpu.memref_slice %arg5[%dma_start3A_49, %dma_start3A_54] : memref<9x1568xi32, #tpu.memory_space<vmem>> -> memref<1x1568xi32, #tpu.memory_space<vmem>>
    %dma_start3A_56 = tpu.memref_squeeze %dma_start3A_55 : memref<1x1568xi32, #tpu.memory_space<vmem>> -> memref<1568xi32, #tpu.memory_space<vmem>>
    %dma_start3A_57 = tpu.memref_slice %arg3[%add3A_48] : memref<450000xi32, #tpu.memory_space<hbm>> -> memref<1568xi32, #tpu.memory_space<hbm>>
    tpu.enqueue_dma source(%dma_start3A_57 : memref<1568xi32, #tpu.memory_space<hbm>>) target(%dma_start3A_56 : memref<1568xi32, #tpu.memory_space<vmem>>) target_semaphore(%arg12 : memref<!tpu.dma_semaphore, #tpu.memory_space<semaphore_mem>>)
    %add3A_58 = arith.constant 250000 : i32
    %add3A_59 = arith.addi %add3A_58, %select_n3A : i32
    %dma_start3A_60 = arith.constant 5 : i32
    %dma_start3A_61 = arith.constant 0 : i32
    %dma_start3A_62 = tpu.memref_slice %arg5[%dma_start3A_60, %dma_start3A_61] : memref<9x1568xi32, #tpu.memory_space<vmem>> -> memref<1x1568xi32, #tpu.memory_space<vmem>>
    %dma_start3A_63 = tpu.memref_squeeze %dma_start3A_62 : memref<1x1568xi32, #tpu.memory_space<vmem>> -> memref<1568xi32, #tpu.memory_space<vmem>>
    %dma_start3A_64 = tpu.memref_slice %arg3[%add3A_59] : memref<450000xi32, #tpu.memory_space<hbm>> -> memref<1568xi32, #tpu.memory_space<hbm>>
    %dma_start3A_65 = arith.constant 0 : i32
    %dma_start3A_66 = tpu.memref_slice %arg5[%dma_start3A_60, %dma_start3A_65] : memref<9x1568xi32, #tpu.memory_space<vmem>> -> memref<1x1568xi32, #tpu.memory_space<vmem>>
    %dma_start3A_67 = tpu.memref_squeeze %dma_start3A_66 : memref<1x1568xi32, #tpu.memory_space<vmem>> -> memref<1568xi32, #tpu.memory_space<vmem>>
    %dma_start3A_68 = tpu.memref_slice %arg3[%add3A_59] : memref<450000xi32, #tpu.memory_space<hbm>> -> memref<1568xi32, #tpu.memory_space<hbm>>
    tpu.enqueue_dma source(%dma_start3A_68 : memref<1568xi32, #tpu.memory_space<hbm>>) target(%dma_start3A_67 : memref<1568xi32, #tpu.memory_space<vmem>>) target_semaphore(%arg12 : memref<!tpu.dma_semaphore, #tpu.memory_space<semaphore_mem>>)
    %add3A_69 = arith.constant 300000 : i32
    %add3A_70 = arith.addi %add3A_69, %select_n3A : i32
    %dma_start3A_71 = arith.constant 6 : i32
    %dma_start3A_72 = arith.constant 0 : i32
    %dma_start3A_73 = tpu.memref_slice %arg5[%dma_start3A_71, %dma_start3A_72] : memref<9x1568xi32, #tpu.memory_space<vmem>> -> memref<1x1568xi32, #tpu.memory_space<vmem>>
    %dma_start3A_74 = tpu.memref_squeeze %dma_start3A_73 : memref<1x1568xi32, #tpu.memory_space<vmem>> -> memref<1568xi32, #tpu.memory_space<vmem>>
    %dma_start3A_75 = tpu.memref_slice %arg3[%add3A_70] : memref<450000xi32, #tpu.memory_space<hbm>> -> memref<1568xi32, #tpu.memory_space<hbm>>
    %dma_start3A_76 = arith.constant 0 : i32
    %dma_start3A_77 = tpu.memref_slice %arg5[%dma_start3A_71, %dma_start3A_76] : memref<9x1568xi32, #tpu.memory_space<vmem>> -> memref<1x1568xi32, #tpu.memory_space<vmem>>
    %dma_start3A_78 = tpu.memref_squeeze %dma_start3A_77 : memref<1x1568xi32, #tpu.memory_space<vmem>> -> memref<1568xi32, #tpu.memory_space<vmem>>
    %dma_start3A_79 = tpu.memref_slice %arg3[%add3A_70] : memref<450000xi32, #tpu.memory_space<hbm>> -> memref<1568xi32, #tpu.memory_space<hbm>>
    tpu.enqueue_dma source(%dma_start3A_79 : memref<1568xi32, #tpu.memory_space<hbm>>) target(%dma_start3A_78 : memref<1568xi32, #tpu.memory_space<vmem>>) target_semaphore(%arg12 : memref<!tpu.dma_semaphore, #tpu.memory_space<semaphore_mem>>)
    %add3A_80 = arith.constant 350000 : i32
    %add3A_81 = arith.addi %add3A_80, %select_n3A : i32
    %dma_start3A_82 = arith.constant 7 : i32
    %dma_start3A_83 = arith.constant 0 : i32
    %dma_start3A_84 = tpu.memref_slice %arg5[%dma_start3A_82, %dma_start3A_83] : memref<9x1568xi32, #tpu.memory_space<vmem>> -> memref<1x1568xi32, #tpu.memory_space<vmem>>
    %dma_start3A_85 = tpu.memref_squeeze %dma_start3A_84 : memref<1x1568xi32, #tpu.memory_space<vmem>> -> memref<1568xi32, #tpu.memory_space<vmem>>
    %dma_start3A_86 = tpu.memref_slice %arg3[%add3A_81] : memref<450000xi32, #tpu.memory_space<hbm>> -> memref<1568xi32, #tpu.memory_space<hbm>>
    %dma_start3A_87 = arith.constant 0 : i32
    %dma_start3A_88 = tpu.memref_slice %arg5[%dma_start3A_82, %dma_start3A_87] : memref<9x1568xi32, #tpu.memory_space<vmem>> -> memref<1x1568xi32, #tpu.memory_space<vmem>>
    %dma_start3A_89 = tpu.memref_squeeze %dma_start3A_88 : memref<1x1568xi32, #tpu.memory_space<vmem>> -> memref<1568xi32, #tpu.memory_space<vmem>>
    %dma_start3A_90 = tpu.memref_slice %arg3[%add3A_81] : memref<450000xi32, #tpu.memory_space<hbm>> -> memref<1568xi32, #tpu.memory_space<hbm>>
    tpu.enqueue_dma source(%dma_start3A_90 : memref<1568xi32, #tpu.memory_space<hbm>>) target(%dma_start3A_89 : memref<1568xi32, #tpu.memory_space<vmem>>) target_semaphore(%arg12 : memref<!tpu.dma_semaphore, #tpu.memory_space<semaphore_mem>>)
    %add3A_91 = arith.constant 400000 : i32
    %add3A_92 = arith.addi %add3A_91, %select_n3A : i32
    %dma_start3A_93 = arith.constant 8 : i32
    %dma_start3A_94 = arith.constant 0 : i32
    %dma_start3A_95 = tpu.memref_slice %arg5[%dma_start3A_93, %dma_start3A_94] : memref<9x1568xi32, #tpu.memory_space<vmem>> -> memref<1x1568xi32, #tpu.memory_space<vmem>>
    %dma_start3A_96 = tpu.memref_squeeze %dma_start3A_95 : memref<1x1568xi32, #tpu.memory_space<vmem>> -> memref<1568xi32, #tpu.memory_space<vmem>>
    %dma_start3A_97 = tpu.memref_slice %arg3[%add3A_92] : memref<450000xi32, #tpu.memory_space<hbm>> -> memref<1568xi32, #tpu.memory_space<hbm>>
    %dma_start3A_98 = arith.constant 0 : i32
    %dma_start3A_99 = tpu.memref_slice %arg5[%dma_start3A_93, %dma_start3A_98] : memref<9x1568xi32, #tpu.memory_space<vmem>> -> memref<1x1568xi32, #tpu.memory_space<vmem>>
    %dma_start3A_100 = tpu.memref_squeeze %dma_start3A_99 : memref<1x1568xi32, #tpu.memory_space<vmem>> -> memref<1568xi32, #tpu.memory_space<vmem>>
    %dma_start3A_101 = tpu.memref_slice %arg3[%add3A_92] : memref<450000xi32, #tpu.memory_space<hbm>> -> memref<1568xi32, #tpu.memory_space<hbm>>
    tpu.enqueue_dma source(%dma_start3A_101 : memref<1568xi32, #tpu.memory_space<hbm>>) target(%dma_start3A_100 : memref<1568xi32, #tpu.memory_space<vmem>>) target_semaphore(%arg12 : memref<!tpu.dma_semaphore, #tpu.memory_space<semaphore_mem>>)
    %dma_wait3A = arith.constant 0 : i32
    %dma_wait3A_102 = tpu.memref_slice %arg3[%dma_wait3A] : memref<450000xi32, #tpu.memory_space<hbm>> -> memref<14112xi32, #tpu.memory_space<hbm>>
    %dma_wait3A_103 = arith.constant 0 : i32
    %dma_wait3A_104 = tpu.memref_slice %arg3[%dma_wait3A_103] : memref<450000xi32, #tpu.memory_space<hbm>> -> memref<14112xi32, #tpu.memory_space<hbm>>
    tpu.wait_dma2 semaphore(%arg12 : memref<!tpu.dma_semaphore, #tpu.memory_space<semaphore_mem>>) src(%dma_wait3A_104 : memref<14112xi32, #tpu.memory_space<hbm>>) dst(%arg5 : memref<9x1568xi32, #tpu.memory_space<vmem>>)
    %dma_start3A_105 = arith.constant 0 : i32
    %dma_start3A_106 = arith.constant 0 : i32
    %dma_start3A_107 = arith.constant 0 : i32
    %dma_start3A_108 = tpu.memref_slice %arg6[%dma_start3A_106, %dma_start3A_107] : memref<504x64xf32, #tpu.memory_space<vmem>> -> memref<56x64xf32, #tpu.memory_space<vmem>>
    %dma_start3A_109 = arith.constant 0 : i32
    %dma_start3A_110 = tpu.memref_slice %arg5[%dma_start3A_105, %dma_start3A_109] : memref<9x1568xi32, #tpu.memory_space<vmem>> -> memref<1x56xi32, #tpu.memory_space<vmem>>
    %dma_start3A_111 = tpu.memref_squeeze %dma_start3A_110 : memref<1x56xi32, #tpu.memory_space<vmem>> -> memref<56xi32, #tpu.memory_space<vmem>>
    %dma_start3A_112 = arith.constant 0 : i32
    %dma_start3A_113 = arith.constant 0 : i32
    %dma_start3A_114 = tpu.memref_slice %arg2[%dma_start3A_112, %dma_start3A_113] : memref<90000x64xf32, #tpu.memory_space<hbm>> -> memref<90000x64xf32, #tpu.memory_space<hbm>>
    tpu.enqueue_indirect_dma source(%dma_start3A_114 : memref<90000x64xf32, #tpu.memory_space<hbm>>) target(%dma_start3A_108 : memref<56x64xf32, #tpu.memory_space<vmem>>) offsets(%dma_start3A_111 : memref<56xi32, #tpu.memory_space<vmem>>) semaphore(%arg13 : memref<!tpu.dma_semaphore, #tpu.memory_space<semaphore_mem>>)
    %dma_start3A_115 = arith.constant 1 : i32
    %dma_start3A_116 = arith.constant 56 : i32
    %dma_start3A_117 = arith.constant 0 : i32
    %dma_start3A_118 = tpu.memref_slice %arg6[%dma_start3A_116, %dma_start3A_117] : memref<504x64xf32, #tpu.memory_space<vmem>> -> memref<56x64xf32, #tpu.memory_space<vmem>>
    %dma_start3A_119 = arith.constant 0 : i32
    %dma_start3A_120 = tpu.memref_slice %arg5[%dma_start3A_115, %dma_start3A_119] : memref<9x1568xi32, #tpu.memory_space<vmem>> -> memref<1x56xi32, #tpu.memory_space<vmem>>
    %dma_start3A_121 = tpu.memref_squeeze %dma_start3A_120 : memref<1x56xi32, #tpu.memory_space<vmem>> -> memref<56xi32, #tpu.memory_space<vmem>>
    %dma_start3A_122 = arith.constant 0 : i32
    %dma_start3A_123 = arith.constant 0 : i32
    %dma_start3A_124 = tpu.memref_slice %arg2[%dma_start3A_122, %dma_start3A_123] : memref<90000x64xf32, #tpu.memory_space<hbm>> -> memref<90000x64xf32, #tpu.memory_space<hbm>>
    tpu.enqueue_indirect_dma source(%dma_start3A_124 : memref<90000x64xf32, #tpu.memory_space<hbm>>) target(%dma_start3A_118 : memref<56x64xf32, #tpu.memory_space<vmem>>) offsets(%dma_start3A_121 : memref<56xi32, #tpu.memory_space<vmem>>) semaphore(%arg13 : memref<!tpu.dma_semaphore, #tpu.memory_space<semaphore_mem>>)
    %dma_start3A_125 = arith.constant 2 : i32
    %dma_start3A_126 = arith.constant 112 : i32
    %dma_start3A_127 = arith.constant 0 : i32
    %dma_start3A_128 = tpu.memref_slice %arg6[%dma_start3A_126, %dma_start3A_127] : memref<504x64xf32, #tpu.memory_space<vmem>> -> memref<56x64xf32, #tpu.memory_space<vmem>>
    %dma_start3A_129 = arith.constant 0 : i32
    %dma_start3A_130 = tpu.memref_slice %arg5[%dma_start3A_125, %dma_start3A_129] : memref<9x1568xi32, #tpu.memory_space<vmem>> -> memref<1x56xi32, #tpu.memory_space<vmem>>
    %dma_start3A_131 = tpu.memref_squeeze %dma_start3A_130 : memref<1x56xi32, #tpu.memory_space<vmem>> -> memref<56xi32, #tpu.memory_space<vmem>>
    %dma_start3A_132 = arith.constant 0 : i32
    %dma_start3A_133 = arith.constant 0 : i32
    %dma_start3A_134 = tpu.memref_slice %arg2[%dma_start3A_132, %dma_start3A_133] : memref<90000x64xf32, #tpu.memory_space<hbm>> -> memref<90000x64xf32, #tpu.memory_space<hbm>>
    tpu.enqueue_indirect_dma source(%dma_start3A_134 : memref<90000x64xf32, #tpu.memory_space<hbm>>) target(%dma_start3A_128 : memref<56x64xf32, #tpu.memory_space<vmem>>) offsets(%dma_start3A_131 : memref<56xi32, #tpu.memory_space<vmem>>) semaphore(%arg13 : memref<!tpu.dma_semaphore, #tpu.memory_space<semaphore_mem>>)
    %dma_start3A_135 = arith.constant 3 : i32
    %dma_start3A_136 = arith.constant 168 : i32
    %dma_start3A_137 = arith.constant 0 : i32
    %dma_start3A_138 = tpu.memref_slice %arg6[%dma_start3A_136, %dma_start3A_137] : memref<504x64xf32, #tpu.memory_space<vmem>> -> memref<56x64xf32, #tpu.memory_space<vmem>>
    %dma_start3A_139 = arith.constant 0 : i32
    %dma_start3A_140 = tpu.memref_slice %arg5[%dma_start3A_135, %dma_start3A_139] : memref<9x1568xi32, #tpu.memory_space<vmem>> -> memref<1x56xi32, #tpu.memory_space<vmem>>
    %dma_start3A_141 = tpu.memref_squeeze %dma_start3A_140 : memref<1x56xi32, #tpu.memory_space<vmem>> -> memref<56xi32, #tpu.memory_space<vmem>>
    %dma_start3A_142 = arith.constant 0 : i32
    %dma_start3A_143 = arith.constant 0 : i32
    %dma_start3A_144 = tpu.memref_slice %arg2[%dma_start3A_142, %dma_start3A_143] : memref<90000x64xf32, #tpu.memory_space<hbm>> -> memref<90000x64xf32, #tpu.memory_space<hbm>>
    tpu.enqueue_indirect_dma source(%dma_start3A_144 : memref<90000x64xf32, #tpu.memory_space<hbm>>) target(%dma_start3A_138 : memref<56x64xf32, #tpu.memory_space<vmem>>) offsets(%dma_start3A_141 : memref<56xi32, #tpu.memory_space<vmem>>) semaphore(%arg13 : memref<!tpu.dma_semaphore, #tpu.memory_space<semaphore_mem>>)
    %dma_start3A_145 = arith.constant 4 : i32
    %dma_start3A_146 = arith.constant 224 : i32
    %dma_start3A_147 = arith.constant 0 : i32
    %dma_start3A_148 = tpu.memref_slice %arg6[%dma_start3A_146, %dma_start3A_147] : memref<504x64xf32, #tpu.memory_space<vmem>> -> memref<56x64xf32, #tpu.memory_space<vmem>>
    %dma_start3A_149 = arith.constant 0 : i32
    %dma_start3A_150 = tpu.memref_slice %arg5[%dma_start3A_145, %dma_start3A_149] : memref<9x1568xi32, #tpu.memory_space<vmem>> -> memref<1x56xi32, #tpu.memory_space<vmem>>
    %dma_start3A_151 = tpu.memref_squeeze %dma_start3A_150 : memref<1x56xi32, #tpu.memory_space<vmem>> -> memref<56xi32, #tpu.memory_space<vmem>>
    %dma_start3A_152 = arith.constant 0 : i32
    %dma_start3A_153 = arith.constant 0 : i32
    %dma_start3A_154 = tpu.memref_slice %arg2[%dma_start3A_152, %dma_start3A_153] : memref<90000x64xf32, #tpu.memory_space<hbm>> -> memref<90000x64xf32, #tpu.memory_space<hbm>>
    tpu.enqueue_indirect_dma source(%dma_start3A_154 : memref<90000x64xf32, #tpu.memory_space<hbm>>) target(%dma_start3A_148 : memref<56x64xf32, #tpu.memory_space<vmem>>) offsets(%dma_start3A_151 : memref<56xi32, #tpu.memory_space<vmem>>) semaphore(%arg13 : memref<!tpu.dma_semaphore, #tpu.memory_space<semaphore_mem>>)
    %dma_start3A_155 = arith.constant 5 : i32
    %dma_start3A_156 = arith.constant 280 : i32
    %dma_start3A_157 = arith.constant 0 : i32
    %dma_start3A_158 = tpu.memref_slice %arg6[%dma_start3A_156, %dma_start3A_157] : memref<504x64xf32, #tpu.memory_space<vmem>> -> memref<56x64xf32, #tpu.memory_space<vmem>>
    %dma_start3A_159 = arith.constant 0 : i32
    %dma_start3A_160 = tpu.memref_slice %arg5[%dma_start3A_155, %dma_start3A_159] : memref<9x1568xi32, #tpu.memory_space<vmem>> -> memref<1x56xi32, #tpu.memory_space<vmem>>
    %dma_start3A_161 = tpu.memref_squeeze %dma_start3A_160 : memref<1x56xi32, #tpu.memory_space<vmem>> -> memref<56xi32, #tpu.memory_space<vmem>>
    %dma_start3A_162 = arith.constant 0 : i32
    %dma_start3A_163 = arith.constant 0 : i32
    %dma_start3A_164 = tpu.memref_slice %arg2[%dma_start3A_162, %dma_start3A_163] : memref<90000x64xf32, #tpu.memory_space<hbm>> -> memref<90000x64xf32, #tpu.memory_space<hbm>>
    tpu.enqueue_indirect_dma source(%dma_start3A_164 : memref<90000x64xf32, #tpu.memory_space<hbm>>) target(%dma_start3A_158 : memref<56x64xf32, #tpu.memory_space<vmem>>) offsets(%dma_start3A_161 : memref<56xi32, #tpu.memory_space<vmem>>) semaphore(%arg13 : memref<!tpu.dma_semaphore, #tpu.memory_space<semaphore_mem>>)
    %dma_start3A_165 = arith.constant 6 : i32
    %dma_start3A_166 = arith.constant 336 : i32
    %dma_start3A_167 = arith.constant 0 : i32
    %dma_start3A_168 = tpu.memref_slice %arg6[%dma_start3A_166, %dma_start3A_167] : memref<504x64xf32, #tpu.memory_space<vmem>> -> memref<56x64xf32, #tpu.memory_space<vmem>>
    %dma_start3A_169 = arith.constant 0 : i32
    %dma_start3A_170 = tpu.memref_slice %arg5[%dma_start3A_165, %dma_start3A_169] : memref<9x1568xi32, #tpu.memory_space<vmem>> -> memref<1x56xi32, #tpu.memory_space<vmem>>
    %dma_start3A_171 = tpu.memref_squeeze %dma_start3A_170 : memref<1x56xi32, #tpu.memory_space<vmem>> -> memref<56xi32, #tpu.memory_space<vmem>>
    %dma_start3A_172 = arith.constant 0 : i32
    %dma_start3A_173 = arith.constant 0 : i32
    %dma_start3A_174 = tpu.memref_slice %arg2[%dma_start3A_172, %dma_start3A_173] : memref<90000x64xf32, #tpu.memory_space<hbm>> -> memref<90000x64xf32, #tpu.memory_space<hbm>>
    tpu.enqueue_indirect_dma source(%dma_start3A_174 : memref<90000x64xf32, #tpu.memory_space<hbm>>) target(%dma_start3A_168 : memref<56x64xf32, #tpu.memory_space<vmem>>) offsets(%dma_start3A_171 : memref<56xi32, #tpu.memory_space<vmem>>) semaphore(%arg13 : memref<!tpu.dma_semaphore, #tpu.memory_space<semaphore_mem>>)
    %dma_start3A_175 = arith.constant 7 : i32
    %dma_start3A_176 = arith.constant 392 : i32
    %dma_start3A_177 = arith.constant 0 : i32
    %dma_start3A_178 = tpu.memref_slice %arg6[%dma_start3A_176, %dma_start3A_177] : memref<504x64xf32, #tpu.memory_space<vmem>> -> memref<56x64xf32, #tpu.memory_space<vmem>>
    %dma_start3A_179 = arith.constant 0 : i32
    %dma_start3A_180 = tpu.memref_slice %arg5[%dma_start3A_175, %dma_start3A_179] : memref<9x1568xi32, #tpu.memory_space<vmem>> -> memref<1x56xi32, #tpu.memory_space<vmem>>
    %dma_start3A_181 = tpu.memref_squeeze %dma_start3A_180 : memref<1x56xi32, #tpu.memory_space<vmem>> -> memref<56xi32, #tpu.memory_space<vmem>>
    %dma_start3A_182 = arith.constant 0 : i32
    %dma_start3A_183 = arith.constant 0 : i32
    %dma_start3A_184 = tpu.memref_slice %arg2[%dma_start3A_182, %dma_start3A_183] : memref<90000x64xf32, #tpu.memory_space<hbm>> -> memref<90000x64xf32, #tpu.memory_space<hbm>>
    tpu.enqueue_indirect_dma source(%dma_start3A_184 : memref<90000x64xf32, #tpu.memory_space<hbm>>) target(%dma_start3A_178 : memref<56x64xf32, #tpu.memory_space<vmem>>) offsets(%dma_start3A_181 : memref<56xi32, #tpu.memory_space<vmem>>) semaphore(%arg13 : memref<!tpu.dma_semaphore, #tpu.memory_space<semaphore_mem>>)
    %dma_start3A_185 = arith.constant 8 : i32
    %dma_start3A_186 = arith.constant 448 : i32
    %dma_start3A_187 = arith.constant 0 : i32
    %dma_start3A_188 = tpu.memref_slice %arg6[%dma_start3A_186, %dma_start3A_187] : memref<504x64xf32, #tpu.memory_space<vmem>> -> memref<56x64xf32, #tpu.memory_space<vmem>>
    %dma_start3A_189 = arith.constant 0 : i32
    %dma_start3A_190 = tpu.memref_slice %arg5[%dma_start3A_185, %dma_start3A_189] : memref<9x1568xi32, #tpu.memory_space<vmem>> -> memref<1x56xi32, #tpu.memory_space<vmem>>
    %dma_start3A_191 = tpu.memref_squeeze %dma_start3A_190 : memref<1x56xi32, #tpu.memory_space<vmem>> -> memref<56xi32, #tpu.memory_space<vmem>>
    %dma_start3A_192 = arith.constant 0 : i32
    %dma_start3A_193 = arith.constant 0 : i32
    %dma_start3A_194 = tpu.memref_slice %arg2[%dma_start3A_192, %dma_start3A_193] : memref<90000x64xf32, #tpu.memory_space<hbm>> -> memref<90000x64xf32, #tpu.memory_space<hbm>>
    tpu.enqueue_indirect_dma source(%dma_start3A_194 : memref<90000x64xf32, #tpu.memory_space<hbm>>) target(%dma_start3A_188 : memref<56x64xf32, #tpu.memory_space<vmem>>) offsets(%dma_start3A_191 : memref<56xi32, #tpu.memory_space<vmem>>) semaphore(%arg13 : memref<!tpu.dma_semaphore, #tpu.memory_space<semaphore_mem>>)
    %dma_start3A_195 = arith.constant 0 : i32
    %dma_start3A_196 = arith.constant 0 : i32
    %dma_start3A_197 = arith.constant 0 : i32
    %dma_start3A_198 = tpu.memref_slice %arg7[%dma_start3A_196, %dma_start3A_197] : memref<504x64xf32, #tpu.memory_space<vmem>> -> memref<56x64xf32, #tpu.memory_space<vmem>>
    %dma_start3A_199 = arith.constant 56 : i32
    %dma_start3A_200 = tpu.memref_slice %arg5[%dma_start3A_195, %dma_start3A_199] : memref<9x1568xi32, #tpu.memory_space<vmem>> -> memref<1x56xi32, #tpu.memory_space<vmem>>
    %dma_start3A_201 = tpu.memref_squeeze %dma_start3A_200 : memref<1x56xi32, #tpu.memory_space<vmem>> -> memref<56xi32, #tpu.memory_space<vmem>>
    %dma_start3A_202 = arith.constant 0 : i32
    %dma_start3A_203 = arith.constant 0 : i32
    %dma_start3A_204 = tpu.memref_slice %arg2[%dma_start3A_202, %dma_start3A_203] : memref<90000x64xf32, #tpu.memory_space<hbm>> -> memref<90000x64xf32, #tpu.memory_space<hbm>>
    tpu.enqueue_indirect_dma source(%dma_start3A_204 : memref<90000x64xf32, #tpu.memory_space<hbm>>) target(%dma_start3A_198 : memref<56x64xf32, #tpu.memory_space<vmem>>) offsets(%dma_start3A_201 : memref<56xi32, #tpu.memory_space<vmem>>) semaphore(%arg14 : memref<!tpu.dma_semaphore, #tpu.memory_space<semaphore_mem>>)
    %dma_start3A_205 = arith.constant 1 : i32
    %dma_start3A_206 = arith.constant 56 : i32
    %dma_start3A_207 = arith.constant 0 : i32
    %dma_start3A_208 = tpu.memref_slice %arg7[%dma_start3A_206, %dma_start3A_207] : memref<504x64xf32, #tpu.memory_space<vmem>> -> memref<56x64xf32, #tpu.memory_space<vmem>>
    %dma_start3A_209 = arith.constant 56 : i32
    %dma_start3A_210 = tpu.memref_slice %arg5[%dma_start3A_205, %dma_start3A_209] : memref<9x1568xi32, #tpu.memory_space<vmem>> -> memref<1x56xi32, #tpu.memory_space<vmem>>
    %dma_start3A_211 = tpu.memref_squeeze %dma_start3A_210 : memref<1x56xi32, #tpu.memory_space<vmem>> -> memref<56xi32, #tpu.memory_space<vmem>>
    %dma_start3A_212 = arith.constant 0 : i32
    %dma_start3A_213 = arith.constant 0 : i32
    %dma_start3A_214 = tpu.memref_slice %arg2[%dma_start3A_212, %dma_start3A_213] : memref<90000x64xf32, #tpu.memory_space<hbm>> -> memref<90000x64xf32, #tpu.memory_space<hbm>>
    tpu.enqueue_indirect_dma source(%dma_start3A_214 : memref<90000x64xf32, #tpu.memory_space<hbm>>) target(%dma_start3A_208 : memref<56x64xf32, #tpu.memory_space<vmem>>) offsets(%dma_start3A_211 : memref<56xi32, #tpu.memory_space<vmem>>) semaphore(%arg14 : memref<!tpu.dma_semaphore, #tpu.memory_space<semaphore_mem>>)
    %dma_start3A_215 = arith.constant 2 : i32
    %dma_start3A_216 = arith.constant 112 : i32
    %dma_start3A_217 = arith.constant 0 : i32
    %dma_start3A_218 = tpu.memref_slice %arg7[%dma_start3A_216, %dma_start3A_217] : memref<504x64xf32, #tpu.memory_space<vmem>> -> memref<56x64xf32, #tpu.memory_space<vmem>>
    %dma_start3A_219 = arith.constant 56 : i32
    %dma_start3A_220 = tpu.memref_slice %arg5[%dma_start3A_215, %dma_start3A_219] : memref<9x1568xi32, #tpu.memory_space<vmem>> -> memref<1x56xi32, #tpu.memory_space<vmem>>
    %dma_start3A_221 = tpu.memref_squeeze %dma_start3A_220 : memref<1x56xi32, #tpu.memory_space<vmem>> -> memref<56xi32, #tpu.memory_space<vmem>>
    %dma_start3A_222 = arith.constant 0 : i32
    %dma_start3A_223 = arith.constant 0 : i32
    %dma_start3A_224 = tpu.memref_slice %arg2[%dma_start3A_222, %dma_start3A_223] : memref<90000x64xf32, #tpu.memory_space<hbm>> -> memref<90000x64xf32, #tpu.memory_space<hbm>>
    tpu.enqueue_indirect_dma source(%dma_start3A_224 : memref<90000x64xf32, #tpu.memory_space<hbm>>) target(%dma_start3A_218 : memref<56x64xf32, #tpu.memory_space<vmem>>) offsets(%dma_start3A_221 : memref<56xi32, #tpu.memory_space<vmem>>) semaphore(%arg14 : memref<!tpu.dma_semaphore, #tpu.memory_space<semaphore_mem>>)
    %dma_start3A_225 = arith.constant 3 : i32
    %dma_start3A_226 = arith.constant 168 : i32
    %dma_start3A_227 = arith.constant 0 : i32
    %dma_start3A_228 = tpu.memref_slice %arg7[%dma_start3A_226, %dma_start3A_227] : memref<504x64xf32, #tpu.memory_space<vmem>> -> memref<56x64xf32, #tpu.memory_space<vmem>>
    %dma_start3A_229 = arith.constant 56 : i32
    %dma_start3A_230 = tpu.memref_slice %arg5[%dma_start3A_225, %dma_start3A_229] : memref<9x1568xi32, #tpu.memory_space<vmem>> -> memref<1x56xi32, #tpu.memory_space<vmem>>
    %dma_start3A_231 = tpu.memref_squeeze %dma_start3A_230 : memref<1x56xi32, #tpu.memory_space<vmem>> -> memref<56xi32, #tpu.memory_space<vmem>>
    %dma_start3A_232 = arith.constant 0 : i32
    %dma_start3A_233 = arith.constant 0 : i32
    %dma_start3A_234 = tpu.memref_slice %arg2[%dma_start3A_232, %dma_start3A_233] : memref<90000x64xf32, #tpu.memory_space<hbm>> -> memref<90000x64xf32, #tpu.memory_space<hbm>>
    tpu.enqueue_indirect_dma source(%dma_start3A_234 : memref<90000x64xf32, #tpu.memory_space<hbm>>) target(%dma_start3A_228 : memref<56x64xf32, #tpu.memory_space<vmem>>) offsets(%dma_start3A_231 : memref<56xi32, #tpu.memory_space<vmem>>) semaphore(%arg14 : memref<!tpu.dma_semaphore, #tpu.memory_space<semaphore_mem>>)
    %dma_start3A_235 = arith.constant 4 : i32
    %dma_start3A_236 = arith.constant 224 : i32
    %dma_start3A_237 = arith.constant 0 : i32
    %dma_start3A_238 = tpu.memref_slice %arg7[%dma_start3A_236, %dma_start3A_237] : memref<504x64xf32, #tpu.memory_space<vmem>> -> memref<56x64xf32, #tpu.memory_space<vmem>>
    %dma_start3A_239 = arith.constant 56 : i32
    %dma_start3A_240 = tpu.memref_slice %arg5[%dma_start3A_235, %dma_start3A_239] : memref<9x1568xi32, #tpu.memory_space<vmem>> -> memref<1x56xi32, #tpu.memory_space<vmem>>
    %dma_start3A_241 = tpu.memref_squeeze %dma_start3A_240 : memref<1x56xi32, #tpu.memory_space<vmem>> -> memref<56xi32, #tpu.memory_space<vmem>>
    %dma_start3A_242 = arith.constant 0 : i32
    %dma_start3A_243 = arith.constant 0 : i32
    %dma_start3A_244 = tpu.memref_slice %arg2[%dma_start3A_242, %dma_start3A_243] : memref<90000x64xf32, #tpu.memory_space<hbm>> -> memref<90000x64xf32, #tpu.memory_space<hbm>>
    tpu.enqueue_indirect_dma source(%dma_start3A_244 : memref<90000x64xf32, #tpu.memory_space<hbm>>) target(%dma_start3A_238 : memref<56x64xf32, #tpu.memory_space<vmem>>) offsets(%dma_start3A_241 : memref<56xi32, #tpu.memory_space<vmem>>) semaphore(%arg14 : memref<!tpu.dma_semaphore, #tpu.memory_space<semaphore_mem>>)
    %dma_start3A_245 = arith.constant 5 : i32
    %dma_start3A_246 = arith.constant 280 : i32
    %dma_start3A_247 = arith.constant 0 : i32
    %dma_start3A_248 = tpu.memref_slice %arg7[%dma_start3A_246, %dma_start3A_247] : memref<504x64xf32, #tpu.memory_space<vmem>> -> memref<56x64xf32, #tpu.memory_space<vmem>>
    %dma_start3A_249 = arith.constant 56 : i32
    %dma_start3A_250 = tpu.memref_slice %arg5[%dma_start3A_245, %dma_start3A_249] : memref<9x1568xi32, #tpu.memory_space<vmem>> -> memref<1x56xi32, #tpu.memory_space<vmem>>
    %dma_start3A_251 = tpu.memref_squeeze %dma_start3A_250 : memref<1x56xi32, #tpu.memory_space<vmem>> -> memref<56xi32, #tpu.memory_space<vmem>>
    %dma_start3A_252 = arith.constant 0 : i32
    %dma_start3A_253 = arith.constant 0 : i32
    %dma_start3A_254 = tpu.memref_slice %arg2[%dma_start3A_252, %dma_start3A_253] : memref<90000x64xf32, #tpu.memory_space<hbm>> -> memref<90000x64xf32, #tpu.memory_space<hbm>>
    tpu.enqueue_indirect_dma source(%dma_start3A_254 : memref<90000x64xf32, #tpu.memory_space<hbm>>) target(%dma_start3A_248 : memref<56x64xf32, #tpu.memory_space<vmem>>) offsets(%dma_start3A_251 : memref<56xi32, #tpu.memory_space<vmem>>) semaphore(%arg14 : memref<!tpu.dma_semaphore, #tpu.memory_space<semaphore_mem>>)
    %dma_start3A_255 = arith.constant 6 : i32
    %dma_start3A_256 = arith.constant 336 : i32
    %dma_start3A_257 = arith.constant 0 : i32
    %dma_start3A_258 = tpu.memref_slice %arg7[%dma_start3A_256, %dma_start3A_257] : memref<504x64xf32, #tpu.memory_space<vmem>> -> memref<56x64xf32, #tpu.memory_space<vmem>>
    %dma_start3A_259 = arith.constant 56 : i32
    %dma_start3A_260 = tpu.memref_slice %arg5[%dma_start3A_255, %dma_start3A_259] : memref<9x1568xi32, #tpu.memory_space<vmem>> -> memref<1x56xi32, #tpu.memory_space<vmem>>
    %dma_start3A_261 = tpu.memref_squeeze %dma_start3A_260 : memref<1x56xi32, #tpu.memory_space<vmem>> -> memref<56xi32, #tpu.memory_space<vmem>>
    %dma_start3A_262 = arith.constant 0 : i32
    %dma_start3A_263 = arith.constant 0 : i32
    %dma_start3A_264 = tpu.memref_slice %arg2[%dma_start3A_262, %dma_start3A_263] : memref<90000x64xf32, #tpu.memory_space<hbm>> -> memref<90000x64xf32, #tpu.memory_space<hbm>>
    tpu.enqueue_indirect_dma source(%dma_start3A_264 : memref<90000x64xf32, #tpu.memory_space<hbm>>) target(%dma_start3A_258 : memref<56x64xf32, #tpu.memory_space<vmem>>) offsets(%dma_start3A_261 : memref<56xi32, #tpu.memory_space<vmem>>) semaphore(%arg14 : memref<!tpu.dma_semaphore, #tpu.memory_space<semaphore_mem>>)
    %dma_start3A_265 = arith.constant 7 : i32
    %dma_start3A_266 = arith.constant 392 : i32
    %dma_start3A_267 = arith.constant 0 : i32
    %dma_start3A_268 = tpu.memref_slice %arg7[%dma_start3A_266, %dma_start3A_267] : memref<504x64xf32, #tpu.memory_space<vmem>> -> memref<56x64xf32, #tpu.memory_space<vmem>>
    %dma_start3A_269 = arith.constant 56 : i32
    %dma_start3A_270 = tpu.memref_slice %arg5[%dma_start3A_265, %dma_start3A_269] : memref<9x1568xi32, #tpu.memory_space<vmem>> -> memref<1x56xi32, #tpu.memory_space<vmem>>
    %dma_start3A_271 = tpu.memref_squeeze %dma_start3A_270 : memref<1x56xi32, #tpu.memory_space<vmem>> -> memref<56xi32, #tpu.memory_space<vmem>>
    %dma_start3A_272 = arith.constant 0 : i32
    %dma_start3A_273 = arith.constant 0 : i32
    %dma_start3A_274 = tpu.memref_slice %arg2[%dma_start3A_272, %dma_start3A_273] : memref<90000x64xf32, #tpu.memory_space<hbm>> -> memref<90000x64xf32, #tpu.memory_space<hbm>>
    tpu.enqueue_indirect_dma source(%dma_start3A_274 : memref<90000x64xf32, #tpu.memory_space<hbm>>) target(%dma_start3A_268 : memref<56x64xf32, #tpu.memory_space<vmem>>) offsets(%dma_start3A_271 : memref<56xi32, #tpu.memory_space<vmem>>) semaphore(%arg14 : memref<!tpu.dma_semaphore, #tpu.memory_space<semaphore_mem>>)
    %dma_start3A_275 = arith.constant 8 : i32
    %dma_start3A_276 = arith.constant 448 : i32
    %dma_start3A_277 = arith.constant 0 : i32
    %dma_start3A_278 = tpu.memref_slice %arg7[%dma_start3A_276, %dma_start3A_277] : memref<504x64xf32, #tpu.memory_space<vmem>> -> memref<56x64xf32, #tpu.memory_space<vmem>>
    %dma_start3A_279 = arith.constant 56 : i32
    %dma_start3A_280 = tpu.memref_slice %arg5[%dma_start3A_275, %dma_start3A_279] : memref<9x1568xi32, #tpu.memory_space<vmem>> -> memref<1x56xi32, #tpu.memory_space<vmem>>
    %dma_start3A_281 = tpu.memref_squeeze %dma_start3A_280 : memref<1x56xi32, #tpu.memory_space<vmem>> -> memref<56xi32, #tpu.memory_space<vmem>>
    %dma_start3A_282 = arith.constant 0 : i32
    %dma_start3A_283 = arith.constant 0 : i32
    %dma_start3A_284 = tpu.memref_slice %arg2[%dma_start3A_282, %dma_start3A_283] : memref<90000x64xf32, #tpu.memory_space<hbm>> -> memref<90000x64xf32, #tpu.memory_space<hbm>>
    tpu.enqueue_indirect_dma source(%dma_start3A_284 : memref<90000x64xf32, #tpu.memory_space<hbm>>) target(%dma_start3A_278 : memref<56x64xf32, #tpu.memory_space<vmem>>) offsets(%dma_start3A_281 : memref<56xi32, #tpu.memory_space<vmem>>) semaphore(%arg14 : memref<!tpu.dma_semaphore, #tpu.memory_space<semaphore_mem>>)
    %dma_start3A_285 = arith.constant 0 : i32
    %dma_start3A_286 = arith.constant 0 : i32
    %dma_start3A_287 = arith.constant 0 : i32
    %dma_start3A_288 = tpu.memref_slice %arg8[%dma_start3A_286, %dma_start3A_287] : memref<504x64xf32, #tpu.memory_space<vmem>> -> memref<56x64xf32, #tpu.memory_space<vmem>>
    %dma_start3A_289 = arith.constant 112 : i32
    %dma_start3A_290 = tpu.memref_slice %arg5[%dma_start3A_285, %dma_start3A_289] : memref<9x1568xi32, #tpu.memory_space<vmem>> -> memref<1x56xi32, #tpu.memory_space<vmem>>
    %dma_start3A_291 = tpu.memref_squeeze %dma_start3A_290 : memref<1x56xi32, #tpu.memory_space<vmem>> -> memref<56xi32, #tpu.memory_space<vmem>>
    %dma_start3A_292 = arith.constant 0 : i32
    %dma_start3A_293 = arith.constant 0 : i32
    %dma_start3A_294 = tpu.memref_slice %arg2[%dma_start3A_292, %dma_start3A_293] : memref<90000x64xf32, #tpu.memory_space<hbm>> -> memref<90000x64xf32, #tpu.memory_space<hbm>>
    tpu.enqueue_indirect_dma source(%dma_start3A_294 : memref<90000x64xf32, #tpu.memory_space<hbm>>) target(%dma_start3A_288 : memref<56x64xf32, #tpu.memory_space<vmem>>) offsets(%dma_start3A_291 : memref<56xi32, #tpu.memory_space<vmem>>) semaphore(%arg15 : memref<!tpu.dma_semaphore, #tpu.memory_space<semaphore_mem>>)
    %dma_start3A_295 = arith.constant 1 : i32
    %dma_start3A_296 = arith.constant 56 : i32
    %dma_start3A_297 = arith.constant 0 : i32
    %dma_start3A_298 = tpu.memref_slice %arg8[%dma_start3A_296, %dma_start3A_297] : memref<504x64xf32, #tpu.memory_space<vmem>> -> memref<56x64xf32, #tpu.memory_space<vmem>>
    %dma_start3A_299 = arith.constant 112 : i32
    %dma_start3A_300 = tpu.memref_slice %arg5[%dma_start3A_295, %dma_start3A_299] : memref<9x1568xi32, #tpu.memory_space<vmem>> -> memref<1x56xi32, #tpu.memory_space<vmem>>
    %dma_start3A_301 = tpu.memref_squeeze %dma_start3A_300 : memref<1x56xi32, #tpu.memory_space<vmem>> -> memref<56xi32, #tpu.memory_space<vmem>>
    %dma_start3A_302 = arith.constant 0 : i32
    %dma_start3A_303 = arith.constant 0 : i32
    %dma_start3A_304 = tpu.memref_slice %arg2[%dma_start3A_302, %dma_start3A_303] : memref<90000x64xf32, #tpu.memory_space<hbm>> -> memref<90000x64xf32, #tpu.memory_space<hbm>>
    tpu.enqueue_indirect_dma source(%dma_start3A_304 : memref<90000x64xf32, #tpu.memory_space<hbm>>) target(%dma_start3A_298 : memref<56x64xf32, #tpu.memory_space<vmem>>) offsets(%dma_start3A_301 : memref<56xi32, #tpu.memory_space<vmem>>) semaphore(%arg15 : memref<!tpu.dma_semaphore, #tpu.memory_space<semaphore_mem>>)
    %dma_start3A_305 = arith.constant 2 : i32
    %dma_start3A_306 = arith.constant 112 : i32
    %dma_start3A_307 = arith.constant 0 : i32
    %dma_start3A_308 = tpu.memref_slice %arg8[%dma_start3A_306, %dma_start3A_307] : memref<504x64xf32, #tpu.memory_space<vmem>> -> memref<56x64xf32, #tpu.memory_space<vmem>>
    %dma_start3A_309 = arith.constant 112 : i32
    %dma_start3A_310 = tpu.memref_slice %arg5[%dma_start3A_305, %dma_start3A_309] : memref<9x1568xi32, #tpu.memory_space<vmem>> -> memref<1x56xi32, #tpu.memory_space<vmem>>
    %dma_start3A_311 = tpu.memref_squeeze %dma_start3A_310 : memref<1x56xi32, #tpu.memory_space<vmem>> -> memref<56xi32, #tpu.memory_space<vmem>>
    %dma_start3A_312 = arith.constant 0 : i32
    %dma_start3A_313 = arith.constant 0 : i32
    %dma_start3A_314 = tpu.memref_slice %arg2[%dma_start3A_312, %dma_start3A_313] : memref<90000x64xf32, #tpu.memory_space<hbm>> -> memref<90000x64xf32, #tpu.memory_space<hbm>>
    tpu.enqueue_indirect_dma source(%dma_start3A_314 : memref<90000x64xf32, #tpu.memory_space<hbm>>) target(%dma_start3A_308 : memref<56x64xf32, #tpu.memory_space<vmem>>) offsets(%dma_start3A_311 : memref<56xi32, #tpu.memory_space<vmem>>) semaphore(%arg15 : memref<!tpu.dma_semaphore, #tpu.memory_space<semaphore_mem>>)
    %dma_start3A_315 = arith.constant 3 : i32
    %dma_start3A_316 = arith.constant 168 : i32
    %dma_start3A_317 = arith.constant 0 : i32
    %dma_start3A_318 = tpu.memref_slice %arg8[%dma_start3A_316, %dma_start3A_317] : memref<504x64xf32, #tpu.memory_space<vmem>> -> memref<56x64xf32, #tpu.memory_space<vmem>>
    %dma_start3A_319 = arith.constant 112 : i32
    %dma_start3A_320 = tpu.memref_slice %arg5[%dma_start3A_315, %dma_start3A_319] : memref<9x1568xi32, #tpu.memory_space<vmem>> -> memref<1x56xi32, #tpu.memory_space<vmem>>
    %dma_start3A_321 = tpu.memref_squeeze %dma_start3A_320 : memref<1x56xi32, #tpu.memory_space<vmem>> -> memref<56xi32, #tpu.memory_space<vmem>>
    %dma_start3A_322 = arith.constant 0 : i32
    %dma_start3A_323 = arith.constant 0 : i32
    %dma_start3A_324 = tpu.memref_slice %arg2[%dma_start3A_322, %dma_start3A_323] : memref<90000x64xf32, #tpu.memory_space<hbm>> -> memref<90000x64xf32, #tpu.memory_space<hbm>>
    tpu.enqueue_indirect_dma source(%dma_start3A_324 : memref<90000x64xf32, #tpu.memory_space<hbm>>) target(%dma_start3A_318 : memref<56x64xf32, #tpu.memory_space<vmem>>) offsets(%dma_start3A_321 : memref<56xi32, #tpu.memory_space<vmem>>) semaphore(%arg15 : memref<!tpu.dma_semaphore, #tpu.memory_space<semaphore_mem>>)
    %dma_start3A_325 = arith.constant 4 : i32
    %dma_start3A_326 = arith.constant 224 : i32
    %dma_start3A_327 = arith.constant 0 : i32
    %dma_start3A_328 = tpu.memref_slice %arg8[%dma_start3A_326, %dma_start3A_327] : memref<504x64xf32, #tpu.memory_space<vmem>> -> memref<56x64xf32, #tpu.memory_space<vmem>>
    %dma_start3A_329 = arith.constant 112 : i32
    %dma_start3A_330 = tpu.memref_slice %arg5[%dma_start3A_325, %dma_start3A_329] : memref<9x1568xi32, #tpu.memory_space<vmem>> -> memref<1x56xi32, #tpu.memory_space<vmem>>
    %dma_start3A_331 = tpu.memref_squeeze %dma_start3A_330 : memref<1x56xi32, #tpu.memory_space<vmem>> -> memref<56xi32, #tpu.memory_space<vmem>>
    %dma_start3A_332 = arith.constant 0 : i32
    %dma_start3A_333 = arith.constant 0 : i32
    %dma_start3A_334 = tpu.memref_slice %arg2[%dma_start3A_332, %dma_start3A_333] : memref<90000x64xf32, #tpu.memory_space<hbm>> -> memref<90000x64xf32, #tpu.memory_space<hbm>>
    tpu.enqueue_indirect_dma source(%dma_start3A_334 : memref<90000x64xf32, #tpu.memory_space<hbm>>) target(%dma_start3A_328 : memref<56x64xf32, #tpu.memory_space<vmem>>) offsets(%dma_start3A_331 : memref<56xi32, #tpu.memory_space<vmem>>) semaphore(%arg15 : memref<!tpu.dma_semaphore, #tpu.memory_space<semaphore_mem>>)
    %dma_start3A_335 = arith.constant 5 : i32
    %dma_start3A_336 = arith.constant 280 : i32
    %dma_start3A_337 = arith.constant 0 : i32
    %dma_start3A_338 = tpu.memref_slice %arg8[%dma_start3A_336, %dma_start3A_337] : memref<504x64xf32, #tpu.memory_space<vmem>> -> memref<56x64xf32, #tpu.memory_space<vmem>>
    %dma_start3A_339 = arith.constant 112 : i32
    %dma_start3A_340 = tpu.memref_slice %arg5[%dma_start3A_335, %dma_start3A_339] : memref<9x1568xi32, #tpu.memory_space<vmem>> -> memref<1x56xi32, #tpu.memory_space<vmem>>
    %dma_start3A_341 = tpu.memref_squeeze %dma_start3A_340 : memref<1x56xi32, #tpu.memory_space<vmem>> -> memref<56xi32, #tpu.memory_space<vmem>>
    %dma_start3A_342 = arith.constant 0 : i32
    %dma_start3A_343 = arith.constant 0 : i32
    %dma_start3A_344 = tpu.memref_slice %arg2[%dma_start3A_342, %dma_start3A_343] : memref<90000x64xf32, #tpu.memory_space<hbm>> -> memref<90000x64xf32, #tpu.memory_space<hbm>>
    tpu.enqueue_indirect_dma source(%dma_start3A_344 : memref<90000x64xf32, #tpu.memory_space<hbm>>) target(%dma_start3A_338 : memref<56x64xf32, #tpu.memory_space<vmem>>) offsets(%dma_start3A_341 : memref<56xi32, #tpu.memory_space<vmem>>) semaphore(%arg15 : memref<!tpu.dma_semaphore, #tpu.memory_space<semaphore_mem>>)
    %dma_start3A_345 = arith.constant 6 : i32
    %dma_start3A_346 = arith.constant 336 : i32
    %dma_start3A_347 = arith.constant 0 : i32
    %dma_start3A_348 = tpu.memref_slice %arg8[%dma_start3A_346, %dma_start3A_347] : memref<504x64xf32, #tpu.memory_space<vmem>> -> memref<56x64xf32, #tpu.memory_space<vmem>>
    %dma_start3A_349 = arith.constant 112 : i32
    %dma_start3A_350 = tpu.memref_slice %arg5[%dma_start3A_345, %dma_start3A_349] : memref<9x1568xi32, #tpu.memory_space<vmem>> -> memref<1x56xi32, #tpu.memory_space<vmem>>
    %dma_start3A_351 = tpu.memref_squeeze %dma_start3A_350 : memref<1x56xi32, #tpu.memory_space<vmem>> -> memref<56xi32, #tpu.memory_space<vmem>>
    %dma_start3A_352 = arith.constant 0 : i32
    %dma_start3A_353 = arith.constant 0 : i32
    %dma_start3A_354 = tpu.memref_slice %arg2[%dma_start3A_352, %dma_start3A_353] : memref<90000x64xf32, #tpu.memory_space<hbm>> -> memref<90000x64xf32, #tpu.memory_space<hbm>>
    tpu.enqueue_indirect_dma source(%dma_start3A_354 : memref<90000x64xf32, #tpu.memory_space<hbm>>) target(%dma_start3A_348 : memref<56x64xf32, #tpu.memory_space<vmem>>) offsets(%dma_start3A_351 : memref<56xi32, #tpu.memory_space<vmem>>) semaphore(%arg15 : memref<!tpu.dma_semaphore, #tpu.memory_space<semaphore_mem>>)
    %dma_start3A_355 = arith.constant 7 : i32
    %dma_start3A_356 = arith.constant 392 : i32
    %dma_start3A_357 = arith.constant 0 : i32
    %dma_start3A_358 = tpu.memref_slice %arg8[%dma_start3A_356, %dma_start3A_357] : memref<504x64xf32, #tpu.memory_space<vmem>> -> memref<56x64xf32, #tpu.memory_space<vmem>>
    %dma_start3A_359 = arith.constant 112 : i32
    %dma_start3A_360 = tpu.memref_slice %arg5[%dma_start3A_355, %dma_start3A_359] : memref<9x1568xi32, #tpu.memory_space<vmem>> -> memref<1x56xi32, #tpu.memory_space<vmem>>
    %dma_start3A_361 = tpu.memref_squeeze %dma_start3A_360 : memref<1x56xi32, #tpu.memory_space<vmem>> -> memref<56xi32, #tpu.memory_space<vmem>>
    %dma_start3A_362 = arith.constant 0 : i32
    %dma_start3A_363 = arith.constant 0 : i32
    %dma_start3A_364 = tpu.memref_slice %arg2[%dma_start3A_362, %dma_start3A_363] : memref<90000x64xf32, #tpu.memory_space<hbm>> -> memref<90000x64xf32, #tpu.memory_space<hbm>>
    tpu.enqueue_indirect_dma source(%dma_start3A_364 : memref<90000x64xf32, #tpu.memory_space<hbm>>) target(%dma_start3A_358 : memref<56x64xf32, #tpu.memory_space<vmem>>) offsets(%dma_start3A_361 : memref<56xi32, #tpu.memory_space<vmem>>) semaphore(%arg15 : memref<!tpu.dma_semaphore, #tpu.memory_space<semaphore_mem>>)
    %dma_start3A_365 = arith.constant 8 : i32
    %dma_start3A_366 = arith.constant 448 : i32
    %dma_start3A_367 = arith.constant 0 : i32
    %dma_start3A_368 = tpu.memref_slice %arg8[%dma_start3A_366, %dma_start3A_367] : memref<504x64xf32, #tpu.memory_space<vmem>> -> memref<56x64xf32, #tpu.memory_space<vmem>>
    %dma_start3A_369 = arith.constant 112 : i32
    %dma_start3A_370 = tpu.memref_slice %arg5[%dma_start3A_365, %dma_start3A_369] : memref<9x1568xi32, #tpu.memory_space<vmem>> -> memref<1x56xi32, #tpu.memory_space<vmem>>
    %dma_start3A_371 = tpu.memref_squeeze %dma_start3A_370 : memref<1x56xi32, #tpu.memory_space<vmem>> -> memref<56xi32, #tpu.memory_space<vmem>>
    %dma_start3A_372 = arith.constant 0 : i32
    %dma_start3A_373 = arith.constant 0 : i32
    %dma_start3A_374 = tpu.memref_slice %arg2[%dma_start3A_372, %dma_start3A_373] : memref<90000x64xf32, #tpu.memory_space<hbm>> -> memref<90000x64xf32, #tpu.memory_space<hbm>>
    tpu.enqueue_indirect_dma source(%dma_start3A_374 : memref<90000x64xf32, #tpu.memory_space<hbm>>) target(%dma_start3A_368 : memref<56x64xf32, #tpu.memory_space<vmem>>) offsets(%dma_start3A_371 : memref<56xi32, #tpu.memory_space<vmem>>) semaphore(%arg15 : memref<!tpu.dma_semaphore, #tpu.memory_space<semaphore_mem>>)
    %scan3A = arith.constant 0 : i32
    %scan3A_375 = arith.constant 0 : i32
    %scan3A_376 = arith.constant 9 : i32
    %scan3A_377 = arith.addi %scan3A_375, %scan3A_376 : i32
    %scan3A_378 = arith.constant 1 : i32
    scf.for %scan3A_418 = %scan3A_375 to %scan3A_377 step %scan3A_378  : i32 {
      %mul3A_419 = arith.constant 3 : i32
      %mul3A_420 = arith.muli %mul3A_419, %scan3A_418 : i32
      %add3A_421 = arith.constant 0 : i32
      %add3A_422 = arith.addi %mul3A_420, %add3A_421 : i32
      %dma_wait3A_423 = arith.constant 0 : i32
      %dma_wait3A_424 = arith.constant 0 : i32
      %dma_wait3A_425 = tpu.memref_slice %arg2[%dma_wait3A_423, %dma_wait3A_424] : memref<90000x64xf32, #tpu.memory_space<hbm>> -> memref<504x64xf32, #tpu.memory_space<hbm>>
      %dma_wait3A_426 = arith.constant 0 : i32
      %dma_wait3A_427 = arith.constant 0 : i32
      %dma_wait3A_428 = tpu.memref_slice %arg2[%dma_wait3A_426, %dma_wait3A_427] : memref<90000x64xf32, #tpu.memory_space<hbm>> -> memref<504x64xf32, #tpu.memory_space<hbm>>
      tpu.wait_dma2 semaphore(%arg13 : memref<!tpu.dma_semaphore, #tpu.memory_space<semaphore_mem>>) src(%dma_wait3A_428 : memref<504x64xf32, #tpu.memory_space<hbm>>) dst(%arg6 : memref<504x64xf32, #tpu.memory_space<vmem>>)
      %gt3A = arith.constant 0 : i32
      %gt3A_429 = arith.cmpi sgt, %scan3A_418, %gt3A : i32
      %convert_element_type3A = arith.extui %gt3A_429 : i1 to i32
      %cond3A = arith.constant 0 : i32
      %cond3A_430 = arith.cmpi ne, %convert_element_type3A, %cond3A : i32
      scf.if %cond3A_430 {
        %dma_wait3A_602 = arith.constant 0 : i32
        %dma_wait3A_603 = arith.constant 0 : i32
        %dma_wait3A_604 = tpu.memref_slice %arg4[%dma_wait3A_602, %dma_wait3A_603] : memref<50000x64xf32, #tpu.memory_space<hbm>> -> memref<56x64xf32, #tpu.memory_space<hbm>>
        %dma_wait3A_605 = arith.constant 0 : i32
        %dma_wait3A_606 = arith.constant 0 : i32
        %dma_wait3A_607 = tpu.memref_slice %arg4[%dma_wait3A_605, %dma_wait3A_606] : memref<50000x64xf32, #tpu.memory_space<hbm>> -> memref<56x64xf32, #tpu.memory_space<hbm>>
        tpu.wait_dma2 semaphore(%arg16 : memref<!tpu.dma_semaphore, #tpu.memory_space<semaphore_mem>>) src(%arg9 : memref<56x64xf32, #tpu.memory_space<vmem>>) dst(%dma_wait3A_607 : memref<56x64xf32, #tpu.memory_space<hbm>>)
      } else {
      }
      %parallel_loop3A_431 = arith.constant 0 : i32
      %parallel_loop3A_432 = arith.constant 56 : i32
      %parallel_loop3A_433 = arith.constant 1 : i32
      scf.for %parallel_loop3A_602 = %parallel_loop3A_431 to %parallel_loop3A_432 step %parallel_loop3A_433  : i32 {
        %parallel_loop3A_603 = arith.index_cast %parallel_loop3A_602 : i32 to index
        %parallel_loop3A_604 = arith.constant 0 : index
        %parallel_loop3A_605 = tpu.vector_load %arg6[%parallel_loop3A_603, %parallel_loop3A_604] {strides = array<i32>} : memref<504x64xf32, #tpu.memory_space<vmem>>, vector<1x16xf32>,
        %parallel_loop3A_606 = vector.shape_cast %parallel_loop3A_605 : vector<1x16xf32> to vector<16xf32>
        %parallel_loop3A_607 = arith.constant 56 : i32
        %parallel_loop3A_608 = arith.addi %parallel_loop3A_607, %parallel_loop3A_602 : i32
        %parallel_loop3A_609 = arith.index_cast %parallel_loop3A_608 : i32 to index
        %parallel_loop3A_610 = arith.constant 0 : index
        %parallel_loop3A_611 = tpu.vector_load %arg6[%parallel_loop3A_609, %parallel_loop3A_610] {strides = array<i32>} : memref<504x64xf32, #tpu.memory_space<vmem>>, vector<1x16xf32>,
        %parallel_loop3A_612 = vector.shape_cast %parallel_loop3A_611 : vector<1x16xf32> to vector<16xf32>
        %parallel_loop3A_613 = arith.addf %parallel_loop3A_606, %parallel_loop3A_612 : vector<16xf32>
        %parallel_loop3A_614 = arith.constant 112 : i32
        %parallel_loop3A_615 = arith.addi %parallel_loop3A_614, %parallel_loop3A_602 : i32
        %parallel_loop3A_616 = arith.index_cast %parallel_loop3A_615 : i32 to index
        %parallel_loop3A_617 = arith.constant 0 : index
        %parallel_loop3A_618 = tpu.vector_load %arg6[%parallel_loop3A_616, %parallel_loop3A_617] {strides = array<i32>} : memref<504x64xf32, #tpu.memory_space<vmem>>, vector<1x16xf32>,
        %parallel_loop3A_619 = vector.shape_cast %parallel_loop3A_618 : vector<1x16xf32> to vector<16xf32>
        %parallel_loop3A_620 = arith.addf %parallel_loop3A_613, %parallel_loop3A_619 : vector<16xf32>
        %parallel_loop3A_621 = arith.constant 168 : i32
        %parallel_loop3A_622 = arith.addi %parallel_loop3A_621, %parallel_loop3A_602 : i32
        %parallel_loop3A_623 = arith.index_cast %parallel_loop3A_622 : i32 to index
        %parallel_loop3A_624 = arith.constant 0 : index
        %parallel_loop3A_625 = tpu.vector_load %arg6[%parallel_loop3A_623, %parallel_loop3A_624] {strides = array<i32>} : memref<504x64xf32, #tpu.memory_space<vmem>>, vector<1x16xf32>,
        %parallel_loop3A_626 = vector.shape_cast %parallel_loop3A_625 : vector<1x16xf32> to vector<16xf32>
        %parallel_loop3A_627 = arith.addf %parallel_loop3A_620, %parallel_loop3A_626 : vector<16xf32>
        %parallel_loop3A_628 = arith.constant 224 : i32
        %parallel_loop3A_629 = arith.addi %parallel_loop3A_628, %parallel_loop3A_602 : i32
        %parallel_loop3A_630 = arith.index_cast %parallel_loop3A_629 : i32 to index
        %parallel_loop3A_631 = arith.constant 0 : index
        %parallel_loop3A_632 = tpu.vector_load %arg6[%parallel_loop3A_630, %parallel_loop3A_631] {strides = array<i32>} : memref<504x64xf32, #tpu.memory_space<vmem>>, vector<1x16xf32>,
        %parallel_loop3A_633 = vector.shape_cast %parallel_loop3A_632 : vector<1x16xf32> to vector<16xf32>
        %parallel_loop3A_634 = arith.addf %parallel_loop3A_627, %parallel_loop3A_633 : vector<16xf32>
        %parallel_loop3A_635 = arith.constant 280 : i32
        %parallel_loop3A_636 = arith.addi %parallel_loop3A_635, %parallel_loop3A_602 : i32
        %parallel_loop3A_637 = arith.index_cast %parallel_loop3A_636 : i32 to index
        %parallel_loop3A_638 = arith.constant 0 : index
        %parallel_loop3A_639 = tpu.vector_load %arg6[%parallel_loop3A_637, %parallel_loop3A_638] {strides = array<i32>} : memref<504x64xf32, #tpu.memory_space<vmem>>, vector<1x16xf32>,
        %parallel_loop3A_640 = vector.shape_cast %parallel_loop3A_639 : vector<1x16xf32> to vector<16xf32>
        %parallel_loop3A_641 = arith.addf %parallel_loop3A_634, %parallel_loop3A_640 : vector<16xf32>
        %parallel_loop3A_642 = arith.constant 336 : i32
        %parallel_loop3A_643 = arith.addi %parallel_loop3A_642, %parallel_loop3A_602 : i32
        %parallel_loop3A_644 = arith.index_cast %parallel_loop3A_643 : i32 to index
        %parallel_loop3A_645 = arith.constant 0 : index
        %parallel_loop3A_646 = tpu.vector_load %arg6[%parallel_loop3A_644, %parallel_loop3A_645] {strides = array<i32>} : memref<504x64xf32, #tpu.memory_space<vmem>>, vector<1x16xf32>,
        %parallel_loop3A_647 = vector.shape_cast %parallel_loop3A_646 : vector<1x16xf32> to vector<16xf32>
        %parallel_loop3A_648 = arith.addf %parallel_loop3A_641, %parallel_loop3A_647 : vector<16xf32>
        %parallel_loop3A_649 = arith.constant 392 : i32
        %parallel_loop3A_650 = arith.addi %parallel_loop3A_649, %parallel_loop3A_602 : i32
        %parallel_loop3A_651 = arith.index_cast %parallel_loop3A_650 : i32 to index
        %parallel_loop3A_652 = arith.constant 0 : index
        %parallel_loop3A_653 = tpu.vector_load %arg6[%parallel_loop3A_651, %parallel_loop3A_652] {strides = array<i32>} : memref<504x64xf32, #tpu.memory_space<vmem>>, vector<1x16xf32>,
        %parallel_loop3A_654 = vector.shape_cast %parallel_loop3A_653 : vector<1x16xf32> to vector<16xf32>
        %parallel_loop3A_655 = arith.addf %parallel_loop3A_648, %parallel_loop3A_654 : vector<16xf32>
        %parallel_loop3A_656 = arith.constant 448 : i32
        %parallel_loop3A_657 = arith.addi %parallel_loop3A_656, %parallel_loop3A_602 : i32
        %parallel_loop3A_658 = arith.index_cast %parallel_loop3A_657 : i32 to index
        %parallel_loop3A_659 = arith.constant 0 : index
        %parallel_loop3A_660 = tpu.vector_load %arg6[%parallel_loop3A_658, %parallel_loop3A_659] {strides = array<i32>} : memref<504x64xf32, #tpu.memory_space<vmem>>, vector<1x16xf32>,
        %parallel_loop3A_661 = vector.shape_cast %parallel_loop3A_660 : vector<1x16xf32> to vector<16xf32>
        %parallel_loop3A_662 = arith.addf %parallel_loop3A_655, %parallel_loop3A_661 : vector<16xf32>
        %parallel_loop3A_663 = arith.index_cast %parallel_loop3A_602 : i32 to index
        %parallel_loop3A_664 = arith.constant 0 : index
        %parallel_loop3A_665 = tpu.vector_load %arg9[%parallel_loop3A_663, %parallel_loop3A_664] {strides = array<i32>} : memref<56x64xf32, #tpu.memory_space<vmem>>, vector<1x16xf32>,
        %parallel_loop3A_666 = vector.shape_cast %parallel_loop3A_665 : vector<1x16xf32> to vector<16xf32>
        %parallel_loop3A_667 = vector.shape_cast %parallel_loop3A_662 : vector<16xf32> to vector<1x16xf32>
        tpu.vector_store %arg9[%parallel_loop3A_663, %parallel_loop3A_664], %parallel_loop3A_667 {strides = array<i32>} : memref<56x64xf32, #tpu.memory_space<vmem>>, vector<1x16xf32>,
        %parallel_loop3A_668 = arith.index_cast %parallel_loop3A_602 : i32 to index
        %parallel_loop3A_669 = arith.constant 16 : index
        %parallel_loop3A_670 = tpu.vector_load %arg6[%parallel_loop3A_668, %parallel_loop3A_669] {strides = array<i32>} : memref<504x64xf32, #tpu.memory_space<vmem>>, vector<1x16xf32>,
        %parallel_loop3A_671 = vector.shape_cast %parallel_loop3A_670 : vector<1x16xf32> to vector<16xf32>
        %parallel_loop3A_672 = arith.constant 56 : i32
        %parallel_loop3A_673 = arith.addi %parallel_loop3A_672, %parallel_loop3A_602 : i32
        %parallel_loop3A_674 = arith.index_cast %parallel_loop3A_673 : i32 to index
        %parallel_loop3A_675 = arith.constant 16 : index
        %parallel_loop3A_676 = tpu.vector_load %arg6[%parallel_loop3A_674, %parallel_loop3A_675] {strides = array<i32>} : memref<504x64xf32, #tpu.memory_space<vmem>>, vector<1x16xf32>,
        %parallel_loop3A_677 = vector.shape_cast %parallel_loop3A_676 : vector<1x16xf32> to vector<16xf32>
        %parallel_loop3A_678 = arith.addf %parallel_loop3A_671, %parallel_loop3A_677 : vector<16xf32>
        %parallel_loop3A_679 = arith.constant 112 : i32
        %parallel_loop3A_680 = arith.addi %parallel_loop3A_679, %parallel_loop3A_602 : i32
        %parallel_loop3A_681 = arith.index_cast %parallel_loop3A_680 : i32 to index
        %parallel_loop3A_682 = arith.constant 16 : index
        %parallel_loop3A_683 = tpu.vector_load %arg6[%parallel_loop3A_681, %parallel_loop3A_682] {strides = array<i32>} : memref<504x64xf32, #tpu.memory_space<vmem>>, vector<1x16xf32>,
        %parallel_loop3A_684 = vector.shape_cast %parallel_loop3A_683 : vector<1x16xf32> to vector<16xf32>
        %parallel_loop3A_685 = arith.addf %parallel_loop3A_678, %parallel_loop3A_684 : vector<16xf32>
        %parallel_loop3A_686 = arith.constant 168 : i32
        %parallel_loop3A_687 = arith.addi %parallel_loop3A_686, %parallel_loop3A_602 : i32
        %parallel_loop3A_688 = arith.index_cast %parallel_loop3A_687 : i32 to index
        %parallel_loop3A_689 = arith.constant 16 : index
        %parallel_loop3A_690 = tpu.vector_load %arg6[%parallel_loop3A_688, %parallel_loop3A_689] {strides = array<i32>} : memref<504x64xf32, #tpu.memory_space<vmem>>, vector<1x16xf32>,
        %parallel_loop3A_691 = vector.shape_cast %parallel_loop3A_690 : vector<1x16xf32> to vector<16xf32>
        %parallel_loop3A_692 = arith.addf %parallel_loop3A_685, %parallel_loop3A_691 : vector<16xf32>
        %parallel_loop3A_693 = arith.constant 224 : i32
        %parallel_loop3A_694 = arith.addi %parallel_loop3A_693, %parallel_loop3A_602 : i32
        %parallel_loop3A_695 = arith.index_cast %parallel_loop3A_694 : i32 to index
        %parallel_loop3A_696 = arith.constant 16 : index
        %parallel_loop3A_697 = tpu.vector_load %arg6[%parallel_loop3A_695, %parallel_loop3A_696] {strides = array<i32>} : memref<504x64xf32, #tpu.memory_space<vmem>>, vector<1x16xf32>,
        %parallel_loop3A_698 = vector.shape_cast %parallel_loop3A_697 : vector<1x16xf32> to vector<16xf32>
        %parallel_loop3A_699 = arith.addf %parallel_loop3A_692, %parallel_loop3A_698 : vector<16xf32>
        %parallel_loop3A_700 = arith.constant 280 : i32
        %parallel_loop3A_701 = arith.addi %parallel_loop3A_700, %parallel_loop3A_602 : i32
        %parallel_loop3A_702 = arith.index_cast %parallel_loop3A_701 : i32 to index
        %parallel_loop3A_703 = arith.constant 16 : index
        %parallel_loop3A_704 = tpu.vector_load %arg6[%parallel_loop3A_702, %parallel_loop3A_703] {strides = array<i32>} : memref<504x64xf32, #tpu.memory_space<vmem>>, vector<1x16xf32>,
        %parallel_loop3A_705 = vector.shape_cast %parallel_loop3A_704 : vector<1x16xf32> to vector<16xf32>
        %parallel_loop3A_706 = arith.addf %parallel_loop3A_699, %parallel_loop3A_705 : vector<16xf32>
        %parallel_loop3A_707 = arith.constant 336 : i32
        %parallel_loop3A_708 = arith.addi %parallel_loop3A_707, %parallel_loop3A_602 : i32
        %parallel_loop3A_709 = arith.index_cast %parallel_loop3A_708 : i32 to index
        %parallel_loop3A_710 = arith.constant 16 : index
        %parallel_loop3A_711 = tpu.vector_load %arg6[%parallel_loop3A_709, %parallel_loop3A_710] {strides = array<i32>} : memref<504x64xf32, #tpu.memory_space<vmem>>, vector<1x16xf32>,
        %parallel_loop3A_712 = vector.shape_cast %parallel_loop3A_711 : vector<1x16xf32> to vector<16xf32>
        %parallel_loop3A_713 = arith.addf %parallel_loop3A_706, %parallel_loop3A_712 : vector<16xf32>
        %parallel_loop3A_714 = arith.constant 392 : i32
        %parallel_loop3A_715 = arith.addi %parallel_loop3A_714, %parallel_loop3A_602 : i32
        %parallel_loop3A_716 = arith.index_cast %parallel_loop3A_715 : i32 to index
        %parallel_loop3A_717 = arith.constant 16 : index
        %parallel_loop3A_718 = tpu.vector_load %arg6[%parallel_loop3A_716, %parallel_loop3A_717] {strides = array<i32>} : memref<504x64xf32, #tpu.memory_space<vmem>>, vector<1x16xf32>,
        %parallel_loop3A_719 = vector.shape_cast %parallel_loop3A_718 : vector<1x16xf32> to vector<16xf32>
        %parallel_loop3A_720 = arith.addf %parallel_loop3A_713, %parallel_loop3A_719 : vector<16xf32>
        %parallel_loop3A_721 = arith.constant 448 : i32
        %parallel_loop3A_722 = arith.addi %parallel_loop3A_721, %parallel_loop3A_602 : i32
        %parallel_loop3A_723 = arith.index_cast %parallel_loop3A_722 : i32 to index
        %parallel_loop3A_724 = arith.constant 16 : index
        %parallel_loop3A_725 = tpu.vector_load %arg6[%parallel_loop3A_723, %parallel_loop3A_724] {strides = array<i32>} : memref<504x64xf32, #tpu.memory_space<vmem>>, vector<1x16xf32>,
        %parallel_loop3A_726 = vector.shape_cast %parallel_loop3A_725 : vector<1x16xf32> to vector<16xf32>
        %parallel_loop3A_727 = arith.addf %parallel_loop3A_720, %parallel_loop3A_726 : vector<16xf32>
        %parallel_loop3A_728 = arith.index_cast %parallel_loop3A_602 : i32 to index
        %parallel_loop3A_729 = arith.constant 16 : index
        %parallel_loop3A_730 = tpu.vector_load %arg9[%parallel_loop3A_728, %parallel_loop3A_729] {strides = array<i32>} : memref<56x64xf32, #tpu.memory_space<vmem>>, vector<1x16xf32>,
        %parallel_loop3A_731 = vector.shape_cast %parallel_loop3A_730 : vector<1x16xf32> to vector<16xf32>
        %parallel_loop3A_732 = vector.shape_cast %parallel_loop3A_727 : vector<16xf32> to vector<1x16xf32>
        tpu.vector_store %arg9[%parallel_loop3A_728, %parallel_loop3A_729], %parallel_loop3A_732 {strides = array<i32>} : memref<56x64xf32, #tpu.memory_space<vmem>>, vector<1x16xf32>,
        %parallel_loop3A_733 = arith.index_cast %parallel_loop3A_602 : i32 to index
        %parallel_loop3A_734 = arith.constant 32 : index
        %parallel_loop3A_735 = tpu.vector_load %arg6[%parallel_loop3A_733, %parallel_loop3A_734] {strides = array<i32>} : memref<504x64xf32, #tpu.memory_space<vmem>>, vector<1x16xf32>,
        %parallel_loop3A_736 = vector.shape_cast %parallel_loop3A_735 : vector<1x16xf32> to vector<16xf32>
        %parallel_loop3A_737 = arith.constant 56 : i32
        %parallel_loop3A_738 = arith.addi %parallel_loop3A_737, %parallel_loop3A_602 : i32
        %parallel_loop3A_739 = arith.index_cast %parallel_loop3A_738 : i32 to index
        %parallel_loop3A_740 = arith.constant 32 : index
        %parallel_loop3A_741 = tpu.vector_load %arg6[%parallel_loop3A_739, %parallel_loop3A_740] {strides = array<i32>} : memref<504x64xf32, #tpu.memory_space<vmem>>, vector<1x16xf32>,
        %parallel_loop3A_742 = vector.shape_cast %parallel_loop3A_741 : vector<1x16xf32> to vector<16xf32>
        %parallel_loop3A_743 = arith.addf %parallel_loop3A_736, %parallel_loop3A_742 : vector<16xf32>
        %parallel_loop3A_744 = arith.constant 112 : i32
        %parallel_loop3A_745 = arith.addi %parallel_loop3A_744, %parallel_loop3A_602 : i32
        %parallel_loop3A_746 = arith.index_cast %parallel_loop3A_745 : i32 to index
        %parallel_loop3A_747 = arith.constant 32 : index
        %parallel_loop3A_748 = tpu.vector_load %arg6[%parallel_loop3A_746, %parallel_loop3A_747] {strides = array<i32>} : memref<504x64xf32, #tpu.memory_space<vmem>>, vector<1x16xf32>,
        %parallel_loop3A_749 = vector.shape_cast %parallel_loop3A_748 : vector<1x16xf32> to vector<16xf32>
        %parallel_loop3A_750 = arith.addf %parallel_loop3A_743, %parallel_loop3A_749 : vector<16xf32>
        %parallel_loop3A_751 = arith.constant 168 : i32
        %parallel_loop3A_752 = arith.addi %parallel_loop3A_751, %parallel_loop3A_602 : i32
        %parallel_loop3A_753 = arith.index_cast %parallel_loop3A_752 : i32 to index
        %parallel_loop3A_754 = arith.constant 32 : index
        %parallel_loop3A_755 = tpu.vector_load %arg6[%parallel_loop3A_753, %parallel_loop3A_754] {strides = array<i32>} : memref<504x64xf32, #tpu.memory_space<vmem>>, vector<1x16xf32>,
        %parallel_loop3A_756 = vector.shape_cast %parallel_loop3A_755 : vector<1x16xf32> to vector<16xf32>
        %parallel_loop3A_757 = arith.addf %parallel_loop3A_750, %parallel_loop3A_756 : vector<16xf32>
        %parallel_loop3A_758 = arith.constant 224 : i32
        %parallel_loop3A_759 = arith.addi %parallel_loop3A_758, %parallel_loop3A_602 : i32
        %parallel_loop3A_760 = arith.index_cast %parallel_loop3A_759 : i32 to index
        %parallel_loop3A_761 = arith.constant 32 : index
        %parallel_loop3A_762 = tpu.vector_load %arg6[%parallel_loop3A_760, %parallel_loop3A_761] {strides = array<i32>} : memref<504x64xf32, #tpu.memory_space<vmem>>, vector<1x16xf32>,
        %parallel_loop3A_763 = vector.shape_cast %parallel_loop3A_762 : vector<1x16xf32> to vector<16xf32>
        %parallel_loop3A_764 = arith.addf %parallel_loop3A_757, %parallel_loop3A_763 : vector<16xf32>
        %parallel_loop3A_765 = arith.constant 280 : i32
        %parallel_loop3A_766 = arith.addi %parallel_loop3A_765, %parallel_loop3A_602 : i32
        %parallel_loop3A_767 = arith.index_cast %parallel_loop3A_766 : i32 to index
        %parallel_loop3A_768 = arith.constant 32 : index
        %parallel_loop3A_769 = tpu.vector_load %arg6[%parallel_loop3A_767, %parallel_loop3A_768] {strides = array<i32>} : memref<504x64xf32, #tpu.memory_space<vmem>>, vector<1x16xf32>,
        %parallel_loop3A_770 = vector.shape_cast %parallel_loop3A_769 : vector<1x16xf32> to vector<16xf32>
        %parallel_loop3A_771 = arith.addf %parallel_loop3A_764, %parallel_loop3A_770 : vector<16xf32>
        %parallel_loop3A_772 = arith.constant 336 : i32
        %parallel_loop3A_773 = arith.addi %parallel_loop3A_772, %parallel_loop3A_602 : i32
        %parallel_loop3A_774 = arith.index_cast %parallel_loop3A_773 : i32 to index
        %parallel_loop3A_775 = arith.constant 32 : index
        %parallel_loop3A_776 = tpu.vector_load %arg6[%parallel_loop3A_774, %parallel_loop3A_775] {strides = array<i32>} : memref<504x64xf32, #tpu.memory_space<vmem>>, vector<1x16xf32>,
        %parallel_loop3A_777 = vector.shape_cast %parallel_loop3A_776 : vector<1x16xf32> to vector<16xf32>
        %parallel_loop3A_778 = arith.addf %parallel_loop3A_771, %parallel_loop3A_777 : vector<16xf32>
        %parallel_loop3A_779 = arith.constant 392 : i32
        %parallel_loop3A_780 = arith.addi %parallel_loop3A_779, %parallel_loop3A_602 : i32
        %parallel_loop3A_781 = arith.index_cast %parallel_loop3A_780 : i32 to index
        %parallel_loop3A_782 = arith.constant 32 : index
        %parallel_loop3A_783 = tpu.vector_load %arg6[%parallel_loop3A_781, %parallel_loop3A_782] {strides = array<i32>} : memref<504x64xf32, #tpu.memory_space<vmem>>, vector<1x16xf32>,
        %parallel_loop3A_784 = vector.shape_cast %parallel_loop3A_783 : vector<1x16xf32> to vector<16xf32>
        %parallel_loop3A_785 = arith.addf %parallel_loop3A_778, %parallel_loop3A_784 : vector<16xf32>
        %parallel_loop3A_786 = arith.constant 448 : i32
        %parallel_loop3A_787 = arith.addi %parallel_loop3A_786, %parallel_loop3A_602 : i32
        %parallel_loop3A_788 = arith.index_cast %parallel_loop3A_787 : i32 to index
        %parallel_loop3A_789 = arith.constant 32 : index
        %parallel_loop3A_790 = tpu.vector_load %arg6[%parallel_loop3A_788, %parallel_loop3A_789] {strides = array<i32>} : memref<504x64xf32, #tpu.memory_space<vmem>>, vector<1x16xf32>,
        %parallel_loop3A_791 = vector.shape_cast %parallel_loop3A_790 : vector<1x16xf32> to vector<16xf32>
        %parallel_loop3A_792 = arith.addf %parallel_loop3A_785, %parallel_loop3A_791 : vector<16xf32>
        %parallel_loop3A_793 = arith.index_cast %parallel_loop3A_602 : i32 to index
        %parallel_loop3A_794 = arith.constant 32 : index
        %parallel_loop3A_795 = tpu.vector_load %arg9[%parallel_loop3A_793, %parallel_loop3A_794] {strides = array<i32>} : memref<56x64xf32, #tpu.memory_space<vmem>>, vector<1x16xf32>,
        %parallel_loop3A_796 = vector.shape_cast %parallel_loop3A_795 : vector<1x16xf32> to vector<16xf32>
        %parallel_loop3A_797 = vector.shape_cast %parallel_loop3A_792 : vector<16xf32> to vector<1x16xf32>
        tpu.vector_store %arg9[%parallel_loop3A_793, %parallel_loop3A_794], %parallel_loop3A_797 {strides = array<i32>} : memref<56x64xf32, #tpu.memory_space<vmem>>, vector<1x16xf32>,
        %parallel_loop3A_798 = arith.index_cast %parallel_loop3A_602 : i32 to index
        %parallel_loop3A_799 = arith.constant 48 : index
        %parallel_loop3A_800 = tpu.vector_load %arg6[%parallel_loop3A_798, %parallel_loop3A_799] {strides = array<i32>} : memref<504x64xf32, #tpu.memory_space<vmem>>, vector<1x16xf32>,
        %parallel_loop3A_801 = vector.shape_cast %parallel_loop3A_800 : vector<1x16xf32> to vector<16xf32>
        %parallel_loop3A_802 = arith.constant 56 : i32
        %parallel_loop3A_803 = arith.addi %parallel_loop3A_802, %parallel_loop3A_602 : i32
        %parallel_loop3A_804 = arith.index_cast %parallel_loop3A_803 : i32 to index
        %parallel_loop3A_805 = arith.constant 48 : index
        %parallel_loop3A_806 = tpu.vector_load %arg6[%parallel_loop3A_804, %parallel_loop3A_805] {strides = array<i32>} : memref<504x64xf32, #tpu.memory_space<vmem>>, vector<1x16xf32>,
        %parallel_loop3A_807 = vector.shape_cast %parallel_loop3A_806 : vector<1x16xf32> to vector<16xf32>
        %parallel_loop3A_808 = arith.addf %parallel_loop3A_801, %parallel_loop3A_807 : vector<16xf32>
        %parallel_loop3A_809 = arith.constant 112 : i32
        %parallel_loop3A_810 = arith.addi %parallel_loop3A_809, %parallel_loop3A_602 : i32
        %parallel_loop3A_811 = arith.index_cast %parallel_loop3A_810 : i32 to index
        %parallel_loop3A_812 = arith.constant 48 : index
        %parallel_loop3A_813 = tpu.vector_load %arg6[%parallel_loop3A_811, %parallel_loop3A_812] {strides = array<i32>} : memref<504x64xf32, #tpu.memory_space<vmem>>, vector<1x16xf32>,
        %parallel_loop3A_814 = vector.shape_cast %parallel_loop3A_813 : vector<1x16xf32> to vector<16xf32>
        %parallel_loop3A_815 = arith.addf %parallel_loop3A_808, %parallel_loop3A_814 : vector<16xf32>
        %parallel_loop3A_816 = arith.constant 168 : i32
        %parallel_loop3A_817 = arith.addi %parallel_loop3A_816, %parallel_loop3A_602 : i32
        %parallel_loop3A_818 = arith.index_cast %parallel_loop3A_817 : i32 to index
        %parallel_loop3A_819 = arith.constant 48 : index
        %parallel_loop3A_820 = tpu.vector_load %arg6[%parallel_loop3A_818, %parallel_loop3A_819] {strides = array<i32>} : memref<504x64xf32, #tpu.memory_space<vmem>>, vector<1x16xf32>,
        %parallel_loop3A_821 = vector.shape_cast %parallel_loop3A_820 : vector<1x16xf32> to vector<16xf32>
        %parallel_loop3A_822 = arith.addf %parallel_loop3A_815, %parallel_loop3A_821 : vector<16xf32>
        %parallel_loop3A_823 = arith.constant 224 : i32
        %parallel_loop3A_824 = arith.addi %parallel_loop3A_823, %parallel_loop3A_602 : i32
        %parallel_loop3A_825 = arith.index_cast %parallel_loop3A_824 : i32 to index
        %parallel_loop3A_826 = arith.constant 48 : index
        %parallel_loop3A_827 = tpu.vector_load %arg6[%parallel_loop3A_825, %parallel_loop3A_826] {strides = array<i32>} : memref<504x64xf32, #tpu.memory_space<vmem>>, vector<1x16xf32>,
        %parallel_loop3A_828 = vector.shape_cast %parallel_loop3A_827 : vector<1x16xf32> to vector<16xf32>
        %parallel_loop3A_829 = arith.addf %parallel_loop3A_822, %parallel_loop3A_828 : vector<16xf32>
        %parallel_loop3A_830 = arith.constant 280 : i32
        %parallel_loop3A_831 = arith.addi %parallel_loop3A_830, %parallel_loop3A_602 : i32
        %parallel_loop3A_832 = arith.index_cast %parallel_loop3A_831 : i32 to index
        %parallel_loop3A_833 = arith.constant 48 : index
        %parallel_loop3A_834 = tpu.vector_load %arg6[%parallel_loop3A_832, %parallel_loop3A_833] {strides = array<i32>} : memref<504x64xf32, #tpu.memory_space<vmem>>, vector<1x16xf32>,
        %parallel_loop3A_835 = vector.shape_cast %parallel_loop3A_834 : vector<1x16xf32> to vector<16xf32>
        %parallel_loop3A_836 = arith.addf %parallel_loop3A_829, %parallel_loop3A_835 : vector<16xf32>
        %parallel_loop3A_837 = arith.constant 336 : i32
        %parallel_loop3A_838 = arith.addi %parallel_loop3A_837, %parallel_loop3A_602 : i32
        %parallel_loop3A_839 = arith.index_cast %parallel_loop3A_838 : i32 to index
        %parallel_loop3A_840 = arith.constant 48 : index
        %parallel_loop3A_841 = tpu.vector_load %arg6[%parallel_loop3A_839, %parallel_loop3A_840] {strides = array<i32>} : memref<504x64xf32, #tpu.memory_space<vmem>>, vector<1x16xf32>,
        %parallel_loop3A_842 = vector.shape_cast %parallel_loop3A_841 : vector<1x16xf32> to vector<16xf32>
        %parallel_loop3A_843 = arith.addf %parallel_loop3A_836, %parallel_loop3A_842 : vector<16xf32>
        %parallel_loop3A_844 = arith.constant 392 : i32
        %parallel_loop3A_845 = arith.addi %parallel_loop3A_844, %parallel_loop3A_602 : i32
        %parallel_loop3A_846 = arith.index_cast %parallel_loop3A_845 : i32 to index
        %parallel_loop3A_847 = arith.constant 48 : index
        %parallel_loop3A_848 = tpu.vector_load %arg6[%parallel_loop3A_846, %parallel_loop3A_847] {strides = array<i32>} : memref<504x64xf32, #tpu.memory_space<vmem>>, vector<1x16xf32>,
        %parallel_loop3A_849 = vector.shape_cast %parallel_loop3A_848 : vector<1x16xf32> to vector<16xf32>
        %parallel_loop3A_850 = arith.addf %parallel_loop3A_843, %parallel_loop3A_849 : vector<16xf32>
        %parallel_loop3A_851 = arith.constant 448 : i32
        %parallel_loop3A_852 = arith.addi %parallel_loop3A_851, %parallel_loop3A_602 : i32
        %parallel_loop3A_853 = arith.index_cast %parallel_loop3A_852 : i32 to index
        %parallel_loop3A_854 = arith.constant 48 : index
        %parallel_loop3A_855 = tpu.vector_load %arg6[%parallel_loop3A_853, %parallel_loop3A_854] {strides = array<i32>} : memref<504x64xf32, #tpu.memory_space<vmem>>, vector<1x16xf32>,
        %parallel_loop3A_856 = vector.shape_cast %parallel_loop3A_855 : vector<1x16xf32> to vector<16xf32>
        %parallel_loop3A_857 = arith.addf %parallel_loop3A_850, %parallel_loop3A_856 : vector<16xf32>
        %parallel_loop3A_858 = arith.index_cast %parallel_loop3A_602 : i32 to index
        %parallel_loop3A_859 = arith.constant 48 : index
        %parallel_loop3A_860 = tpu.vector_load %arg9[%parallel_loop3A_858, %parallel_loop3A_859] {strides = array<i32>} : memref<56x64xf32, #tpu.memory_space<vmem>>, vector<1x16xf32>,
        %parallel_loop3A_861 = vector.shape_cast %parallel_loop3A_860 : vector<1x16xf32> to vector<16xf32>
        %parallel_loop3A_862 = vector.shape_cast %parallel_loop3A_857 : vector<16xf32> to vector<1x16xf32>
        tpu.vector_store %arg9[%parallel_loop3A_858, %parallel_loop3A_859], %parallel_loop3A_862 {strides = array<i32>} : memref<56x64xf32, #tpu.memory_space<vmem>>, vector<1x16xf32>,
      } {sc.loop_unroll_factor = 1 : i64, sc.parallel_access}
      %mul3A_434 = arith.constant 56 : i32
      %mul3A_435 = arith.muli %add3A_422, %mul3A_434 : i32
      %add3A_436 = arith.addi %select_n3A, %mul3A_435 : i32
      %dma_start3A_437 = arith.constant 0 : i32
      %dma_start3A_438 = tpu.memref_slice %arg4[%add3A_436, %dma_start3A_437] : memref<50000x64xf32, #tpu.memory_space<hbm>> -> memref<56x64xf32, #tpu.memory_space<hbm>>
      %dma_start3A_439 = arith.constant 0 : i32
      %dma_start3A_440 = tpu.memref_slice %arg4[%add3A_436, %dma_start3A_439] : memref<50000x64xf32, #tpu.memory_space<hbm>> -> memref<56x64xf32, #tpu.memory_space<hbm>>
      tpu.enqueue_dma source(%arg9 : memref<56x64xf32, #tpu.memory_space<vmem>>) target(%dma_start3A_440 : memref<56x64xf32, #tpu.memory_space<hbm>>) target_semaphore(%arg16 : memref<!tpu.dma_semaphore, #tpu.memory_space<semaphore_mem>>)
      %add3A_441 = arith.constant 3 : i32
      %add3A_442 = arith.addi %add3A_422, %add3A_441 : i32
      %mul3A_443 = arith.constant 56 : i32
      %mul3A_444 = arith.muli %add3A_442, %mul3A_443 : i32
      %dma_start3A_445 = arith.constant 0 : i32
      %dma_start3A_446 = arith.constant 0 : i32
      %dma_start3A_447 = arith.constant 0 : i32
      %dma_start3A_448 = tpu.memref_slice %arg6[%dma_start3A_446, %dma_start3A_447] : memref<504x64xf32, #tpu.memory_space<vmem>> -> memref<56x64xf32, #tpu.memory_space<vmem>>
      %dma_start3A_449 = tpu.memref_slice %arg5[%dma_start3A_445, %mul3A_444] : memref<9x1568xi32, #tpu.memory_space<vmem>> -> memref<1x56xi32, #tpu.memory_space<vmem>>
      %dma_start3A_450 = tpu.memref_squeeze %dma_start3A_449 : memref<1x56xi32, #tpu.memory_space<vmem>> -> memref<56xi32, #tpu.memory_space<vmem>>
      %dma_start3A_451 = arith.constant 0 : i32
      %dma_start3A_452 = arith.constant 0 : i32
      %dma_start3A_453 = tpu.memref_slice %arg2[%dma_start3A_451, %dma_start3A_452] : memref<90000x64xf32, #tpu.memory_space<hbm>> -> memref<90000x64xf32, #tpu.memory_space<hbm>>
      tpu.enqueue_indirect_dma source(%dma_start3A_453 : memref<90000x64xf32, #tpu.memory_space<hbm>>) target(%dma_start3A_448 : memref<56x64xf32, #tpu.memory_space<vmem>>) offsets(%dma_start3A_450 : memref<56xi32, #tpu.memory_space<vmem>>) semaphore(%arg13 : memref<!tpu.dma_semaphore, #tpu.memory_space<semaphore_mem>>)
      %mul3A_454 = arith.constant 56 : i32
      %mul3A_455 = arith.muli %add3A_442, %mul3A_454 : i32
      %dma_start3A_456 = arith.constant 1 : i32
      %dma_start3A_457 = arith.constant 56 : i32
      %dma_start3A_458 = arith.constant 0 : i32
      %dma_start3A_459 = tpu.memref_slice %arg6[%dma_start3A_457, %dma_start3A_458] : memref<504x64xf32, #tpu.memory_space<vmem>> -> memref<56x64xf32, #tpu.memory_space<vmem>>
      %dma_start3A_460 = tpu.memref_slice %arg5[%dma_start3A_456, %mul3A_455] : memref<9x1568xi32, #tpu.memory_space<vmem>> -> memref<1x56xi32, #tpu.memory_space<vmem>>
      %dma_start3A_461 = tpu.memref_squeeze %dma_start3A_460 : memref<1x56xi32, #tpu.memory_space<vmem>> -> memref<56xi32, #tpu.memory_space<vmem>>
      %dma_start3A_462 = arith.constant 0 : i32
      %dma_start3A_463 = arith.constant 0 : i32
      %dma_start3A_464 = tpu.memref_slice %arg2[%dma_start3A_462, %dma_start3A_463] : memref<90000x64xf32, #tpu.memory_space<hbm>> -> memref<90000x64xf32, #tpu.memory_space<hbm>>
      tpu.enqueue_indirect_dma source(%dma_start3A_464 : memref<90000x64xf32, #tpu.memory_space<hbm>>) target(%dma_start3A_459 : memref<56x64xf32, #tpu.memory_space<vmem>>) offsets(%dma_start3A_461 : memref<56xi32, #tpu.memory_space<vmem>>) semaphore(%arg13 : memref<!tpu.dma_semaphore, #tpu.memory_space<semaphore_mem>>)
      %mul3A_465 = arith.constant 56 : i32
      %mul3A_466 = arith.muli %add3A_442, %mul3A_465 : i32
      %dma_start3A_467 = arith.constant 2 : i32
      %dma_start3A_468 = arith.constant 112 : i32
      %dma_start3A_469 = arith.constant 0 : i32
      %dma_start3A_470 = tpu.memref_slice %arg6[%dma_start3A_468, %dma_start3A_469] : memref<504x64xf32, #tpu.memory_space<vmem>> -> memref<56x64xf32, #tpu.memory_space<vmem>>
      %dma_start3A_471 = tpu.memref_slice %arg5[%dma_start3A_467, %mul3A_466] : memref<9x1568xi32, #tpu.memory_space<vmem>> -> memref<1x56xi32, #tpu.memory_space<vmem>>
      %dma_start3A_472 = tpu.memref_squeeze %dma_start3A_471 : memref<1x56xi32, #tpu.memory_space<vmem>> -> memref<56xi32, #tpu.memory_space<vmem>>
      %dma_start3A_473 = arith.constant 0 : i32
      %dma_start3A_474 = arith.constant 0 : i32
      %dma_start3A_475 = tpu.memref_slice %arg2[%dma_start3A_473, %dma_start3A_474] : memref<90000x64xf32, #tpu.memory_space<hbm>> -> memref<90000x64xf32, #tpu.memory_space<hbm>>
      tpu.enqueue_indirect_dma source(%dma_start3A_475 : memref<90000x64xf32, #tpu.memory_space<hbm>>) target(%dma_start3A_470 : memref<56x64xf32, #tpu.memory_space<vmem>>) offsets(%dma_start3A_472 : memref<56xi32, #tpu.memory_space<vmem>>) semaphore(%arg13 : memref<!tpu.dma_semaphore, #tpu.memory_space<semaphore_mem>>)
      %mul3A_476 = arith.constant 56 : i32
      %mul3A_477 = arith.muli %add3A_442, %mul3A_476 : i32
      %dma_start3A_478 = arith.constant 3 : i32
      %dma_start3A_479 = arith.constant 168 : i32
      %dma_start3A_480 = arith.constant 0 : i32
      %dma_start3A_481 = tpu.memref_slice %arg6[%dma_start3A_479, %dma_start3A_480] : memref<504x64xf32, #tpu.memory_space<vmem>> -> memref<56x64xf32, #tpu.memory_space<vmem>>
      %dma_start3A_482 = tpu.memref_slice %arg5[%dma_start3A_478, %mul3A_477] : memref<9x1568xi32, #tpu.memory_space<vmem>> -> memref<1x56xi32, #tpu.memory_space<vmem>>
      %dma_start3A_483 = tpu.memref_squeeze %dma_start3A_482 : memref<1x56xi32, #tpu.memory_space<vmem>> -> memref<56xi32, #tpu.memory_space<vmem>>
      %dma_start3A_484 = arith.constant 0 : i32
      %dma_start3A_485 = arith.constant 0 : i32
      %dma_start3A_486 = tpu.memref_slice %arg2[%dma_start3A_484, %dma_start3A_485] : memref<90000x64xf32, #tpu.memory_space<hbm>> -> memref<90000x64xf32, #tpu.memory_space<hbm>>
      tpu.enqueue_indirect_dma source(%dma_start3A_486 : memref<90000x64xf32, #tpu.memory_space<hbm>>) target(%dma_start3A_481 : memref<56x64xf32, #tpu.memory_space<vmem>>) offsets(%dma_start3A_483 : memref<56xi32, #tpu.memory_space<vmem>>) semaphore(%arg13 : memref<!tpu.dma_semaphore, #tpu.memory_space<semaphore_mem>>)
      %mul3A_487 = arith.constant 56 : i32
      %mul3A_488 = arith.muli %add3A_442, %mul3A_487 : i32
      %dma_start3A_489 = arith.constant 4 : i32
      %dma_start3A_490 = arith.constant 224 : i32
      %dma_start3A_491 = arith.constant 0 : i32
      %dma_start3A_492 = tpu.memref_slice %arg6[%dma_start3A_490, %dma_start3A_491] : memref<504x64xf32, #tpu.memory_space<vmem>> -> memref<56x64xf32, #tpu.memory_space<vmem>>
      %dma_start3A_493 = tpu.memref_slice %arg5[%dma_start3A_489, %mul3A_488] : memref<9x1568xi32, #tpu.memory_space<vmem>> -> memref<1x56xi32, #tpu.memory_space<vmem>>
      %dma_start3A_494 = tpu.memref_squeeze %dma_start3A_493 : memref<1x56xi32, #tpu.memory_space<vmem>> -> memref<56xi32, #tpu.memory_space<vmem>>
      %dma_start3A_495 = arith.constant 0 : i32
      %dma_start3A_496 = arith.constant 0 : i32
      %dma_start3A_497 = tpu.memref_slice %arg2[%dma_start3A_495, %dma_start3A_496] : memref<90000x64xf32, #tpu.memory_space<hbm>> -> memref<90000x64xf32, #tpu.memory_space<hbm>>
      tpu.enqueue_indirect_dma source(%dma_start3A_497 : memref<90000x64xf32, #tpu.memory_space<hbm>>) target(%dma_start3A_492 : memref<56x64xf32, #tpu.memory_space<vmem>>) offsets(%dma_start3A_494 : memref<56xi32, #tpu.memory_space<vmem>>) semaphore(%arg13 : memref<!tpu.dma_semaphore, #tpu.memory_space<semaphore_mem>>)
      %mul3A_498 = arith.constant 56 : i32
      %mul3A_499 = arith.muli %add3A_442, %mul3A_498 : i32
      %dma_start3A_500 = arith.constant 5 : i32
      %dma_start3A_501 = arith.constant 280 : i32
      %dma_start3A_502 = arith.constant 0 : i32
      %dma_start3A_503 = tpu.memref_slice %arg6[%dma_start3A_501, %dma_start3A_502] : memref<504x64xf32, #tpu.memory_space<vmem>> -> memref<56x64xf32, #tpu.memory_space<vmem>>
      %dma_start3A_504 = tpu.memref_slice %arg5[%dma_start3A_500, %mul3A_499] : memref<9x1568xi32, #tpu.memory_space<vmem>> -> memref<1x56xi32, #tpu.memory_space<vmem>>
      %dma_start3A_505 = tpu.memref_squeeze %dma_start3A_504 : memref<1x56xi32, #tpu.memory_space<vmem>> -> memref<56xi32, #tpu.memory_space<vmem>>
      %dma_start3A_506 = arith.constant 0 : i32
      %dma_start3A_507 = arith.constant 0 : i32
      %dma_start3A_508 = tpu.memref_slice %arg2[%dma_start3A_506, %dma_start3A_507] : memref<90000x64xf32, #tpu.memory_space<hbm>> -> memref<90000x64xf32, #tpu.memory_space<hbm>>
      tpu.enqueue_indirect_dma source(%dma_start3A_508 : memref<90000x64xf32, #tpu.memory_space<hbm>>) target(%dma_start3A_503 : memref<56x64xf32, #tpu.memory_space<vmem>>) offsets(%dma_start3A_505 : memref<56xi32, #tpu.memory_space<vmem>>) semaphore(%arg13 : memref<!tpu.dma_semaphore, #tpu.memory_space<semaphore_mem>>)
      %mul3A_509 = arith.constant 56 : i32
      %mul3A_510 = arith.muli %add3A_442, %mul3A_509 : i32
      %dma_start3A_511 = arith.constant 6 : i32
      %dma_start3A_512 = arith.constant 336 : i32
      %dma_start3A_513 = arith.constant 0 : i32
      %dma_start3A_514 = tpu.memref_slice %arg6[%dma_start3A_512, %dma_start3A_513] : memref<504x64xf32, #tpu.memory_space<vmem>> -> memref<56x64xf32, #tpu.memory_space<vmem>>
      %dma_start3A_515 = tpu.memref_slice %arg5[%dma_start3A_511, %mul3A_510] : memref<9x1568xi32, #tpu.memory_space<vmem>> -> memref<1x56xi32, #tpu.memory_space<vmem>>
      %dma_start3A_516 = tpu.memref_squeeze %dma_start3A_515 : memref<1x56xi32, #tpu.memory_space<vmem>> -> memref<56xi32, #tpu.memory_space<vmem>>
      %dma_start3A_517 = arith.constant 0 : i32
      %dma_start3A_518 = arith.constant 0 : i32
      %dma_start3A_519 = tpu.memref_slice %arg2[%dma_start3A_517, %dma_start3A_518] : memref<90000x64xf32, #tpu.memory_space<hbm>> -> memref<90000x64xf32, #tpu.memory_space<hbm>>
      tpu.enqueue_indirect_dma source(%dma_start3A_519 : memref<90000x64xf32, #tpu.memory_space<hbm>>) target(%dma_start3A_514 : memref<56x64xf32, #tpu.memory_space<vmem>>) offsets(%dma_start3A_516 : memref<56xi32, #tpu.memory_space<vmem>>) semaphore(%arg13 : memref<!tpu.dma_semaphore, #tpu.memory_space<semaphore_mem>>)
      %mul3A_520 = arith.constant 56 : i32
      %mul3A_521 = arith.muli %add3A_442, %mul3A_520 : i32
      %dma_start3A_522 = arith.constant 7 : i32
      %dma_start3A_523 = arith.constant 392 : i32
      %dma_start3A_524 = arith.constant 0 : i32
      %dma_start3A_525 = tpu.memref_slice %arg6[%dma_start3A_523, %dma_start3A_524] : memref<504x64xf32, #tpu.memory_space<vmem>> -> memref<56x64xf32, #tpu.memory_space<vmem>>
      %dma_start3A_526 = tpu.memref_slice %arg5[%dma_start3A_522, %mul3A_521] : memref<9x1568xi32, #tpu.memory_space<vmem>> -> memref<1x56xi32, #tpu.memory_space<vmem>>
      %dma_start3A_527 = tpu.memref_squeeze %dma_start3A_526 : memref<1x56xi32, #tpu.memory_space<vmem>> -> memref<56xi32, #tpu.memory_space<vmem>>
      %dma_start3A_528 = arith.constant 0 : i32
      %dma_start3A_529 = arith.constant 0 : i32
      %dma_start3A_530 = tpu.memref_slice %arg2[%dma_start3A_528, %dma_start3A_529] : memref<90000x64xf32, #tpu.memory_space<hbm>> -> memref<90000x64xf32, #tpu.memory_space<hbm>>
      tpu.enqueue_indirect_dma source(%dma_start3A_530 : memref<90000x64xf32, #tpu.memory_space<hbm>>) target(%dma_start3A_525 : memref<56x64xf32, #tpu.memory_space<vmem>>) offsets(%dma_start3A_527 : memref<56xi32, #tpu.memory_space<vmem>>) semaphore(%arg13 : memref<!tpu.dma_semaphore, #tpu.memory_space<semaphore_mem>>)
      %mul3A_531 = arith.constant 56 : i32
      %mul3A_532 = arith.muli %add3A_442, %mul3A_531 : i32
      %dma_start3A_533 = arith.constant 8 : i32
      %dma_start3A_534 = arith.constant 448 : i32
      %dma_start3A_535 = arith.constant 0 : i32
      %dma_start3A_536 = tpu.memref_slice %arg6[%dma_start3A_534, %dma_start3A_535] : memref<504x64xf32, #tpu.memory_space<vmem>> -> memref<56x64xf32, #tpu.memory_space<vmem>>
      %dma_start3A_537 = tpu.memref_slice %arg5[%dma_start3A_533, %mul3A_532] : memref<9x1568xi32, #tpu.memory_space<vmem>> -> memref<1x56xi32, #tpu.memory_space<vmem>>
      %dma_start3A_538 = tpu.memref_squeeze %dma_start3A_537 : memref<1x56xi32, #tpu.memory_space<vmem>> -> memref<56xi32, #tpu.memory_space<vmem>>
      %dma_start3A_539 = arith.constant 0 : i32
      %dma_start3A_540 = arith.constant 0 : i32
      %dma_start3A_541 = tpu.memref_slice %arg2[%dma_start3A_539, %dma_start3A_540] : memref<90000x64xf32, #tpu.memory_space<hbm>> -> memref<90000x64xf32, #tpu.memory_space<hbm>>
      tpu.enqueue_indirect_dma source(%dma_start3A_541 : memref<90000x64xf32, #tpu.memory_space<hbm>>) target(%dma_start3A_536 : memref<56x64xf32, #tpu.memory_space<vmem>>) offsets(%dma_start3A_538 : memref<56xi32, #tpu.memory_space<vmem>>) semaphore(%arg13 : memref<!tpu.dma_semaphore, #tpu.memory_space<semaphore_mem>>)
      %mul3A_542 = arith.constant 3 : i32
      %mul3A_543 = arith.muli %mul3A_542, %scan3A_418 : i32
      %add3A_544 = arith.constant 1 : i32
      %add3A_545 = arith.addi %mul3A_543, %add3A_544 : i32
      %dma_wait3A_546 = arith.constant 0 : i32
      %dma_wait3A_547 = arith.constant 0 : i32
      %dma_wait3A_548 = tpu.memref_slice %arg2[%dma_wait3A_546, %dma_wait3A_547] : memref<90000x64xf32, #tpu.memory_space<hbm>> -> memref<504x64xf32, #tpu.memory_space<hbm>>
      %dma_wait3A_549 = arith.constant 0 : i32
      %dma_wait3A_550 = arith.constant 0 : i32
      %dma_wait3A_551 = tpu.memref_slice %arg2[%dma_wait3A_549, %dma_wait3A_550] : memref<90000x64xf32, #tpu.memory_space<hbm>> -> memref<504x64xf32, #tpu.memory_space<hbm>>
      tpu.wait_dma2 semaphore(%arg14 : memref<!tpu.dma_semaphore, #tpu.memory_space<semaphore_mem>>) src(%dma_wait3A_551 : memref<504x64xf32, #tpu.memory_space<hbm>>) dst(%arg7 : memref<504x64xf32, #tpu.memory_space<vmem>>)
      %gt3A_552 = arith.constant 0 : i32
      %gt3A_553 = arith.cmpi sgt, %scan3A_418, %gt3A_552 : i32
      %convert_element_type3A_554 = arith.extui %gt3A_553 : i1 to i32
      %cond3A_555 = arith.constant 0 : i32
      %cond3A_556 = arith.cmpi ne, %convert_element_type3A_554, %cond3A_555 : i32
      scf.if %cond3A_556 {
        %dma_wait3A_602 = arith.constant 0 : i32
        %dma_wait3A_603 = arith.constant 0 : i32
        %dma_wait3A_604 = tpu.memref_slice %arg4[%dma_wait3A_602, %dma_wait3A_603] : memref<50000x64xf32, #tpu.memory_space<hbm>> -> memref<56x64xf32, #tpu.memory_space<hbm>>
        %dma_wait3A_605 = arith.constant 0 : i32
        %dma_wait3A_606 = arith.constant 0 : i32
        %dma_wait3A_607 = tpu.memref_slice %arg4[%dma_wait3A_605, %dma_wait3A_606] : memref<50000x64xf32, #tpu.memory_space<hbm>> -> memref<56x64xf32, #tpu.memory_space<hbm>>
        tpu.wait_dma2 semaphore(%arg17 : memref<!tpu.dma_semaphore, #tpu.memory_space<semaphore_mem>>) src(%arg10 : memref<56x64xf32, #tpu.memory_space<vmem>>) dst(%dma_wait3A_607 : memref<56x64xf32, #tpu.memory_space<hbm>>)
      } else {
      }
      %parallel_loop3A_557 = arith.constant 0 : i32
      %parallel_loop3A_558 = arith.constant 56 : i32
      %parallel_loop3A_559 = arith.constant 1 : i32
      scf.for %parallel_loop3A_602 = %parallel_loop3A_557 to %parallel_loop3A_558 step %parallel_loop3A_559  : i32 {
        %parallel_loop3A_603 = arith.index_cast %parallel_loop3A_602 : i32 to index
        %parallel_loop3A_604 = arith.constant 0 : index
        %parallel_loop3A_605 = tpu.vector_load %arg7[%parallel_loop3A_603, %parallel_loop3A_604] {strides = array<i32>} : memref<504x64xf32, #tpu.memory_space<vmem>>, vector<1x16xf32>,
        %parallel_loop3A_606 = vector.shape_cast %parallel_loop3A_605 : vector<1x16xf32> to vector<16xf32>
        %parallel_loop3A_607 = arith.constant 56 : i32
        %parallel_loop3A_608 = arith.addi %parallel_loop3A_607, %parallel_loop3A_602 : i32
        %parallel_loop3A_609 = arith.index_cast %parallel_loop3A_608 : i32 to index
        %parallel_loop3A_610 = arith.constant 0 : index
        %parallel_loop3A_611 = tpu.vector_load %arg7[%parallel_loop3A_609, %parallel_loop3A_610] {strides = array<i32>} : memref<504x64xf32, #tpu.memory_space<vmem>>, vector<1x16xf32>,
        %parallel_loop3A_612 = vector.shape_cast %parallel_loop3A_611 : vector<1x16xf32> to vector<16xf32>
        %parallel_loop3A_613 = arith.addf %parallel_loop3A_606, %parallel_loop3A_612 : vector<16xf32>
        %parallel_loop3A_614 = arith.constant 112 : i32
        %parallel_loop3A_615 = arith.addi %parallel_loop3A_614, %parallel_loop3A_602 : i32
        %parallel_loop3A_616 = arith.index_cast %parallel_loop3A_615 : i32 to index
        %parallel_loop3A_617 = arith.constant 0 : index
        %parallel_loop3A_618 = tpu.vector_load %arg7[%parallel_loop3A_616, %parallel_loop3A_617] {strides = array<i32>} : memref<504x64xf32, #tpu.memory_space<vmem>>, vector<1x16xf32>,
        %parallel_loop3A_619 = vector.shape_cast %parallel_loop3A_618 : vector<1x16xf32> to vector<16xf32>
        %parallel_loop3A_620 = arith.addf %parallel_loop3A_613, %parallel_loop3A_619 : vector<16xf32>
        %parallel_loop3A_621 = arith.constant 168 : i32
        %parallel_loop3A_622 = arith.addi %parallel_loop3A_621, %parallel_loop3A_602 : i32
        %parallel_loop3A_623 = arith.index_cast %parallel_loop3A_622 : i32 to index
        %parallel_loop3A_624 = arith.constant 0 : index
        %parallel_loop3A_625 = tpu.vector_load %arg7[%parallel_loop3A_623, %parallel_loop3A_624] {strides = array<i32>} : memref<504x64xf32, #tpu.memory_space<vmem>>, vector<1x16xf32>,
        %parallel_loop3A_626 = vector.shape_cast %parallel_loop3A_625 : vector<1x16xf32> to vector<16xf32>
        %parallel_loop3A_627 = arith.addf %parallel_loop3A_620, %parallel_loop3A_626 : vector<16xf32>
        %parallel_loop3A_628 = arith.constant 224 : i32
        %parallel_loop3A_629 = arith.addi %parallel_loop3A_628, %parallel_loop3A_602 : i32
        %parallel_loop3A_630 = arith.index_cast %parallel_loop3A_629 : i32 to index
        %parallel_loop3A_631 = arith.constant 0 : index
        %parallel_loop3A_632 = tpu.vector_load %arg7[%parallel_loop3A_630, %parallel_loop3A_631] {strides = array<i32>} : memref<504x64xf32, #tpu.memory_space<vmem>>, vector<1x16xf32>,
        %parallel_loop3A_633 = vector.shape_cast %parallel_loop3A_632 : vector<1x16xf32> to vector<16xf32>
        %parallel_loop3A_634 = arith.addf %parallel_loop3A_627, %parallel_loop3A_633 : vector<16xf32>
        %parallel_loop3A_635 = arith.constant 280 : i32
        %parallel_loop3A_636 = arith.addi %parallel_loop3A_635, %parallel_loop3A_602 : i32
        %parallel_loop3A_637 = arith.index_cast %parallel_loop3A_636 : i32 to index
        %parallel_loop3A_638 = arith.constant 0 : index
        %parallel_loop3A_639 = tpu.vector_load %arg7[%parallel_loop3A_637, %parallel_loop3A_638] {strides = array<i32>} : memref<504x64xf32, #tpu.memory_space<vmem>>, vector<1x16xf32>,
        %parallel_loop3A_640 = vector.shape_cast %parallel_loop3A_639 : vector<1x16xf32> to vector<16xf32>
        %parallel_loop3A_641 = arith.addf %parallel_loop3A_634, %parallel_loop3A_640 : vector<16xf32>
        %parallel_loop3A_642 = arith.constant 336 : i32
        %parallel_loop3A_643 = arith.addi %parallel_loop3A_642, %parallel_loop3A_602 : i32
        %parallel_loop3A_644 = arith.index_cast %parallel_loop3A_643 : i32 to index
        %parallel_loop3A_645 = arith.constant 0 : index
        %parallel_loop3A_646 = tpu.vector_load %arg7[%parallel_loop3A_644, %parallel_loop3A_645] {strides = array<i32>} : memref<504x64xf32, #tpu.memory_space<vmem>>, vector<1x16xf32>,
        %parallel_loop3A_647 = vector.shape_cast %parallel_loop3A_646 : vector<1x16xf32> to vector<16xf32>
        %parallel_loop3A_648 = arith.addf %parallel_loop3A_641, %parallel_loop3A_647 : vector<16xf32>
        %parallel_loop3A_649 = arith.constant 392 : i32
        %parallel_loop3A_650 = arith.addi %parallel_loop3A_649, %parallel_loop3A_602 : i32
        %parallel_loop3A_651 = arith.index_cast %parallel_loop3A_650 : i32 to index
        %parallel_loop3A_652 = arith.constant 0 : index
        %parallel_loop3A_653 = tpu.vector_load %arg7[%parallel_loop3A_651, %parallel_loop3A_652] {strides = array<i32>} : memref<504x64xf32, #tpu.memory_space<vmem>>, vector<1x16xf32>,
        %parallel_loop3A_654 = vector.shape_cast %parallel_loop3A_653 : vector<1x16xf32> to vector<16xf32>
        %parallel_loop3A_655 = arith.addf %parallel_loop3A_648, %parallel_loop3A_654 : vector<16xf32>
        %parallel_loop3A_656 = arith.constant 448 : i32
        %parallel_loop3A_657 = arith.addi %parallel_loop3A_656, %parallel_loop3A_602 : i32
        %parallel_loop3A_658 = arith.index_cast %parallel_loop3A_657 : i32 to index
        %parallel_loop3A_659 = arith.constant 0 : index
        %parallel_loop3A_660 = tpu.vector_load %arg7[%parallel_loop3A_658, %parallel_loop3A_659] {strides = array<i32>} : memref<504x64xf32, #tpu.memory_space<vmem>>, vector<1x16xf32>,
        %parallel_loop3A_661 = vector.shape_cast %parallel_loop3A_660 : vector<1x16xf32> to vector<16xf32>
        %parallel_loop3A_662 = arith.addf %parallel_loop3A_655, %parallel_loop3A_661 : vector<16xf32>
        %parallel_loop3A_663 = arith.index_cast %parallel_loop3A_602 : i32 to index
        %parallel_loop3A_664 = arith.constant 0 : index
        %parallel_loop3A_665 = tpu.vector_load %arg10[%parallel_loop3A_663, %parallel_loop3A_664] {strides = array<i32>} : memref<56x64xf32, #tpu.memory_space<vmem>>, vector<1x16xf32>,
        %parallel_loop3A_666 = vector.shape_cast %parallel_loop3A_665 : vector<1x16xf32> to vector<16xf32>
        %parallel_loop3A_667 = vector.shape_cast %parallel_loop3A_662 : vector<16xf32> to vector<1x16xf32>
        tpu.vector_store %arg10[%parallel_loop3A_663, %parallel_loop3A_664], %parallel_loop3A_667 {strides = array<i32>} : memref<56x64xf32, #tpu.memory_space<vmem>>, vector<1x16xf32>,
        %parallel_loop3A_668 = arith.index_cast %parallel_loop3A_602 : i32 to index
        %parallel_loop3A_669 = arith.constant 16 : index
        %parallel_loop3A_670 = tpu.vector_load %arg7[%parallel_loop3A_668, %parallel_loop3A_669] {strides = array<i32>} : memref<504x64xf32, #tpu.memory_space<vmem>>, vector<1x16xf32>,
        %parallel_loop3A_671 = vector.shape_cast %parallel_loop3A_670 : vector<1x16xf32> to vector<16xf32>
        %parallel_loop3A_672 = arith.constant 56 : i32
        %parallel_loop3A_673 = arith.addi %parallel_loop3A_672, %parallel_loop3A_602 : i32
        %parallel_loop3A_674 = arith.index_cast %parallel_loop3A_673 : i32 to index
        %parallel_loop3A_675 = arith.constant 16 : index
        %parallel_loop3A_676 = tpu.vector_load %arg7[%parallel_loop3A_674, %parallel_loop3A_675] {strides = array<i32>} : memref<504x64xf32, #tpu.memory_space<vmem>>, vector<1x16xf32>,
        %parallel_loop3A_677 = vector.shape_cast %parallel_loop3A_676 : vector<1x16xf32> to vector<16xf32>
        %parallel_loop3A_678 = arith.addf %parallel_loop3A_671, %parallel_loop3A_677 : vector<16xf32>
        %parallel_loop3A_679 = arith.constant 112 : i32
        %parallel_loop3A_680 = arith.addi %parallel_loop3A_679, %parallel_loop3A_602 : i32
        %parallel_loop3A_681 = arith.index_cast %parallel_loop3A_680 : i32 to index
        %parallel_loop3A_682 = arith.constant 16 : index
        %parallel_loop3A_683 = tpu.vector_load %arg7[%parallel_loop3A_681, %parallel_loop3A_682] {strides = array<i32>} : memref<504x64xf32, #tpu.memory_space<vmem>>, vector<1x16xf32>,
        %parallel_loop3A_684 = vector.shape_cast %parallel_loop3A_683 : vector<1x16xf32> to vector<16xf32>
        %parallel_loop3A_685 = arith.addf %parallel_loop3A_678, %parallel_loop3A_684 : vector<16xf32>
        %parallel_loop3A_686 = arith.constant 168 : i32
        %parallel_loop3A_687 = arith.addi %parallel_loop3A_686, %parallel_loop3A_602 : i32
        %parallel_loop3A_688 = arith.index_cast %parallel_loop3A_687 : i32 to index
        %parallel_loop3A_689 = arith.constant 16 : index
        %parallel_loop3A_690 = tpu.vector_load %arg7[%parallel_loop3A_688, %parallel_loop3A_689] {strides = array<i32>} : memref<504x64xf32, #tpu.memory_space<vmem>>, vector<1x16xf32>,
        %parallel_loop3A_691 = vector.shape_cast %parallel_loop3A_690 : vector<1x16xf32> to vector<16xf32>
        %parallel_loop3A_692 = arith.addf %parallel_loop3A_685, %parallel_loop3A_691 : vector<16xf32>
        %parallel_loop3A_693 = arith.constant 224 : i32
        %parallel_loop3A_694 = arith.addi %parallel_loop3A_693, %parallel_loop3A_602 : i32
        %parallel_loop3A_695 = arith.index_cast %parallel_loop3A_694 : i32 to index
        %parallel_loop3A_696 = arith.constant 16 : index
        %parallel_loop3A_697 = tpu.vector_load %arg7[%parallel_loop3A_695, %parallel_loop3A_696] {strides = array<i32>} : memref<504x64xf32, #tpu.memory_space<vmem>>, vector<1x16xf32>,
        %parallel_loop3A_698 = vector.shape_cast %parallel_loop3A_697 : vector<1x16xf32> to vector<16xf32>
        %parallel_loop3A_699 = arith.addf %parallel_loop3A_692, %parallel_loop3A_698 : vector<16xf32>
        %parallel_loop3A_700 = arith.constant 280 : i32
        %parallel_loop3A_701 = arith.addi %parallel_loop3A_700, %parallel_loop3A_602 : i32
        %parallel_loop3A_702 = arith.index_cast %parallel_loop3A_701 : i32 to index
        %parallel_loop3A_703 = arith.constant 16 : index
        %parallel_loop3A_704 = tpu.vector_load %arg7[%parallel_loop3A_702, %parallel_loop3A_703] {strides = array<i32>} : memref<504x64xf32, #tpu.memory_space<vmem>>, vector<1x16xf32>,
        %parallel_loop3A_705 = vector.shape_cast %parallel_loop3A_704 : vector<1x16xf32> to vector<16xf32>
        %parallel_loop3A_706 = arith.addf %parallel_loop3A_699, %parallel_loop3A_705 : vector<16xf32>
        %parallel_loop3A_707 = arith.constant 336 : i32
        %parallel_loop3A_708 = arith.addi %parallel_loop3A_707, %parallel_loop3A_602 : i32
        %parallel_loop3A_709 = arith.index_cast %parallel_loop3A_708 : i32 to index
        %parallel_loop3A_710 = arith.constant 16 : index
        %parallel_loop3A_711 = tpu.vector_load %arg7[%parallel_loop3A_709, %parallel_loop3A_710] {strides = array<i32>} : memref<504x64xf32, #tpu.memory_space<vmem>>, vector<1x16xf32>,
        %parallel_loop3A_712 = vector.shape_cast %parallel_loop3A_711 : vector<1x16xf32> to vector<16xf32>
        %parallel_loop3A_713 = arith.addf %parallel_loop3A_706, %parallel_loop3A_712 : vector<16xf32>
        %parallel_loop3A_714 = arith.constant 392 : i32
        %parallel_loop3A_715 = arith.addi %parallel_loop3A_714, %parallel_loop3A_602 : i32
        %parallel_loop3A_716 = arith.index_cast %parallel_loop3A_715 : i32 to index
        %parallel_loop3A_717 = arith.constant 16 : index
        %parallel_loop3A_718 = tpu.vector_load %arg7[%parallel_loop3A_716, %parallel_loop3A_717] {strides = array<i32>} : memref<504x64xf32, #tpu.memory_space<vmem>>, vector<1x16xf32>,
        %parallel_loop3A_719 = vector.shape_cast %parallel_loop3A_718 : vector<1x16xf32> to vector<16xf32>
        %parallel_loop3A_720 = arith.addf %parallel_loop3A_713, %parallel_loop3A_719 : vector<16xf32>
        %parallel_loop3A_721 = arith.constant 448 : i32
        %parallel_loop3A_722 = arith.addi %parallel_loop3A_721, %parallel_loop3A_602 : i32
        %parallel_loop3A_723 = arith.index_cast %parallel_loop3A_722 : i32 to index
        %parallel_loop3A_724 = arith.constant 16 : index
        %parallel_loop3A_725 = tpu.vector_load %arg7[%parallel_loop3A_723, %parallel_loop3A_724] {strides = array<i32>} : memref<504x64xf32, #tpu.memory_space<vmem>>, vector<1x16xf32>,
        %parallel_loop3A_726 = vector.shape_cast %parallel_loop3A_725 : vector<1x16xf32> to vector<16xf32>
        %parallel_loop3A_727 = arith.addf %parallel_loop3A_720, %parallel_loop3A_726 : vector<16xf32>
        %parallel_loop3A_728 = arith.index_cast %parallel_loop3A_602 : i32 to index
        %parallel_loop3A_729 = arith.constant 16 : index
        %parallel_loop3A_730 = tpu.vector_load %arg10[%parallel_loop3A_728, %parallel_loop3A_729] {strides = array<i32>} : memref<56x64xf32, #tpu.memory_space<vmem>>, vector<1x16xf32>,
        %parallel_loop3A_731 = vector.shape_cast %parallel_loop3A_730 : vector<1x16xf32> to vector<16xf32>
        %parallel_loop3A_732 = vector.shape_cast %parallel_loop3A_727 : vector<16xf32> to vector<1x16xf32>
        tpu.vector_store %arg10[%parallel_loop3A_728, %parallel_loop3A_729], %parallel_loop3A_732 {strides = array<i32>} : memref<56x64xf32, #tpu.memory_space<vmem>>, vector<1x16xf32>,
        %parallel_loop3A_733 = arith.index_cast %parallel_loop3A_602 : i32 to index
        %parallel_loop3A_734 = arith.constant 32 : index
        %parallel_loop3A_735 = tpu.vector_load %arg7[%parallel_loop3A_733, %parallel_loop3A_734] {strides = array<i32>} : memref<504x64xf32, #tpu.memory_space<vmem>>, vector<1x16xf32>,
        %parallel_loop3A_736 = vector.shape_cast %parallel_loop3A_735 : vector<1x16xf32> to vector<16xf32>
        %parallel_loop3A_737 = arith.constant 56 : i32
        %parallel_loop3A_738 = arith.addi %parallel_loop3A_737, %parallel_loop3A_602 : i32
        %parallel_loop3A_739 = arith.index_cast %parallel_loop3A_738 : i32 to index
        %parallel_loop3A_740 = arith.constant 32 : index
        %parallel_loop3A_741 = tpu.vector_load %arg7[%parallel_loop3A_739, %parallel_loop3A_740] {strides = array<i32>} : memref<504x64xf32, #tpu.memory_space<vmem>>, vector<1x16xf32>,
        %parallel_loop3A_742 = vector.shape_cast %parallel_loop3A_741 : vector<1x16xf32> to vector<16xf32>
        %parallel_loop3A_743 = arith.addf %parallel_loop3A_736, %parallel_loop3A_742 : vector<16xf32>
        %parallel_loop3A_744 = arith.constant 112 : i32
        %parallel_loop3A_745 = arith.addi %parallel_loop3A_744, %parallel_loop3A_602 : i32
        %parallel_loop3A_746 = arith.index_cast %parallel_loop3A_745 : i32 to index
        %parallel_loop3A_747 = arith.constant 32 : index
        %parallel_loop3A_748 = tpu.vector_load %arg7[%parallel_loop3A_746, %parallel_loop3A_747] {strides = array<i32>} : memref<504x64xf32, #tpu.memory_space<vmem>>, vector<1x16xf32>,
        %parallel_loop3A_749 = vector.shape_cast %parallel_loop3A_748 : vector<1x16xf32> to vector<16xf32>
        %parallel_loop3A_750 = arith.addf %parallel_loop3A_743, %parallel_loop3A_749 : vector<16xf32>
        %parallel_loop3A_751 = arith.constant 168 : i32
        %parallel_loop3A_752 = arith.addi %parallel_loop3A_751, %parallel_loop3A_602 : i32
        %parallel_loop3A_753 = arith.index_cast %parallel_loop3A_752 : i32 to index
        %parallel_loop3A_754 = arith.constant 32 : index
        %parallel_loop3A_755 = tpu.vector_load %arg7[%parallel_loop3A_753, %parallel_loop3A_754] {strides = array<i32>} : memref<504x64xf32, #tpu.memory_space<vmem>>, vector<1x16xf32>,
        %parallel_loop3A_756 = vector.shape_cast %parallel_loop3A_755 : vector<1x16xf32> to vector<16xf32>
        %parallel_loop3A_757 = arith.addf %parallel_loop3A_750, %parallel_loop3A_756 : vector<16xf32>
        %parallel_loop3A_758 = arith.constant 224 : i32
        %parallel_loop3A_759 = arith.addi %parallel_loop3A_758, %parallel_loop3A_602 : i32
        %parallel_loop3A_760 = arith.index_cast %parallel_loop3A_759 : i32 to index
        %parallel_loop3A_761 = arith.constant 32 : index
        %parallel_loop3A_762 = tpu.vector_load %arg7[%parallel_loop3A_760, %parallel_loop3A_761] {strides = array<i32>} : memref<504x64xf32, #tpu.memory_space<vmem>>, vector<1x16xf32>,
        %parallel_loop3A_763 = vector.shape_cast %parallel_loop3A_762 : vector<1x16xf32> to vector<16xf32>
        %parallel_loop3A_764 = arith.addf %parallel_loop3A_757, %parallel_loop3A_763 : vector<16xf32>
        %parallel_loop3A_765 = arith.constant 280 : i32
        %parallel_loop3A_766 = arith.addi %parallel_loop3A_765, %parallel_loop3A_602 : i32
        %parallel_loop3A_767 = arith.index_cast %parallel_loop3A_766 : i32 to index
        %parallel_loop3A_768 = arith.constant 32 : index
        %parallel_loop3A_769 = tpu.vector_load %arg7[%parallel_loop3A_767, %parallel_loop3A_768] {strides = array<i32>} : memref<504x64xf32, #tpu.memory_space<vmem>>, vector<1x16xf32>,
        %parallel_loop3A_770 = vector.shape_cast %parallel_loop3A_769 : vector<1x16xf32> to vector<16xf32>
        %parallel_loop3A_771 = arith.addf %parallel_loop3A_764, %parallel_loop3A_770 : vector<16xf32>
        %parallel_loop3A_772 = arith.constant 336 : i32
        %parallel_loop3A_773 = arith.addi %parallel_loop3A_772, %parallel_loop3A_602 : i32
        %parallel_loop3A_774 = arith.index_cast %parallel_loop3A_773 : i32 to index
        %parallel_loop3A_775 = arith.constant 32 : index
        %parallel_loop3A_776 = tpu.vector_load %arg7[%parallel_loop3A_774, %parallel_loop3A_775] {strides = array<i32>} : memref<504x64xf32, #tpu.memory_space<vmem>>, vector<1x16xf32>,
        %parallel_loop3A_777 = vector.shape_cast %parallel_loop3A_776 : vector<1x16xf32> to vector<16xf32>
        %parallel_loop3A_778 = arith.addf %parallel_loop3A_771, %parallel_loop3A_777 : vector<16xf32>
        %parallel_loop3A_779 = arith.constant 392 : i32
        %parallel_loop3A_780 = arith.addi %parallel_loop3A_779, %parallel_loop3A_602 : i32
        %parallel_loop3A_781 = arith.index_cast %parallel_loop3A_780 : i32 to index
        %parallel_loop3A_782 = arith.constant 32 : index
        %parallel_loop3A_783 = tpu.vector_load %arg7[%parallel_loop3A_781, %parallel_loop3A_782] {strides = array<i32>} : memref<504x64xf32, #tpu.memory_space<vmem>>, vector<1x16xf32>,
        %parallel_loop3A_784 = vector.shape_cast %parallel_loop3A_783 : vector<1x16xf32> to vector<16xf32>
        %parallel_loop3A_785 = arith.addf %parallel_loop3A_778, %parallel_loop3A_784 : vector<16xf32>
        %parallel_loop3A_786 = arith.constant 448 : i32
        %parallel_loop3A_787 = arith.addi %parallel_loop3A_786, %parallel_loop3A_602 : i32
        %parallel_loop3A_788 = arith.index_cast %parallel_loop3A_787 : i32 to index
        %parallel_loop3A_789 = arith.constant 32 : index
        %parallel_loop3A_790 = tpu.vector_load %arg7[%parallel_loop3A_788, %parallel_loop3A_789] {strides = array<i32>} : memref<504x64xf32, #tpu.memory_space<vmem>>, vector<1x16xf32>,
        %parallel_loop3A_791 = vector.shape_cast %parallel_loop3A_790 : vector<1x16xf32> to vector<16xf32>
        %parallel_loop3A_792 = arith.addf %parallel_loop3A_785, %parallel_loop3A_791 : vector<16xf32>
        %parallel_loop3A_793 = arith.index_cast %parallel_loop3A_602 : i32 to index
        %parallel_loop3A_794 = arith.constant 32 : index
        %parallel_loop3A_795 = tpu.vector_load %arg10[%parallel_loop3A_793, %parallel_loop3A_794] {strides = array<i32>} : memref<56x64xf32, #tpu.memory_space<vmem>>, vector<1x16xf32>,
        %parallel_loop3A_796 = vector.shape_cast %parallel_loop3A_795 : vector<1x16xf32> to vector<16xf32>
        %parallel_loop3A_797 = vector.shape_cast %parallel_loop3A_792 : vector<16xf32> to vector<1x16xf32>
        tpu.vector_store %arg10[%parallel_loop3A_793, %parallel_loop3A_794], %parallel_loop3A_797 {strides = array<i32>} : memref<56x64xf32, #tpu.memory_space<vmem>>, vector<1x16xf32>,
        %parallel_loop3A_798 = arith.index_cast %parallel_loop3A_602 : i32 to index
        %parallel_loop3A_799 = arith.constant 48 : index
        %parallel_loop3A_800 = tpu.vector_load %arg7[%parallel_loop3A_798, %parallel_loop3A_799] {strides = array<i32>} : memref<504x64xf32, #tpu.memory_space<vmem>>, vector<1x16xf32>,
        %parallel_loop3A_801 = vector.shape_cast %parallel_loop3A_800 : vector<1x16xf32> to vector<16xf32>
        %parallel_loop3A_802 = arith.constant 56 : i32
        %parallel_loop3A_803 = arith.addi %parallel_loop3A_802, %parallel_loop3A_602 : i32
        %parallel_loop3A_804 = arith.index_cast %parallel_loop3A_803 : i32 to index
        %parallel_loop3A_805 = arith.constant 48 : index
        %parallel_loop3A_806 = tpu.vector_load %arg7[%parallel_loop3A_804, %parallel_loop3A_805] {strides = array<i32>} : memref<504x64xf32, #tpu.memory_space<vmem>>, vector<1x16xf32>,
        %parallel_loop3A_807 = vector.shape_cast %parallel_loop3A_806 : vector<1x16xf32> to vector<16xf32>
        %parallel_loop3A_808 = arith.addf %parallel_loop3A_801, %parallel_loop3A_807 : vector<16xf32>
        %parallel_loop3A_809 = arith.constant 112 : i32
        %parallel_loop3A_810 = arith.addi %parallel_loop3A_809, %parallel_loop3A_602 : i32
        %parallel_loop3A_811 = arith.index_cast %parallel_loop3A_810 : i32 to index
        %parallel_loop3A_812 = arith.constant 48 : index
        %parallel_loop3A_813 = tpu.vector_load %arg7[%parallel_loop3A_811, %parallel_loop3A_812] {strides = array<i32>} : memref<504x64xf32, #tpu.memory_space<vmem>>, vector<1x16xf32>,
        %parallel_loop3A_814 = vector.shape_cast %parallel_loop3A_813 : vector<1x16xf32> to vector<16xf32>
        %parallel_loop3A_815 = arith.addf %parallel_loop3A_808, %parallel_loop3A_814 : vector<16xf32>
        %parallel_loop3A_816 = arith.constant 168 : i32
        %parallel_loop3A_817 = arith.addi %parallel_loop3A_816, %parallel_loop3A_602 : i32
        %parallel_loop3A_818 = arith.index_cast %parallel_loop3A_817 : i32 to index
        %parallel_loop3A_819 = arith.constant 48 : index
        %parallel_loop3A_820 = tpu.vector_load %arg7[%parallel_loop3A_818, %parallel_loop3A_819] {strides = array<i32>} : memref<504x64xf32, #tpu.memory_space<vmem>>, vector<1x16xf32>,
        %parallel_loop3A_821 = vector.shape_cast %parallel_loop3A_820 : vector<1x16xf32> to vector<16xf32>
        %parallel_loop3A_822 = arith.addf %parallel_loop3A_815, %parallel_loop3A_821 : vector<16xf32>
        %parallel_loop3A_823 = arith.constant 224 : i32
        %parallel_loop3A_824 = arith.addi %parallel_loop3A_823, %parallel_loop3A_602 : i32
        %parallel_loop3A_825 = arith.index_cast %parallel_loop3A_824 : i32 to index
        %parallel_loop3A_826 = arith.constant 48 : index
        %parallel_loop3A_827 = tpu.vector_load %arg7[%parallel_loop3A_825, %parallel_loop3A_826] {strides = array<i32>} : memref<504x64xf32, #tpu.memory_space<vmem>>, vector<1x16xf32>,
        %parallel_loop3A_828 = vector.shape_cast %parallel_loop3A_827 : vector<1x16xf32> to vector<16xf32>
        %parallel_loop3A_829 = arith.addf %parallel_loop3A_822, %parallel_loop3A_828 : vector<16xf32>
        %parallel_loop3A_830 = arith.constant 280 : i32
        %parallel_loop3A_831 = arith.addi %parallel_loop3A_830, %parallel_loop3A_602 : i32
        %parallel_loop3A_832 = arith.index_cast %parallel_loop3A_831 : i32 to index
        %parallel_loop3A_833 = arith.constant 48 : index
        %parallel_loop3A_834 = tpu.vector_load %arg7[%parallel_loop3A_832, %parallel_loop3A_833] {strides = array<i32>} : memref<504x64xf32, #tpu.memory_space<vmem>>, vector<1x16xf32>,
        %parallel_loop3A_835 = vector.shape_cast %parallel_loop3A_834 : vector<1x16xf32> to vector<16xf32>
        %parallel_loop3A_836 = arith.addf %parallel_loop3A_829, %parallel_loop3A_835 : vector<16xf32>
        %parallel_loop3A_837 = arith.constant 336 : i32
        %parallel_loop3A_838 = arith.addi %parallel_loop3A_837, %parallel_loop3A_602 : i32
        %parallel_loop3A_839 = arith.index_cast %parallel_loop3A_838 : i32 to index
        %parallel_loop3A_840 = arith.constant 48 : index
        %parallel_loop3A_841 = tpu.vector_load %arg7[%parallel_loop3A_839, %parallel_loop3A_840] {strides = array<i32>} : memref<504x64xf32, #tpu.memory_space<vmem>>, vector<1x16xf32>,
        %parallel_loop3A_842 = vector.shape_cast %parallel_loop3A_841 : vector<1x16xf32> to vector<16xf32>
        %parallel_loop3A_843 = arith.addf %parallel_loop3A_836, %parallel_loop3A_842 : vector<16xf32>
        %parallel_loop3A_844 = arith.constant 392 : i32
        %parallel_loop3A_845 = arith.addi %parallel_loop3A_844, %parallel_loop3A_602 : i32
        %parallel_loop3A_846 = arith.index_cast %parallel_loop3A_845 : i32 to index
        %parallel_loop3A_847 = arith.constant 48 : index
        %parallel_loop3A_848 = tpu.vector_load %arg7[%parallel_loop3A_846, %parallel_loop3A_847] {strides = array<i32>} : memref<504x64xf32, #tpu.memory_space<vmem>>, vector<1x16xf32>,
        %parallel_loop3A_849 = vector.shape_cast %parallel_loop3A_848 : vector<1x16xf32> to vector<16xf32>
        %parallel_loop3A_850 = arith.addf %parallel_loop3A_843, %parallel_loop3A_849 : vector<16xf32>
        %parallel_loop3A_851 = arith.constant 448 : i32
        %parallel_loop3A_852 = arith.addi %parallel_loop3A_851, %parallel_loop3A_602 : i32
        %parallel_loop3A_853 = arith.index_cast %parallel_loop3A_852 : i32 to index
        %parallel_loop3A_854 = arith.constant 48 : index
        %parallel_loop3A_855 = tpu.vector_load %arg7[%parallel_loop3A_853, %parallel_loop3A_854] {strides = array<i32>} : memref<504x64xf32, #tpu.memory_space<vmem>>, vector<1x16xf32>,
        %parallel_loop3A_856 = vector.shape_cast %parallel_loop3A_855 : vector<1x16xf32> to vector<16xf32>
        %parallel_loop3A_857 = arith.addf %parallel_loop3A_850, %parallel_loop3A_856 : vector<16xf32>
        %parallel_loop3A_858 = arith.index_cast %parallel_loop3A_602 : i32 to index
        %parallel_loop3A_859 = arith.constant 48 : index
        %parallel_loop3A_860 = tpu.vector_load %arg10[%parallel_loop3A_858, %parallel_loop3A_859] {strides = array<i32>} : memref<56x64xf32, #tpu.memory_space<vmem>>, vector<1x16xf32>,
        %parallel_loop3A_861 = vector.shape_cast %parallel_loop3A_860 : vector<1x16xf32> to vector<16xf32>
        %parallel_loop3A_862 = vector.shape_cast %parallel_loop3A_857 : vector<16xf32> to vector<1x16xf32>
        tpu.vector_store %arg10[%parallel_loop3A_858, %parallel_loop3A_859], %parallel_loop3A_862 {strides = array<i32>} : memref<56x64xf32, #tpu.memory_space<vmem>>, vector<1x16xf32>,
      } {sc.loop_unroll_factor = 1 : i64, sc.parallel_access}
      %mul3A_560 = arith.constant 56 : i32
      %mul3A_561 = arith.muli %add3A_545, %mul3A_560 : i32
      %add3A_562 = arith.addi %select_n3A, %mul3A_561 : i32
      %dma_start3A_563 = arith.constant 0 : i32
      %dma_start3A_564 = tpu.memref_slice %arg4[%add3A_562, %dma_start3A_563] : memref<50000x64xf32, #tpu.memory_space<hbm>> -> memref<56x64xf32, #tpu.memory_space<hbm>>
      %dma_start3A_565 = arith.constant 0 : i32
      %dma_start3A_566 = tpu.memref_slice %arg4[%add3A_562, %dma_start3A_565] : memref<50000x64xf32, #tpu.memory_space<hbm>> -> memref<56x64xf32, #tpu.memory_space<hbm>>
      tpu.enqueue_dma source(%arg10 : memref<56x64xf32, #tpu.memory_space<vmem>>) target(%dma_start3A_566 : memref<56x64xf32, #tpu.memory_space<hbm>>) target_semaphore(%arg17 : memref<!tpu.dma_semaphore, #tpu.memory_space<semaphore_mem>>)
      %lt3A_567 = arith.constant 8 : i32
      %lt3A_568 = arith.cmpi slt, %scan3A_418, %lt3A_567 : i32
      %convert_element_type3A_569 = arith.extui %lt3A_568 : i1 to i32
      %cond3A_570 = arith.constant 0 : i32
      %cond3A_571 = arith.cmpi ne, %convert_element_type3A_569, %cond3A_570 : i32
      scf.if %cond3A_571 {
        %add3A_602 = arith.constant 3 : i32
        %add3A_603 = arith.addi %add3A_545, %add3A_602 : i32
        %mul3A_604 = arith.constant 56 : i32
        %mul3A_605 = arith.muli %add3A_603, %mul3A_604 : i32
        %dma_start3A_606 = arith.constant 0 : i32
        %dma_start3A_607 = arith.constant 0 : i32
        %dma_start3A_608 = arith.constant 0 : i32
        %dma_start3A_609 = tpu.memref_slice %arg7[%dma_start3A_607, %dma_start3A_608] : memref<504x64xf32, #tpu.memory_space<vmem>> -> memref<56x64xf32, #tpu.memory_space<vmem>>
        %dma_start3A_610 = tpu.memref_slice %arg5[%dma_start3A_606, %mul3A_605] : memref<9x1568xi32, #tpu.memory_space<vmem>> -> memref<1x56xi32, #tpu.memory_space<vmem>>
        %dma_start3A_611 = tpu.memref_squeeze %dma_start3A_610 : memref<1x56xi32, #tpu.memory_space<vmem>> -> memref<56xi32, #tpu.memory_space<vmem>>
        %dma_start3A_612 = arith.constant 0 : i32
        %dma_start3A_613 = arith.constant 0 : i32
        %dma_start3A_614 = tpu.memref_slice %arg2[%dma_start3A_612, %dma_start3A_613] : memref<90000x64xf32, #tpu.memory_space<hbm>> -> memref<90000x64xf32, #tpu.memory_space<hbm>>
        tpu.enqueue_indirect_dma source(%dma_start3A_614 : memref<90000x64xf32, #tpu.memory_space<hbm>>) target(%dma_start3A_609 : memref<56x64xf32, #tpu.memory_space<vmem>>) offsets(%dma_start3A_611 : memref<56xi32, #tpu.memory_space<vmem>>) semaphore(%arg14 : memref<!tpu.dma_semaphore, #tpu.memory_space<semaphore_mem>>)
        %mul3A_615 = arith.constant 56 : i32
        %mul3A_616 = arith.muli %add3A_603, %mul3A_615 : i32
        %dma_start3A_617 = arith.constant 1 : i32
        %dma_start3A_618 = arith.constant 56 : i32
        %dma_start3A_619 = arith.constant 0 : i32
        %dma_start3A_620 = tpu.memref_slice %arg7[%dma_start3A_618, %dma_start3A_619] : memref<504x64xf32, #tpu.memory_space<vmem>> -> memref<56x64xf32, #tpu.memory_space<vmem>>
        %dma_start3A_621 = tpu.memref_slice %arg5[%dma_start3A_617, %mul3A_616] : memref<9x1568xi32, #tpu.memory_space<vmem>> -> memref<1x56xi32, #tpu.memory_space<vmem>>
        %dma_start3A_622 = tpu.memref_squeeze %dma_start3A_621 : memref<1x56xi32, #tpu.memory_space<vmem>> -> memref<56xi32, #tpu.memory_space<vmem>>
        %dma_start3A_623 = arith.constant 0 : i32
        %dma_start3A_624 = arith.constant 0 : i32
        %dma_start3A_625 = tpu.memref_slice %arg2[%dma_start3A_623, %dma_start3A_624] : memref<90000x64xf32, #tpu.memory_space<hbm>> -> memref<90000x64xf32, #tpu.memory_space<hbm>>
        tpu.enqueue_indirect_dma source(%dma_start3A_625 : memref<90000x64xf32, #tpu.memory_space<hbm>>) target(%dma_start3A_620 : memref<56x64xf32, #tpu.memory_space<vmem>>) offsets(%dma_start3A_622 : memref<56xi32, #tpu.memory_space<vmem>>) semaphore(%arg14 : memref<!tpu.dma_semaphore, #tpu.memory_space<semaphore_mem>>)
        %mul3A_626 = arith.constant 56 : i32
        %mul3A_627 = arith.muli %add3A_603, %mul3A_626 : i32
        %dma_start3A_628 = arith.constant 2 : i32
        %dma_start3A_629 = arith.constant 112 : i32
        %dma_start3A_630 = arith.constant 0 : i32
        %dma_start3A_631 = tpu.memref_slice %arg7[%dma_start3A_629, %dma_start3A_630] : memref<504x64xf32, #tpu.memory_space<vmem>> -> memref<56x64xf32, #tpu.memory_space<vmem>>
        %dma_start3A_632 = tpu.memref_slice %arg5[%dma_start3A_628, %mul3A_627] : memref<9x1568xi32, #tpu.memory_space<vmem>> -> memref<1x56xi32, #tpu.memory_space<vmem>>
        %dma_start3A_633 = tpu.memref_squeeze %dma_start3A_632 : memref<1x56xi32, #tpu.memory_space<vmem>> -> memref<56xi32, #tpu.memory_space<vmem>>
        %dma_start3A_634 = arith.constant 0 : i32
        %dma_start3A_635 = arith.constant 0 : i32
        %dma_start3A_636 = tpu.memref_slice %arg2[%dma_start3A_634, %dma_start3A_635] : memref<90000x64xf32, #tpu.memory_space<hbm>> -> memref<90000x64xf32, #tpu.memory_space<hbm>>
        tpu.enqueue_indirect_dma source(%dma_start3A_636 : memref<90000x64xf32, #tpu.memory_space<hbm>>) target(%dma_start3A_631 : memref<56x64xf32, #tpu.memory_space<vmem>>) offsets(%dma_start3A_633 : memref<56xi32, #tpu.memory_space<vmem>>) semaphore(%arg14 : memref<!tpu.dma_semaphore, #tpu.memory_space<semaphore_mem>>)
        %mul3A_637 = arith.constant 56 : i32
        %mul3A_638 = arith.muli %add3A_603, %mul3A_637 : i32
        %dma_start3A_639 = arith.constant 3 : i32
        %dma_start3A_640 = arith.constant 168 : i32
        %dma_start3A_641 = arith.constant 0 : i32
        %dma_start3A_642 = tpu.memref_slice %arg7[%dma_start3A_640, %dma_start3A_641] : memref<504x64xf32, #tpu.memory_space<vmem>> -> memref<56x64xf32, #tpu.memory_space<vmem>>
        %dma_start3A_643 = tpu.memref_slice %arg5[%dma_start3A_639, %mul3A_638] : memref<9x1568xi32, #tpu.memory_space<vmem>> -> memref<1x56xi32, #tpu.memory_space<vmem>>
        %dma_start3A_644 = tpu.memref_squeeze %dma_start3A_643 : memref<1x56xi32, #tpu.memory_space<vmem>> -> memref<56xi32, #tpu.memory_space<vmem>>
        %dma_start3A_645 = arith.constant 0 : i32
        %dma_start3A_646 = arith.constant 0 : i32
        %dma_start3A_647 = tpu.memref_slice %arg2[%dma_start3A_645, %dma_start3A_646] : memref<90000x64xf32, #tpu.memory_space<hbm>> -> memref<90000x64xf32, #tpu.memory_space<hbm>>
        tpu.enqueue_indirect_dma source(%dma_start3A_647 : memref<90000x64xf32, #tpu.memory_space<hbm>>) target(%dma_start3A_642 : memref<56x64xf32, #tpu.memory_space<vmem>>) offsets(%dma_start3A_644 : memref<56xi32, #tpu.memory_space<vmem>>) semaphore(%arg14 : memref<!tpu.dma_semaphore, #tpu.memory_space<semaphore_mem>>)
        %mul3A_648 = arith.constant 56 : i32
        %mul3A_649 = arith.muli %add3A_603, %mul3A_648 : i32
        %dma_start3A_650 = arith.constant 4 : i32
        %dma_start3A_651 = arith.constant 224 : i32
        %dma_start3A_652 = arith.constant 0 : i32
        %dma_start3A_653 = tpu.memref_slice %arg7[%dma_start3A_651, %dma_start3A_652] : memref<504x64xf32, #tpu.memory_space<vmem>> -> memref<56x64xf32, #tpu.memory_space<vmem>>
        %dma_start3A_654 = tpu.memref_slice %arg5[%dma_start3A_650, %mul3A_649] : memref<9x1568xi32, #tpu.memory_space<vmem>> -> memref<1x56xi32, #tpu.memory_space<vmem>>
        %dma_start3A_655 = tpu.memref_squeeze %dma_start3A_654 : memref<1x56xi32, #tpu.memory_space<vmem>> -> memref<56xi32, #tpu.memory_space<vmem>>
        %dma_start3A_656 = arith.constant 0 : i32
        %dma_start3A_657 = arith.constant 0 : i32
        %dma_start3A_658 = tpu.memref_slice %arg2[%dma_start3A_656, %dma_start3A_657] : memref<90000x64xf32, #tpu.memory_space<hbm>> -> memref<90000x64xf32, #tpu.memory_space<hbm>>
        tpu.enqueue_indirect_dma source(%dma_start3A_658 : memref<90000x64xf32, #tpu.memory_space<hbm>>) target(%dma_start3A_653 : memref<56x64xf32, #tpu.memory_space<vmem>>) offsets(%dma_start3A_655 : memref<56xi32, #tpu.memory_space<vmem>>) semaphore(%arg14 : memref<!tpu.dma_semaphore, #tpu.memory_space<semaphore_mem>>)
        %mul3A_659 = arith.constant 56 : i32
        %mul3A_660 = arith.muli %add3A_603, %mul3A_659 : i32
        %dma_start3A_661 = arith.constant 5 : i32
        %dma_start3A_662 = arith.constant 280 : i32
        %dma_start3A_663 = arith.constant 0 : i32
        %dma_start3A_664 = tpu.memref_slice %arg7[%dma_start3A_662, %dma_start3A_663] : memref<504x64xf32, #tpu.memory_space<vmem>> -> memref<56x64xf32, #tpu.memory_space<vmem>>
        %dma_start3A_665 = tpu.memref_slice %arg5[%dma_start3A_661, %mul3A_660] : memref<9x1568xi32, #tpu.memory_space<vmem>> -> memref<1x56xi32, #tpu.memory_space<vmem>>
        %dma_start3A_666 = tpu.memref_squeeze %dma_start3A_665 : memref<1x56xi32, #tpu.memory_space<vmem>> -> memref<56xi32, #tpu.memory_space<vmem>>
        %dma_start3A_667 = arith.constant 0 : i32
        %dma_start3A_668 = arith.constant 0 : i32
        %dma_start3A_669 = tpu.memref_slice %arg2[%dma_start3A_667, %dma_start3A_668] : memref<90000x64xf32, #tpu.memory_space<hbm>> -> memref<90000x64xf32, #tpu.memory_space<hbm>>
        tpu.enqueue_indirect_dma source(%dma_start3A_669 : memref<90000x64xf32, #tpu.memory_space<hbm>>) target(%dma_start3A_664 : memref<56x64xf32, #tpu.memory_space<vmem>>) offsets(%dma_start3A_666 : memref<56xi32, #tpu.memory_space<vmem>>) semaphore(%arg14 : memref<!tpu.dma_semaphore, #tpu.memory_space<semaphore_mem>>)
        %mul3A_670 = arith.constant 56 : i32
        %mul3A_671 = arith.muli %add3A_603, %mul3A_670 : i32
        %dma_start3A_672 = arith.constant 6 : i32
        %dma_start3A_673 = arith.constant 336 : i32
        %dma_start3A_674 = arith.constant 0 : i32
        %dma_start3A_675 = tpu.memref_slice %arg7[%dma_start3A_673, %dma_start3A_674] : memref<504x64xf32, #tpu.memory_space<vmem>> -> memref<56x64xf32, #tpu.memory_space<vmem>>
        %dma_start3A_676 = tpu.memref_slice %arg5[%dma_start3A_672, %mul3A_671] : memref<9x1568xi32, #tpu.memory_space<vmem>> -> memref<1x56xi32, #tpu.memory_space<vmem>>
        %dma_start3A_677 = tpu.memref_squeeze %dma_start3A_676 : memref<1x56xi32, #tpu.memory_space<vmem>> -> memref<56xi32, #tpu.memory_space<vmem>>
        %dma_start3A_678 = arith.constant 0 : i32
        %dma_start3A_679 = arith.constant 0 : i32
        %dma_start3A_680 = tpu.memref_slice %arg2[%dma_start3A_678, %dma_start3A_679] : memref<90000x64xf32, #tpu.memory_space<hbm>> -> memref<90000x64xf32, #tpu.memory_space<hbm>>
        tpu.enqueue_indirect_dma source(%dma_start3A_680 : memref<90000x64xf32, #tpu.memory_space<hbm>>) target(%dma_start3A_675 : memref<56x64xf32, #tpu.memory_space<vmem>>) offsets(%dma_start3A_677 : memref<56xi32, #tpu.memory_space<vmem>>) semaphore(%arg14 : memref<!tpu.dma_semaphore, #tpu.memory_space<semaphore_mem>>)
        %mul3A_681 = arith.constant 56 : i32
        %mul3A_682 = arith.muli %add3A_603, %mul3A_681 : i32
        %dma_start3A_683 = arith.constant 7 : i32
        %dma_start3A_684 = arith.constant 392 : i32
        %dma_start3A_685 = arith.constant 0 : i32
        %dma_start3A_686 = tpu.memref_slice %arg7[%dma_start3A_684, %dma_start3A_685] : memref<504x64xf32, #tpu.memory_space<vmem>> -> memref<56x64xf32, #tpu.memory_space<vmem>>
        %dma_start3A_687 = tpu.memref_slice %arg5[%dma_start3A_683, %mul3A_682] : memref<9x1568xi32, #tpu.memory_space<vmem>> -> memref<1x56xi32, #tpu.memory_space<vmem>>
        %dma_start3A_688 = tpu.memref_squeeze %dma_start3A_687 : memref<1x56xi32, #tpu.memory_space<vmem>> -> memref<56xi32, #tpu.memory_space<vmem>>
        %dma_start3A_689 = arith.constant 0 : i32
        %dma_start3A_690 = arith.constant 0 : i32
        %dma_start3A_691 = tpu.memref_slice %arg2[%dma_start3A_689, %dma_start3A_690] : memref<90000x64xf32, #tpu.memory_space<hbm>> -> memref<90000x64xf32, #tpu.memory_space<hbm>>
        tpu.enqueue_indirect_dma source(%dma_start3A_691 : memref<90000x64xf32, #tpu.memory_space<hbm>>) target(%dma_start3A_686 : memref<56x64xf32, #tpu.memory_space<vmem>>) offsets(%dma_start3A_688 : memref<56xi32, #tpu.memory_space<vmem>>) semaphore(%arg14 : memref<!tpu.dma_semaphore, #tpu.memory_space<semaphore_mem>>)
        %mul3A_692 = arith.constant 56 : i32
        %mul3A_693 = arith.muli %add3A_603, %mul3A_692 : i32
        %dma_start3A_694 = arith.constant 8 : i32
        %dma_start3A_695 = arith.constant 448 : i32
        %dma_start3A_696 = arith.constant 0 : i32
        %dma_start3A_697 = tpu.memref_slice %arg7[%dma_start3A_695, %dma_start3A_696] : memref<504x64xf32, #tpu.memory_space<vmem>> -> memref<56x64xf32, #tpu.memory_space<vmem>>
        %dma_start3A_698 = tpu.memref_slice %arg5[%dma_start3A_694, %mul3A_693] : memref<9x1568xi32, #tpu.memory_space<vmem>> -> memref<1x56xi32, #tpu.memory_space<vmem>>
        %dma_start3A_699 = tpu.memref_squeeze %dma_start3A_698 : memref<1x56xi32, #tpu.memory_space<vmem>> -> memref<56xi32, #tpu.memory_space<vmem>>
        %dma_start3A_700 = arith.constant 0 : i32
        %dma_start3A_701 = arith.constant 0 : i32
        %dma_start3A_702 = tpu.memref_slice %arg2[%dma_start3A_700, %dma_start3A_701] : memref<90000x64xf32, #tpu.memory_space<hbm>> -> memref<90000x64xf32, #tpu.memory_space<hbm>>
        tpu.enqueue_indirect_dma source(%dma_start3A_702 : memref<90000x64xf32, #tpu.memory_space<hbm>>) target(%dma_start3A_697 : memref<56x64xf32, #tpu.memory_space<vmem>>) offsets(%dma_start3A_699 : memref<56xi32, #tpu.memory_space<vmem>>) semaphore(%arg14 : memref<!tpu.dma_semaphore, #tpu.memory_space<semaphore_mem>>)
      } else {
      }
      %mul3A_572 = arith.constant 3 : i32
      %mul3A_573 = arith.muli %mul3A_572, %scan3A_418 : i32
      %add3A_574 = arith.constant 2 : i32
      %add3A_575 = arith.addi %mul3A_573, %add3A_574 : i32
      %dma_wait3A_576 = arith.constant 0 : i32
      %dma_wait3A_577 = arith.constant 0 : i32
      %dma_wait3A_578 = tpu.memref_slice %arg2[%dma_wait3A_576, %dma_wait3A_577] : memref<90000x64xf32, #tpu.memory_space<hbm>> -> memref<504x64xf32, #tpu.memory_space<hbm>>
      %dma_wait3A_579 = arith.constant 0 : i32
      %dma_wait3A_580 = arith.constant 0 : i32
      %dma_wait3A_581 = tpu.memref_slice %arg2[%dma_wait3A_579, %dma_wait3A_580] : memref<90000x64xf32, #tpu.memory_space<hbm>> -> memref<504x64xf32, #tpu.memory_space<hbm>>
      tpu.wait_dma2 semaphore(%arg15 : memref<!tpu.dma_semaphore, #tpu.memory_space<semaphore_mem>>) src(%dma_wait3A_581 : memref<504x64xf32, #tpu.memory_space<hbm>>) dst(%arg8 : memref<504x64xf32, #tpu.memory_space<vmem>>)
      %gt3A_582 = arith.constant 0 : i32
      %gt3A_583 = arith.cmpi sgt, %scan3A_418, %gt3A_582 : i32
      %convert_element_type3A_584 = arith.extui %gt3A_583 : i1 to i32
      %cond3A_585 = arith.constant 0 : i32
      %cond3A_586 = arith.cmpi ne, %convert_element_type3A_584, %cond3A_585 : i32
      scf.if %cond3A_586 {
        %dma_wait3A_602 = arith.constant 0 : i32
        %dma_wait3A_603 = arith.constant 0 : i32
        %dma_wait3A_604 = tpu.memref_slice %arg4[%dma_wait3A_602, %dma_wait3A_603] : memref<50000x64xf32, #tpu.memory_space<hbm>> -> memref<56x64xf32, #tpu.memory_space<hbm>>
        %dma_wait3A_605 = arith.constant 0 : i32
        %dma_wait3A_606 = arith.constant 0 : i32
        %dma_wait3A_607 = tpu.memref_slice %arg4[%dma_wait3A_605, %dma_wait3A_606] : memref<50000x64xf32, #tpu.memory_space<hbm>> -> memref<56x64xf32, #tpu.memory_space<hbm>>
        tpu.wait_dma2 semaphore(%arg18 : memref<!tpu.dma_semaphore, #tpu.memory_space<semaphore_mem>>) src(%arg11 : memref<56x64xf32, #tpu.memory_space<vmem>>) dst(%dma_wait3A_607 : memref<56x64xf32, #tpu.memory_space<hbm>>)
      } else {
      }
      %parallel_loop3A_587 = arith.constant 0 : i32
      %parallel_loop3A_588 = arith.constant 56 : i32
      %parallel_loop3A_589 = arith.constant 1 : i32
      scf.for %parallel_loop3A_602 = %parallel_loop3A_587 to %parallel_loop3A_588 step %parallel_loop3A_589  : i32 {
        %parallel_loop3A_603 = arith.index_cast %parallel_loop3A_602 : i32 to index
        %parallel_loop3A_604 = arith.constant 0 : index
        %parallel_loop3A_605 = tpu.vector_load %arg8[%parallel_loop3A_603, %parallel_loop3A_604] {strides = array<i32>} : memref<504x64xf32, #tpu.memory_space<vmem>>, vector<1x16xf32>,
        %parallel_loop3A_606 = vector.shape_cast %parallel_loop3A_605 : vector<1x16xf32> to vector<16xf32>
        %parallel_loop3A_607 = arith.constant 56 : i32
        %parallel_loop3A_608 = arith.addi %parallel_loop3A_607, %parallel_loop3A_602 : i32
        %parallel_loop3A_609 = arith.index_cast %parallel_loop3A_608 : i32 to index
        %parallel_loop3A_610 = arith.constant 0 : index
        %parallel_loop3A_611 = tpu.vector_load %arg8[%parallel_loop3A_609, %parallel_loop3A_610] {strides = array<i32>} : memref<504x64xf32, #tpu.memory_space<vmem>>, vector<1x16xf32>,
        %parallel_loop3A_612 = vector.shape_cast %parallel_loop3A_611 : vector<1x16xf32> to vector<16xf32>
        %parallel_loop3A_613 = arith.addf %parallel_loop3A_606, %parallel_loop3A_612 : vector<16xf32>
        %parallel_loop3A_614 = arith.constant 112 : i32
        %parallel_loop3A_615 = arith.addi %parallel_loop3A_614, %parallel_loop3A_602 : i32
        %parallel_loop3A_616 = arith.index_cast %parallel_loop3A_615 : i32 to index
        %parallel_loop3A_617 = arith.constant 0 : index
        %parallel_loop3A_618 = tpu.vector_load %arg8[%parallel_loop3A_616, %parallel_loop3A_617] {strides = array<i32>} : memref<504x64xf32, #tpu.memory_space<vmem>>, vector<1x16xf32>,
        %parallel_loop3A_619 = vector.shape_cast %parallel_loop3A_618 : vector<1x16xf32> to vector<16xf32>
        %parallel_loop3A_620 = arith.addf %parallel_loop3A_613, %parallel_loop3A_619 : vector<16xf32>
        %parallel_loop3A_621 = arith.constant 168 : i32
        %parallel_loop3A_622 = arith.addi %parallel_loop3A_621, %parallel_loop3A_602 : i32
        %parallel_loop3A_623 = arith.index_cast %parallel_loop3A_622 : i32 to index
        %parallel_loop3A_624 = arith.constant 0 : index
        %parallel_loop3A_625 = tpu.vector_load %arg8[%parallel_loop3A_623, %parallel_loop3A_624] {strides = array<i32>} : memref<504x64xf32, #tpu.memory_space<vmem>>, vector<1x16xf32>,
        %parallel_loop3A_626 = vector.shape_cast %parallel_loop3A_625 : vector<1x16xf32> to vector<16xf32>
        %parallel_loop3A_627 = arith.addf %parallel_loop3A_620, %parallel_loop3A_626 : vector<16xf32>
        %parallel_loop3A_628 = arith.constant 224 : i32
        %parallel_loop3A_629 = arith.addi %parallel_loop3A_628, %parallel_loop3A_602 : i32
        %parallel_loop3A_630 = arith.index_cast %parallel_loop3A_629 : i32 to index
        %parallel_loop3A_631 = arith.constant 0 : index
        %parallel_loop3A_632 = tpu.vector_load %arg8[%parallel_loop3A_630, %parallel_loop3A_631] {strides = array<i32>} : memref<504x64xf32, #tpu.memory_space<vmem>>, vector<1x16xf32>,
        %parallel_loop3A_633 = vector.shape_cast %parallel_loop3A_632 : vector<1x16xf32> to vector<16xf32>
        %parallel_loop3A_634 = arith.addf %parallel_loop3A_627, %parallel_loop3A_633 : vector<16xf32>
        %parallel_loop3A_635 = arith.constant 280 : i32
        %parallel_loop3A_636 = arith.addi %parallel_loop3A_635, %parallel_loop3A_602 : i32
        %parallel_loop3A_637 = arith.index_cast %parallel_loop3A_636 : i32 to index
        %parallel_loop3A_638 = arith.constant 0 : index
        %parallel_loop3A_639 = tpu.vector_load %arg8[%parallel_loop3A_637, %parallel_loop3A_638] {strides = array<i32>} : memref<504x64xf32, #tpu.memory_space<vmem>>, vector<1x16xf32>,
        %parallel_loop3A_640 = vector.shape_cast %parallel_loop3A_639 : vector<1x16xf32> to vector<16xf32>
        %parallel_loop3A_641 = arith.addf %parallel_loop3A_634, %parallel_loop3A_640 : vector<16xf32>
        %parallel_loop3A_642 = arith.constant 336 : i32
        %parallel_loop3A_643 = arith.addi %parallel_loop3A_642, %parallel_loop3A_602 : i32
        %parallel_loop3A_644 = arith.index_cast %parallel_loop3A_643 : i32 to index
        %parallel_loop3A_645 = arith.constant 0 : index
        %parallel_loop3A_646 = tpu.vector_load %arg8[%parallel_loop3A_644, %parallel_loop3A_645] {strides = array<i32>} : memref<504x64xf32, #tpu.memory_space<vmem>>, vector<1x16xf32>,
        %parallel_loop3A_647 = vector.shape_cast %parallel_loop3A_646 : vector<1x16xf32> to vector<16xf32>
        %parallel_loop3A_648 = arith.addf %parallel_loop3A_641, %parallel_loop3A_647 : vector<16xf32>
        %parallel_loop3A_649 = arith.constant 392 : i32
        %parallel_loop3A_650 = arith.addi %parallel_loop3A_649, %parallel_loop3A_602 : i32
        %parallel_loop3A_651 = arith.index_cast %parallel_loop3A_650 : i32 to index
        %parallel_loop3A_652 = arith.constant 0 : index
        %parallel_loop3A_653 = tpu.vector_load %arg8[%parallel_loop3A_651, %parallel_loop3A_652] {strides = array<i32>} : memref<504x64xf32, #tpu.memory_space<vmem>>, vector<1x16xf32>,
        %parallel_loop3A_654 = vector.shape_cast %parallel_loop3A_653 : vector<1x16xf32> to vector<16xf32>
        %parallel_loop3A_655 = arith.addf %parallel_loop3A_648, %parallel_loop3A_654 : vector<16xf32>
        %parallel_loop3A_656 = arith.constant 448 : i32
        %parallel_loop3A_657 = arith.addi %parallel_loop3A_656, %parallel_loop3A_602 : i32
        %parallel_loop3A_658 = arith.index_cast %parallel_loop3A_657 : i32 to index
        %parallel_loop3A_659 = arith.constant 0 : index
        %parallel_loop3A_660 = tpu.vector_load %arg8[%parallel_loop3A_658, %parallel_loop3A_659] {strides = array<i32>} : memref<504x64xf32, #tpu.memory_space<vmem>>, vector<1x16xf32>,
        %parallel_loop3A_661 = vector.shape_cast %parallel_loop3A_660 : vector<1x16xf32> to vector<16xf32>
        %parallel_loop3A_662 = arith.addf %parallel_loop3A_655, %parallel_loop3A_661 : vector<16xf32>
        %parallel_loop3A_663 = arith.index_cast %parallel_loop3A_602 : i32 to index
        %parallel_loop3A_664 = arith.constant 0 : index
        %parallel_loop3A_665 = tpu.vector_load %arg11[%parallel_loop3A_663, %parallel_loop3A_664] {strides = array<i32>} : memref<56x64xf32, #tpu.memory_space<vmem>>, vector<1x16xf32>,
        %parallel_loop3A_666 = vector.shape_cast %parallel_loop3A_665 : vector<1x16xf32> to vector<16xf32>
        %parallel_loop3A_667 = vector.shape_cast %parallel_loop3A_662 : vector<16xf32> to vector<1x16xf32>
        tpu.vector_store %arg11[%parallel_loop3A_663, %parallel_loop3A_664], %parallel_loop3A_667 {strides = array<i32>} : memref<56x64xf32, #tpu.memory_space<vmem>>, vector<1x16xf32>,
        %parallel_loop3A_668 = arith.index_cast %parallel_loop3A_602 : i32 to index
        %parallel_loop3A_669 = arith.constant 16 : index
        %parallel_loop3A_670 = tpu.vector_load %arg8[%parallel_loop3A_668, %parallel_loop3A_669] {strides = array<i32>} : memref<504x64xf32, #tpu.memory_space<vmem>>, vector<1x16xf32>,
        %parallel_loop3A_671 = vector.shape_cast %parallel_loop3A_670 : vector<1x16xf32> to vector<16xf32>
        %parallel_loop3A_672 = arith.constant 56 : i32
        %parallel_loop3A_673 = arith.addi %parallel_loop3A_672, %parallel_loop3A_602 : i32
        %parallel_loop3A_674 = arith.index_cast %parallel_loop3A_673 : i32 to index
        %parallel_loop3A_675 = arith.constant 16 : index
        %parallel_loop3A_676 = tpu.vector_load %arg8[%parallel_loop3A_674, %parallel_loop3A_675] {strides = array<i32>} : memref<504x64xf32, #tpu.memory_space<vmem>>, vector<1x16xf32>,
        %parallel_loop3A_677 = vector.shape_cast %parallel_loop3A_676 : vector<1x16xf32> to vector<16xf32>
        %parallel_loop3A_678 = arith.addf %parallel_loop3A_671, %parallel_loop3A_677 : vector<16xf32>
        %parallel_loop3A_679 = arith.constant 112 : i32
        %parallel_loop3A_680 = arith.addi %parallel_loop3A_679, %parallel_loop3A_602 : i32
        %parallel_loop3A_681 = arith.index_cast %parallel_loop3A_680 : i32 to index
        %parallel_loop3A_682 = arith.constant 16 : index
        %parallel_loop3A_683 = tpu.vector_load %arg8[%parallel_loop3A_681, %parallel_loop3A_682] {strides = array<i32>} : memref<504x64xf32, #tpu.memory_space<vmem>>, vector<1x16xf32>,
        %parallel_loop3A_684 = vector.shape_cast %parallel_loop3A_683 : vector<1x16xf32> to vector<16xf32>
        %parallel_loop3A_685 = arith.addf %parallel_loop3A_678, %parallel_loop3A_684 : vector<16xf32>
        %parallel_loop3A_686 = arith.constant 168 : i32
        %parallel_loop3A_687 = arith.addi %parallel_loop3A_686, %parallel_loop3A_602 : i32
        %parallel_loop3A_688 = arith.index_cast %parallel_loop3A_687 : i32 to index
        %parallel_loop3A_689 = arith.constant 16 : index
        %parallel_loop3A_690 = tpu.vector_load %arg8[%parallel_loop3A_688, %parallel_loop3A_689] {strides = array<i32>} : memref<504x64xf32, #tpu.memory_space<vmem>>, vector<1x16xf32>,
        %parallel_loop3A_691 = vector.shape_cast %parallel_loop3A_690 : vector<1x16xf32> to vector<16xf32>
        %parallel_loop3A_692 = arith.addf %parallel_loop3A_685, %parallel_loop3A_691 : vector<16xf32>
        %parallel_loop3A_693 = arith.constant 224 : i32
        %parallel_loop3A_694 = arith.addi %parallel_loop3A_693, %parallel_loop3A_602 : i32
        %parallel_loop3A_695 = arith.index_cast %parallel_loop3A_694 : i32 to index
        %parallel_loop3A_696 = arith.constant 16 : index
        %parallel_loop3A_697 = tpu.vector_load %arg8[%parallel_loop3A_695, %parallel_loop3A_696] {strides = array<i32>} : memref<504x64xf32, #tpu.memory_space<vmem>>, vector<1x16xf32>,
        %parallel_loop3A_698 = vector.shape_cast %parallel_loop3A_697 : vector<1x16xf32> to vector<16xf32>
        %parallel_loop3A_699 = arith.addf %parallel_loop3A_692, %parallel_loop3A_698 : vector<16xf32>
        %parallel_loop3A_700 = arith.constant 280 : i32
        %parallel_loop3A_701 = arith.addi %parallel_loop3A_700, %parallel_loop3A_602 : i32
        %parallel_loop3A_702 = arith.index_cast %parallel_loop3A_701 : i32 to index
        %parallel_loop3A_703 = arith.constant 16 : index
        %parallel_loop3A_704 = tpu.vector_load %arg8[%parallel_loop3A_702, %parallel_loop3A_703] {strides = array<i32>} : memref<504x64xf32, #tpu.memory_space<vmem>>, vector<1x16xf32>,
        %parallel_loop3A_705 = vector.shape_cast %parallel_loop3A_704 : vector<1x16xf32> to vector<16xf32>
        %parallel_loop3A_706 = arith.addf %parallel_loop3A_699, %parallel_loop3A_705 : vector<16xf32>
        %parallel_loop3A_707 = arith.constant 336 : i32
        %parallel_loop3A_708 = arith.addi %parallel_loop3A_707, %parallel_loop3A_602 : i32
        %parallel_loop3A_709 = arith.index_cast %parallel_loop3A_708 : i32 to index
        %parallel_loop3A_710 = arith.constant 16 : index
        %parallel_loop3A_711 = tpu.vector_load %arg8[%parallel_loop3A_709, %parallel_loop3A_710] {strides = array<i32>} : memref<504x64xf32, #tpu.memory_space<vmem>>, vector<1x16xf32>,
        %parallel_loop3A_712 = vector.shape_cast %parallel_loop3A_711 : vector<1x16xf32> to vector<16xf32>
        %parallel_loop3A_713 = arith.addf %parallel_loop3A_706, %parallel_loop3A_712 : vector<16xf32>
        %parallel_loop3A_714 = arith.constant 392 : i32
        %parallel_loop3A_715 = arith.addi %parallel_loop3A_714, %parallel_loop3A_602 : i32
        %parallel_loop3A_716 = arith.index_cast %parallel_loop3A_715 : i32 to index
        %parallel_loop3A_717 = arith.constant 16 : index
        %parallel_loop3A_718 = tpu.vector_load %arg8[%parallel_loop3A_716, %parallel_loop3A_717] {strides = array<i32>} : memref<504x64xf32, #tpu.memory_space<vmem>>, vector<1x16xf32>,
        %parallel_loop3A_719 = vector.shape_cast %parallel_loop3A_718 : vector<1x16xf32> to vector<16xf32>
        %parallel_loop3A_720 = arith.addf %parallel_loop3A_713, %parallel_loop3A_719 : vector<16xf32>
        %parallel_loop3A_721 = arith.constant 448 : i32
        %parallel_loop3A_722 = arith.addi %parallel_loop3A_721, %parallel_loop3A_602 : i32
        %parallel_loop3A_723 = arith.index_cast %parallel_loop3A_722 : i32 to index
        %parallel_loop3A_724 = arith.constant 16 : index
        %parallel_loop3A_725 = tpu.vector_load %arg8[%parallel_loop3A_723, %parallel_loop3A_724] {strides = array<i32>} : memref<504x64xf32, #tpu.memory_space<vmem>>, vector<1x16xf32>,
        %parallel_loop3A_726 = vector.shape_cast %parallel_loop3A_725 : vector<1x16xf32> to vector<16xf32>
        %parallel_loop3A_727 = arith.addf %parallel_loop3A_720, %parallel_loop3A_726 : vector<16xf32>
        %parallel_loop3A_728 = arith.index_cast %parallel_loop3A_602 : i32 to index
        %parallel_loop3A_729 = arith.constant 16 : index
        %parallel_loop3A_730 = tpu.vector_load %arg11[%parallel_loop3A_728, %parallel_loop3A_729] {strides = array<i32>} : memref<56x64xf32, #tpu.memory_space<vmem>>, vector<1x16xf32>,
        %parallel_loop3A_731 = vector.shape_cast %parallel_loop3A_730 : vector<1x16xf32> to vector<16xf32>
        %parallel_loop3A_732 = vector.shape_cast %parallel_loop3A_727 : vector<16xf32> to vector<1x16xf32>
        tpu.vector_store %arg11[%parallel_loop3A_728, %parallel_loop3A_729], %parallel_loop3A_732 {strides = array<i32>} : memref<56x64xf32, #tpu.memory_space<vmem>>, vector<1x16xf32>,
        %parallel_loop3A_733 = arith.index_cast %parallel_loop3A_602 : i32 to index
        %parallel_loop3A_734 = arith.constant 32 : index
        %parallel_loop3A_735 = tpu.vector_load %arg8[%parallel_loop3A_733, %parallel_loop3A_734] {strides = array<i32>} : memref<504x64xf32, #tpu.memory_space<vmem>>, vector<1x16xf32>,
        %parallel_loop3A_736 = vector.shape_cast %parallel_loop3A_735 : vector<1x16xf32> to vector<16xf32>
        %parallel_loop3A_737 = arith.constant 56 : i32
        %parallel_loop3A_738 = arith.addi %parallel_loop3A_737, %parallel_loop3A_602 : i32
        %parallel_loop3A_739 = arith.index_cast %parallel_loop3A_738 : i32 to index
        %parallel_loop3A_740 = arith.constant 32 : index
        %parallel_loop3A_741 = tpu.vector_load %arg8[%parallel_loop3A_739, %parallel_loop3A_740] {strides = array<i32>} : memref<504x64xf32, #tpu.memory_space<vmem>>, vector<1x16xf32>,
        %parallel_loop3A_742 = vector.shape_cast %parallel_loop3A_741 : vector<1x16xf32> to vector<16xf32>
        %parallel_loop3A_743 = arith.addf %parallel_loop3A_736, %parallel_loop3A_742 : vector<16xf32>
        %parallel_loop3A_744 = arith.constant 112 : i32
        %parallel_loop3A_745 = arith.addi %parallel_loop3A_744, %parallel_loop3A_602 : i32
        %parallel_loop3A_746 = arith.index_cast %parallel_loop3A_745 : i32 to index
        %parallel_loop3A_747 = arith.constant 32 : index
        %parallel_loop3A_748 = tpu.vector_load %arg8[%parallel_loop3A_746, %parallel_loop3A_747] {strides = array<i32>} : memref<504x64xf32, #tpu.memory_space<vmem>>, vector<1x16xf32>,
        %parallel_loop3A_749 = vector.shape_cast %parallel_loop3A_748 : vector<1x16xf32> to vector<16xf32>
        %parallel_loop3A_750 = arith.addf %parallel_loop3A_743, %parallel_loop3A_749 : vector<16xf32>
        %parallel_loop3A_751 = arith.constant 168 : i32
        %parallel_loop3A_752 = arith.addi %parallel_loop3A_751, %parallel_loop3A_602 : i32
        %parallel_loop3A_753 = arith.index_cast %parallel_loop3A_752 : i32 to index
        %parallel_loop3A_754 = arith.constant 32 : index
        %parallel_loop3A_755 = tpu.vector_load %arg8[%parallel_loop3A_753, %parallel_loop3A_754] {strides = array<i32>} : memref<504x64xf32, #tpu.memory_space<vmem>>, vector<1x16xf32>,
        %parallel_loop3A_756 = vector.shape_cast %parallel_loop3A_755 : vector<1x16xf32> to vector<16xf32>
        %parallel_loop3A_757 = arith.addf %parallel_loop3A_750, %parallel_loop3A_756 : vector<16xf32>
        %parallel_loop3A_758 = arith.constant 224 : i32
        %parallel_loop3A_759 = arith.addi %parallel_loop3A_758, %parallel_loop3A_602 : i32
        %parallel_loop3A_760 = arith.index_cast %parallel_loop3A_759 : i32 to index
        %parallel_loop3A_761 = arith.constant 32 : index
        %parallel_loop3A_762 = tpu.vector_load %arg8[%parallel_loop3A_760, %parallel_loop3A_761] {strides = array<i32>} : memref<504x64xf32, #tpu.memory_space<vmem>>, vector<1x16xf32>,
        %parallel_loop3A_763 = vector.shape_cast %parallel_loop3A_762 : vector<1x16xf32> to vector<16xf32>
        %parallel_loop3A_764 = arith.addf %parallel_loop3A_757, %parallel_loop3A_763 : vector<16xf32>
        %parallel_loop3A_765 = arith.constant 280 : i32
        %parallel_loop3A_766 = arith.addi %parallel_loop3A_765, %parallel_loop3A_602 : i32
        %parallel_loop3A_767 = arith.index_cast %parallel_loop3A_766 : i32 to index
        %parallel_loop3A_768 = arith.constant 32 : index
        %parallel_loop3A_769 = tpu.vector_load %arg8[%parallel_loop3A_767, %parallel_loop3A_768] {strides = array<i32>} : memref<504x64xf32, #tpu.memory_space<vmem>>, vector<1x16xf32>,
        %parallel_loop3A_770 = vector.shape_cast %parallel_loop3A_769 : vector<1x16xf32> to vector<16xf32>
        %parallel_loop3A_771 = arith.addf %parallel_loop3A_764, %parallel_loop3A_770 : vector<16xf32>
        %parallel_loop3A_772 = arith.constant 336 : i32
        %parallel_loop3A_773 = arith.addi %parallel_loop3A_772, %parallel_loop3A_602 : i32
        %parallel_loop3A_774 = arith.index_cast %parallel_loop3A_773 : i32 to index
        %parallel_loop3A_775 = arith.constant 32 : index
        %parallel_loop3A_776 = tpu.vector_load %arg8[%parallel_loop3A_774, %parallel_loop3A_775] {strides = array<i32>} : memref<504x64xf32, #tpu.memory_space<vmem>>, vector<1x16xf32>,
        %parallel_loop3A_777 = vector.shape_cast %parallel_loop3A_776 : vector<1x16xf32> to vector<16xf32>
        %parallel_loop3A_778 = arith.addf %parallel_loop3A_771, %parallel_loop3A_777 : vector<16xf32>
        %parallel_loop3A_779 = arith.constant 392 : i32
        %parallel_loop3A_780 = arith.addi %parallel_loop3A_779, %parallel_loop3A_602 : i32
        %parallel_loop3A_781 = arith.index_cast %parallel_loop3A_780 : i32 to index
        %parallel_loop3A_782 = arith.constant 32 : index
        %parallel_loop3A_783 = tpu.vector_load %arg8[%parallel_loop3A_781, %parallel_loop3A_782] {strides = array<i32>} : memref<504x64xf32, #tpu.memory_space<vmem>>, vector<1x16xf32>,
        %parallel_loop3A_784 = vector.shape_cast %parallel_loop3A_783 : vector<1x16xf32> to vector<16xf32>
        %parallel_loop3A_785 = arith.addf %parallel_loop3A_778, %parallel_loop3A_784 : vector<16xf32>
        %parallel_loop3A_786 = arith.constant 448 : i32
        %parallel_loop3A_787 = arith.addi %parallel_loop3A_786, %parallel_loop3A_602 : i32
        %parallel_loop3A_788 = arith.index_cast %parallel_loop3A_787 : i32 to index
        %parallel_loop3A_789 = arith.constant 32 : index
        %parallel_loop3A_790 = tpu.vector_load %arg8[%parallel_loop3A_788, %parallel_loop3A_789] {strides = array<i32>} : memref<504x64xf32, #tpu.memory_space<vmem>>, vector<1x16xf32>,
        %parallel_loop3A_791 = vector.shape_cast %parallel_loop3A_790 : vector<1x16xf32> to vector<16xf32>
        %parallel_loop3A_792 = arith.addf %parallel_loop3A_785, %parallel_loop3A_791 : vector<16xf32>
        %parallel_loop3A_793 = arith.index_cast %parallel_loop3A_602 : i32 to index
        %parallel_loop3A_794 = arith.constant 32 : index
        %parallel_loop3A_795 = tpu.vector_load %arg11[%parallel_loop3A_793, %parallel_loop3A_794] {strides = array<i32>} : memref<56x64xf32, #tpu.memory_space<vmem>>, vector<1x16xf32>,
        %parallel_loop3A_796 = vector.shape_cast %parallel_loop3A_795 : vector<1x16xf32> to vector<16xf32>
        %parallel_loop3A_797 = vector.shape_cast %parallel_loop3A_792 : vector<16xf32> to vector<1x16xf32>
        tpu.vector_store %arg11[%parallel_loop3A_793, %parallel_loop3A_794], %parallel_loop3A_797 {strides = array<i32>} : memref<56x64xf32, #tpu.memory_space<vmem>>, vector<1x16xf32>,
        %parallel_loop3A_798 = arith.index_cast %parallel_loop3A_602 : i32 to index
        %parallel_loop3A_799 = arith.constant 48 : index
        %parallel_loop3A_800 = tpu.vector_load %arg8[%parallel_loop3A_798, %parallel_loop3A_799] {strides = array<i32>} : memref<504x64xf32, #tpu.memory_space<vmem>>, vector<1x16xf32>,
        %parallel_loop3A_801 = vector.shape_cast %parallel_loop3A_800 : vector<1x16xf32> to vector<16xf32>
        %parallel_loop3A_802 = arith.constant 56 : i32
        %parallel_loop3A_803 = arith.addi %parallel_loop3A_802, %parallel_loop3A_602 : i32
        %parallel_loop3A_804 = arith.index_cast %parallel_loop3A_803 : i32 to index
        %parallel_loop3A_805 = arith.constant 48 : index
        %parallel_loop3A_806 = tpu.vector_load %arg8[%parallel_loop3A_804, %parallel_loop3A_805] {strides = array<i32>} : memref<504x64xf32, #tpu.memory_space<vmem>>, vector<1x16xf32>,
        %parallel_loop3A_807 = vector.shape_cast %parallel_loop3A_806 : vector<1x16xf32> to vector<16xf32>
        %parallel_loop3A_808 = arith.addf %parallel_loop3A_801, %parallel_loop3A_807 : vector<16xf32>
        %parallel_loop3A_809 = arith.constant 112 : i32
        %parallel_loop3A_810 = arith.addi %parallel_loop3A_809, %parallel_loop3A_602 : i32
        %parallel_loop3A_811 = arith.index_cast %parallel_loop3A_810 : i32 to index
        %parallel_loop3A_812 = arith.constant 48 : index
        %parallel_loop3A_813 = tpu.vector_load %arg8[%parallel_loop3A_811, %parallel_loop3A_812] {strides = array<i32>} : memref<504x64xf32, #tpu.memory_space<vmem>>, vector<1x16xf32>,
        %parallel_loop3A_814 = vector.shape_cast %parallel_loop3A_813 : vector<1x16xf32> to vector<16xf32>
        %parallel_loop3A_815 = arith.addf %parallel_loop3A_808, %parallel_loop3A_814 : vector<16xf32>
        %parallel_loop3A_816 = arith.constant 168 : i32
        %parallel_loop3A_817 = arith.addi %parallel_loop3A_816, %parallel_loop3A_602 : i32
        %parallel_loop3A_818 = arith.index_cast %parallel_loop3A_817 : i32 to index
        %parallel_loop3A_819 = arith.constant 48 : index
        %parallel_loop3A_820 = tpu.vector_load %arg8[%parallel_loop3A_818, %parallel_loop3A_819] {strides = array<i32>} : memref<504x64xf32, #tpu.memory_space<vmem>>, vector<1x16xf32>,
        %parallel_loop3A_821 = vector.shape_cast %parallel_loop3A_820 : vector<1x16xf32> to vector<16xf32>
        %parallel_loop3A_822 = arith.addf %parallel_loop3A_815, %parallel_loop3A_821 : vector<16xf32>
        %parallel_loop3A_823 = arith.constant 224 : i32
        %parallel_loop3A_824 = arith.addi %parallel_loop3A_823, %parallel_loop3A_602 : i32
        %parallel_loop3A_825 = arith.index_cast %parallel_loop3A_824 : i32 to index
        %parallel_loop3A_826 = arith.constant 48 : index
        %parallel_loop3A_827 = tpu.vector_load %arg8[%parallel_loop3A_825, %parallel_loop3A_826] {strides = array<i32>} : memref<504x64xf32, #tpu.memory_space<vmem>>, vector<1x16xf32>,
        %parallel_loop3A_828 = vector.shape_cast %parallel_loop3A_827 : vector<1x16xf32> to vector<16xf32>
        %parallel_loop3A_829 = arith.addf %parallel_loop3A_822, %parallel_loop3A_828 : vector<16xf32>
        %parallel_loop3A_830 = arith.constant 280 : i32
        %parallel_loop3A_831 = arith.addi %parallel_loop3A_830, %parallel_loop3A_602 : i32
        %parallel_loop3A_832 = arith.index_cast %parallel_loop3A_831 : i32 to index
        %parallel_loop3A_833 = arith.constant 48 : index
        %parallel_loop3A_834 = tpu.vector_load %arg8[%parallel_loop3A_832, %parallel_loop3A_833] {strides = array<i32>} : memref<504x64xf32, #tpu.memory_space<vmem>>, vector<1x16xf32>,
        %parallel_loop3A_835 = vector.shape_cast %parallel_loop3A_834 : vector<1x16xf32> to vector<16xf32>
        %parallel_loop3A_836 = arith.addf %parallel_loop3A_829, %parallel_loop3A_835 : vector<16xf32>
        %parallel_loop3A_837 = arith.constant 336 : i32
        %parallel_loop3A_838 = arith.addi %parallel_loop3A_837, %parallel_loop3A_602 : i32
        %parallel_loop3A_839 = arith.index_cast %parallel_loop3A_838 : i32 to index
        %parallel_loop3A_840 = arith.constant 48 : index
        %parallel_loop3A_841 = tpu.vector_load %arg8[%parallel_loop3A_839, %parallel_loop3A_840] {strides = array<i32>} : memref<504x64xf32, #tpu.memory_space<vmem>>, vector<1x16xf32>,
        %parallel_loop3A_842 = vector.shape_cast %parallel_loop3A_841 : vector<1x16xf32> to vector<16xf32>
        %parallel_loop3A_843 = arith.addf %parallel_loop3A_836, %parallel_loop3A_842 : vector<16xf32>
        %parallel_loop3A_844 = arith.constant 392 : i32
        %parallel_loop3A_845 = arith.addi %parallel_loop3A_844, %parallel_loop3A_602 : i32
        %parallel_loop3A_846 = arith.index_cast %parallel_loop3A_845 : i32 to index
        %parallel_loop3A_847 = arith.constant 48 : index
        %parallel_loop3A_848 = tpu.vector_load %arg8[%parallel_loop3A_846, %parallel_loop3A_847] {strides = array<i32>} : memref<504x64xf32, #tpu.memory_space<vmem>>, vector<1x16xf32>,
        %parallel_loop3A_849 = vector.shape_cast %parallel_loop3A_848 : vector<1x16xf32> to vector<16xf32>
        %parallel_loop3A_850 = arith.addf %parallel_loop3A_843, %parallel_loop3A_849 : vector<16xf32>
        %parallel_loop3A_851 = arith.constant 448 : i32
        %parallel_loop3A_852 = arith.addi %parallel_loop3A_851, %parallel_loop3A_602 : i32
        %parallel_loop3A_853 = arith.index_cast %parallel_loop3A_852 : i32 to index
        %parallel_loop3A_854 = arith.constant 48 : index
        %parallel_loop3A_855 = tpu.vector_load %arg8[%parallel_loop3A_853, %parallel_loop3A_854] {strides = array<i32>} : memref<504x64xf32, #tpu.memory_space<vmem>>, vector<1x16xf32>,
        %parallel_loop3A_856 = vector.shape_cast %parallel_loop3A_855 : vector<1x16xf32> to vector<16xf32>
        %parallel_loop3A_857 = arith.addf %parallel_loop3A_850, %parallel_loop3A_856 : vector<16xf32>
        %parallel_loop3A_858 = arith.index_cast %parallel_loop3A_602 : i32 to index
        %parallel_loop3A_859 = arith.constant 48 : index
        %parallel_loop3A_860 = tpu.vector_load %arg11[%parallel_loop3A_858, %parallel_loop3A_859] {strides = array<i32>} : memref<56x64xf32, #tpu.memory_space<vmem>>, vector<1x16xf32>,
        %parallel_loop3A_861 = vector.shape_cast %parallel_loop3A_860 : vector<1x16xf32> to vector<16xf32>
        %parallel_loop3A_862 = vector.shape_cast %parallel_loop3A_857 : vector<16xf32> to vector<1x16xf32>
        tpu.vector_store %arg11[%parallel_loop3A_858, %parallel_loop3A_859], %parallel_loop3A_862 {strides = array<i32>} : memref<56x64xf32, #tpu.memory_space<vmem>>, vector<1x16xf32>,
      } {sc.loop_unroll_factor = 1 : i64, sc.parallel_access}
      %mul3A_590 = arith.constant 56 : i32
      %mul3A_591 = arith.muli %add3A_575, %mul3A_590 : i32
      %add3A_592 = arith.addi %select_n3A, %mul3A_591 : i32
      %dma_start3A_593 = arith.constant 0 : i32
      %dma_start3A_594 = tpu.memref_slice %arg4[%add3A_592, %dma_start3A_593] : memref<50000x64xf32, #tpu.memory_space<hbm>> -> memref<56x64xf32, #tpu.memory_space<hbm>>
      %dma_start3A_595 = arith.constant 0 : i32
      %dma_start3A_596 = tpu.memref_slice %arg4[%add3A_592, %dma_start3A_595] : memref<50000x64xf32, #tpu.memory_space<hbm>> -> memref<56x64xf32, #tpu.memory_space<hbm>>
      tpu.enqueue_dma source(%arg11 : memref<56x64xf32, #tpu.memory_space<vmem>>) target(%dma_start3A_596 : memref<56x64xf32, #tpu.memory_space<hbm>>) target_semaphore(%arg18 : memref<!tpu.dma_semaphore, #tpu.memory_space<semaphore_mem>>)
      %lt3A_597 = arith.constant 8 : i32
      %lt3A_598 = arith.cmpi slt, %scan3A_418, %lt3A_597 : i32
      %convert_element_type3A_599 = arith.extui %lt3A_598 : i1 to i32
      %cond3A_600 = arith.constant 0 : i32
      %cond3A_601 = arith.cmpi ne, %convert_element_type3A_599, %cond3A_600 : i32
      scf.if %cond3A_601 {
        %add3A_602 = arith.constant 3 : i32
        %add3A_603 = arith.addi %add3A_575, %add3A_602 : i32
        %mul3A_604 = arith.constant 56 : i32
        %mul3A_605 = arith.muli %add3A_603, %mul3A_604 : i32
        %dma_start3A_606 = arith.constant 0 : i32
        %dma_start3A_607 = arith.constant 0 : i32
        %dma_start3A_608 = arith.constant 0 : i32
        %dma_start3A_609 = tpu.memref_slice %arg8[%dma_start3A_607, %dma_start3A_608] : memref<504x64xf32, #tpu.memory_space<vmem>> -> memref<56x64xf32, #tpu.memory_space<vmem>>
        %dma_start3A_610 = tpu.memref_slice %arg5[%dma_start3A_606, %mul3A_605] : memref<9x1568xi32, #tpu.memory_space<vmem>> -> memref<1x56xi32, #tpu.memory_space<vmem>>
        %dma_start3A_611 = tpu.memref_squeeze %dma_start3A_610 : memref<1x56xi32, #tpu.memory_space<vmem>> -> memref<56xi32, #tpu.memory_space<vmem>>
        %dma_start3A_612 = arith.constant 0 : i32
        %dma_start3A_613 = arith.constant 0 : i32
        %dma_start3A_614 = tpu.memref_slice %arg2[%dma_start3A_612, %dma_start3A_613] : memref<90000x64xf32, #tpu.memory_space<hbm>> -> memref<90000x64xf32, #tpu.memory_space<hbm>>
        tpu.enqueue_indirect_dma source(%dma_start3A_614 : memref<90000x64xf32, #tpu.memory_space<hbm>>) target(%dma_start3A_609 : memref<56x64xf32, #tpu.memory_space<vmem>>) offsets(%dma_start3A_611 : memref<56xi32, #tpu.memory_space<vmem>>) semaphore(%arg15 : memref<!tpu.dma_semaphore, #tpu.memory_space<semaphore_mem>>)
        %mul3A_615 = arith.constant 56 : i32
        %mul3A_616 = arith.muli %add3A_603, %mul3A_615 : i32
        %dma_start3A_617 = arith.constant 1 : i32
        %dma_start3A_618 = arith.constant 56 : i32
        %dma_start3A_619 = arith.constant 0 : i32
        %dma_start3A_620 = tpu.memref_slice %arg8[%dma_start3A_618, %dma_start3A_619] : memref<504x64xf32, #tpu.memory_space<vmem>> -> memref<56x64xf32, #tpu.memory_space<vmem>>
        %dma_start3A_621 = tpu.memref_slice %arg5[%dma_start3A_617, %mul3A_616] : memref<9x1568xi32, #tpu.memory_space<vmem>> -> memref<1x56xi32, #tpu.memory_space<vmem>>
        %dma_start3A_622 = tpu.memref_squeeze %dma_start3A_621 : memref<1x56xi32, #tpu.memory_space<vmem>> -> memref<56xi32, #tpu.memory_space<vmem>>
        %dma_start3A_623 = arith.constant 0 : i32
        %dma_start3A_624 = arith.constant 0 : i32
        %dma_start3A_625 = tpu.memref_slice %arg2[%dma_start3A_623, %dma_start3A_624] : memref<90000x64xf32, #tpu.memory_space<hbm>> -> memref<90000x64xf32, #tpu.memory_space<hbm>>
        tpu.enqueue_indirect_dma source(%dma_start3A_625 : memref<90000x64xf32, #tpu.memory_space<hbm>>) target(%dma_start3A_620 : memref<56x64xf32, #tpu.memory_space<vmem>>) offsets(%dma_start3A_622 : memref<56xi32, #tpu.memory_space<vmem>>) semaphore(%arg15 : memref<!tpu.dma_semaphore, #tpu.memory_space<semaphore_mem>>)
        %mul3A_626 = arith.constant 56 : i32
        %mul3A_627 = arith.muli %add3A_603, %mul3A_626 : i32
        %dma_start3A_628 = arith.constant 2 : i32
        %dma_start3A_629 = arith.constant 112 : i32
        %dma_start3A_630 = arith.constant 0 : i32
        %dma_start3A_631 = tpu.memref_slice %arg8[%dma_start3A_629, %dma_start3A_630] : memref<504x64xf32, #tpu.memory_space<vmem>> -> memref<56x64xf32, #tpu.memory_space<vmem>>
        %dma_start3A_632 = tpu.memref_slice %arg5[%dma_start3A_628, %mul3A_627] : memref<9x1568xi32, #tpu.memory_space<vmem>> -> memref<1x56xi32, #tpu.memory_space<vmem>>
        %dma_start3A_633 = tpu.memref_squeeze %dma_start3A_632 : memref<1x56xi32, #tpu.memory_space<vmem>> -> memref<56xi32, #tpu.memory_space<vmem>>
        %dma_start3A_634 = arith.constant 0 : i32
        %dma_start3A_635 = arith.constant 0 : i32
        %dma_start3A_636 = tpu.memref_slice %arg2[%dma_start3A_634, %dma_start3A_635] : memref<90000x64xf32, #tpu.memory_space<hbm>> -> memref<90000x64xf32, #tpu.memory_space<hbm>>
        tpu.enqueue_indirect_dma source(%dma_start3A_636 : memref<90000x64xf32, #tpu.memory_space<hbm>>) target(%dma_start3A_631 : memref<56x64xf32, #tpu.memory_space<vmem>>) offsets(%dma_start3A_633 : memref<56xi32, #tpu.memory_space<vmem>>) semaphore(%arg15 : memref<!tpu.dma_semaphore, #tpu.memory_space<semaphore_mem>>)
        %mul3A_637 = arith.constant 56 : i32
        %mul3A_638 = arith.muli %add3A_603, %mul3A_637 : i32
        %dma_start3A_639 = arith.constant 3 : i32
        %dma_start3A_640 = arith.constant 168 : i32
        %dma_start3A_641 = arith.constant 0 : i32
        %dma_start3A_642 = tpu.memref_slice %arg8[%dma_start3A_640, %dma_start3A_641] : memref<504x64xf32, #tpu.memory_space<vmem>> -> memref<56x64xf32, #tpu.memory_space<vmem>>
        %dma_start3A_643 = tpu.memref_slice %arg5[%dma_start3A_639, %mul3A_638] : memref<9x1568xi32, #tpu.memory_space<vmem>> -> memref<1x56xi32, #tpu.memory_space<vmem>>
        %dma_start3A_644 = tpu.memref_squeeze %dma_start3A_643 : memref<1x56xi32, #tpu.memory_space<vmem>> -> memref<56xi32, #tpu.memory_space<vmem>>
        %dma_start3A_645 = arith.constant 0 : i32
        %dma_start3A_646 = arith.constant 0 : i32
        %dma_start3A_647 = tpu.memref_slice %arg2[%dma_start3A_645, %dma_start3A_646] : memref<90000x64xf32, #tpu.memory_space<hbm>> -> memref<90000x64xf32, #tpu.memory_space<hbm>>
        tpu.enqueue_indirect_dma source(%dma_start3A_647 : memref<90000x64xf32, #tpu.memory_space<hbm>>) target(%dma_start3A_642 : memref<56x64xf32, #tpu.memory_space<vmem>>) offsets(%dma_start3A_644 : memref<56xi32, #tpu.memory_space<vmem>>) semaphore(%arg15 : memref<!tpu.dma_semaphore, #tpu.memory_space<semaphore_mem>>)
        %mul3A_648 = arith.constant 56 : i32
        %mul3A_649 = arith.muli %add3A_603, %mul3A_648 : i32
        %dma_start3A_650 = arith.constant 4 : i32
        %dma_start3A_651 = arith.constant 224 : i32
        %dma_start3A_652 = arith.constant 0 : i32
        %dma_start3A_653 = tpu.memref_slice %arg8[%dma_start3A_651, %dma_start3A_652] : memref<504x64xf32, #tpu.memory_space<vmem>> -> memref<56x64xf32, #tpu.memory_space<vmem>>
        %dma_start3A_654 = tpu.memref_slice %arg5[%dma_start3A_650, %mul3A_649] : memref<9x1568xi32, #tpu.memory_space<vmem>> -> memref<1x56xi32, #tpu.memory_space<vmem>>
        %dma_start3A_655 = tpu.memref_squeeze %dma_start3A_654 : memref<1x56xi32, #tpu.memory_space<vmem>> -> memref<56xi32, #tpu.memory_space<vmem>>
        %dma_start3A_656 = arith.constant 0 : i32
        %dma_start3A_657 = arith.constant 0 : i32
        %dma_start3A_658 = tpu.memref_slice %arg2[%dma_start3A_656, %dma_start3A_657] : memref<90000x64xf32, #tpu.memory_space<hbm>> -> memref<90000x64xf32, #tpu.memory_space<hbm>>
        tpu.enqueue_indirect_dma source(%dma_start3A_658 : memref<90000x64xf32, #tpu.memory_space<hbm>>) target(%dma_start3A_653 : memref<56x64xf32, #tpu.memory_space<vmem>>) offsets(%dma_start3A_655 : memref<56xi32, #tpu.memory_space<vmem>>) semaphore(%arg15 : memref<!tpu.dma_semaphore, #tpu.memory_space<semaphore_mem>>)
        %mul3A_659 = arith.constant 56 : i32
        %mul3A_660 = arith.muli %add3A_603, %mul3A_659 : i32
        %dma_start3A_661 = arith.constant 5 : i32
        %dma_start3A_662 = arith.constant 280 : i32
        %dma_start3A_663 = arith.constant 0 : i32
        %dma_start3A_664 = tpu.memref_slice %arg8[%dma_start3A_662, %dma_start3A_663] : memref<504x64xf32, #tpu.memory_space<vmem>> -> memref<56x64xf32, #tpu.memory_space<vmem>>
        %dma_start3A_665 = tpu.memref_slice %arg5[%dma_start3A_661, %mul3A_660] : memref<9x1568xi32, #tpu.memory_space<vmem>> -> memref<1x56xi32, #tpu.memory_space<vmem>>
        %dma_start3A_666 = tpu.memref_squeeze %dma_start3A_665 : memref<1x56xi32, #tpu.memory_space<vmem>> -> memref<56xi32, #tpu.memory_space<vmem>>
        %dma_start3A_667 = arith.constant 0 : i32
        %dma_start3A_668 = arith.constant 0 : i32
        %dma_start3A_669 = tpu.memref_slice %arg2[%dma_start3A_667, %dma_start3A_668] : memref<90000x64xf32, #tpu.memory_space<hbm>> -> memref<90000x64xf32, #tpu.memory_space<hbm>>
        tpu.enqueue_indirect_dma source(%dma_start3A_669 : memref<90000x64xf32, #tpu.memory_space<hbm>>) target(%dma_start3A_664 : memref<56x64xf32, #tpu.memory_space<vmem>>) offsets(%dma_start3A_666 : memref<56xi32, #tpu.memory_space<vmem>>) semaphore(%arg15 : memref<!tpu.dma_semaphore, #tpu.memory_space<semaphore_mem>>)
        %mul3A_670 = arith.constant 56 : i32
        %mul3A_671 = arith.muli %add3A_603, %mul3A_670 : i32
        %dma_start3A_672 = arith.constant 6 : i32
        %dma_start3A_673 = arith.constant 336 : i32
        %dma_start3A_674 = arith.constant 0 : i32
        %dma_start3A_675 = tpu.memref_slice %arg8[%dma_start3A_673, %dma_start3A_674] : memref<504x64xf32, #tpu.memory_space<vmem>> -> memref<56x64xf32, #tpu.memory_space<vmem>>
        %dma_start3A_676 = tpu.memref_slice %arg5[%dma_start3A_672, %mul3A_671] : memref<9x1568xi32, #tpu.memory_space<vmem>> -> memref<1x56xi32, #tpu.memory_space<vmem>>
        %dma_start3A_677 = tpu.memref_squeeze %dma_start3A_676 : memref<1x56xi32, #tpu.memory_space<vmem>> -> memref<56xi32, #tpu.memory_space<vmem>>
        %dma_start3A_678 = arith.constant 0 : i32
        %dma_start3A_679 = arith.constant 0 : i32
        %dma_start3A_680 = tpu.memref_slice %arg2[%dma_start3A_678, %dma_start3A_679] : memref<90000x64xf32, #tpu.memory_space<hbm>> -> memref<90000x64xf32, #tpu.memory_space<hbm>>
        tpu.enqueue_indirect_dma source(%dma_start3A_680 : memref<90000x64xf32, #tpu.memory_space<hbm>>) target(%dma_start3A_675 : memref<56x64xf32, #tpu.memory_space<vmem>>) offsets(%dma_start3A_677 : memref<56xi32, #tpu.memory_space<vmem>>) semaphore(%arg15 : memref<!tpu.dma_semaphore, #tpu.memory_space<semaphore_mem>>)
        %mul3A_681 = arith.constant 56 : i32
        %mul3A_682 = arith.muli %add3A_603, %mul3A_681 : i32
        %dma_start3A_683 = arith.constant 7 : i32
        %dma_start3A_684 = arith.constant 392 : i32
        %dma_start3A_685 = arith.constant 0 : i32
        %dma_start3A_686 = tpu.memref_slice %arg8[%dma_start3A_684, %dma_start3A_685] : memref<504x64xf32, #tpu.memory_space<vmem>> -> memref<56x64xf32, #tpu.memory_space<vmem>>
        %dma_start3A_687 = tpu.memref_slice %arg5[%dma_start3A_683, %mul3A_682] : memref<9x1568xi32, #tpu.memory_space<vmem>> -> memref<1x56xi32, #tpu.memory_space<vmem>>
        %dma_start3A_688 = tpu.memref_squeeze %dma_start3A_687 : memref<1x56xi32, #tpu.memory_space<vmem>> -> memref<56xi32, #tpu.memory_space<vmem>>
        %dma_start3A_689 = arith.constant 0 : i32
        %dma_start3A_690 = arith.constant 0 : i32
        %dma_start3A_691 = tpu.memref_slice %arg2[%dma_start3A_689, %dma_start3A_690] : memref<90000x64xf32, #tpu.memory_space<hbm>> -> memref<90000x64xf32, #tpu.memory_space<hbm>>
        tpu.enqueue_indirect_dma source(%dma_start3A_691 : memref<90000x64xf32, #tpu.memory_space<hbm>>) target(%dma_start3A_686 : memref<56x64xf32, #tpu.memory_space<vmem>>) offsets(%dma_start3A_688 : memref<56xi32, #tpu.memory_space<vmem>>) semaphore(%arg15 : memref<!tpu.dma_semaphore, #tpu.memory_space<semaphore_mem>>)
        %mul3A_692 = arith.constant 56 : i32
        %mul3A_693 = arith.muli %add3A_603, %mul3A_692 : i32
        %dma_start3A_694 = arith.constant 8 : i32
        %dma_start3A_695 = arith.constant 448 : i32
        %dma_start3A_696 = arith.constant 0 : i32
        %dma_start3A_697 = tpu.memref_slice %arg8[%dma_start3A_695, %dma_start3A_696] : memref<504x64xf32, #tpu.memory_space<vmem>> -> memref<56x64xf32, #tpu.memory_space<vmem>>
        %dma_start3A_698 = tpu.memref_slice %arg5[%dma_start3A_694, %mul3A_693] : memref<9x1568xi32, #tpu.memory_space<vmem>> -> memref<1x56xi32, #tpu.memory_space<vmem>>
        %dma_start3A_699 = tpu.memref_squeeze %dma_start3A_698 : memref<1x56xi32, #tpu.memory_space<vmem>> -> memref<56xi32, #tpu.memory_space<vmem>>
        %dma_start3A_700 = arith.constant 0 : i32
        %dma_start3A_701 = arith.constant 0 : i32
        %dma_start3A_702 = tpu.memref_slice %arg2[%dma_start3A_700, %dma_start3A_701] : memref<90000x64xf32, #tpu.memory_space<hbm>> -> memref<90000x64xf32, #tpu.memory_space<hbm>>
        tpu.enqueue_indirect_dma source(%dma_start3A_702 : memref<90000x64xf32, #tpu.memory_space<hbm>>) target(%dma_start3A_697 : memref<56x64xf32, #tpu.memory_space<vmem>>) offsets(%dma_start3A_699 : memref<56xi32, #tpu.memory_space<vmem>>) semaphore(%arg15 : memref<!tpu.dma_semaphore, #tpu.memory_space<semaphore_mem>>)
      } else {
      }
    }
    %scan3A_379 = arith.constant 9 : i32
    %dma_wait3A_380 = arith.constant 0 : i32
    %dma_wait3A_381 = arith.constant 0 : i32
    %dma_wait3A_382 = tpu.memref_slice %arg2[%dma_wait3A_380, %dma_wait3A_381] : memref<90000x64xf32, #tpu.memory_space<hbm>> -> memref<504x64xf32, #tpu.memory_space<hbm>>
    %dma_wait3A_383 = arith.constant 0 : i32
    %dma_wait3A_384 = arith.constant 0 : i32
    %dma_wait3A_385 = tpu.memref_slice %arg2[%dma_wait3A_383, %dma_wait3A_384] : memref<90000x64xf32, #tpu.memory_space<hbm>> -> memref<504x64xf32, #tpu.memory_space<hbm>>
    tpu.wait_dma2 semaphore(%arg13 : memref<!tpu.dma_semaphore, #tpu.memory_space<semaphore_mem>>) src(%dma_wait3A_385 : memref<504x64xf32, #tpu.memory_space<hbm>>) dst(%arg6 : memref<504x64xf32, #tpu.memory_space<vmem>>)
    %dma_wait3A_386 = arith.constant 0 : i32
    %dma_wait3A_387 = arith.constant 0 : i32
    %dma_wait3A_388 = tpu.memref_slice %arg4[%dma_wait3A_386, %dma_wait3A_387] : memref<50000x64xf32, #tpu.memory_space<hbm>> -> memref<56x64xf32, #tpu.memory_space<hbm>>
    %dma_wait3A_389 = arith.constant 0 : i32
    %dma_wait3A_390 = arith.constant 0 : i32
    %dma_wait3A_391 = tpu.memref_slice %arg4[%dma_wait3A_389, %dma_wait3A_390] : memref<50000x64xf32, #tpu.memory_space<hbm>> -> memref<56x64xf32, #tpu.memory_space<hbm>>
    tpu.wait_dma2 semaphore(%arg16 : memref<!tpu.dma_semaphore, #tpu.memory_space<semaphore_mem>>) src(%arg9 : memref<56x64xf32, #tpu.memory_space<vmem>>) dst(%dma_wait3A_391 : memref<56x64xf32, #tpu.memory_space<hbm>>)
    %parallel_loop3A = arith.constant 0 : i32
    %parallel_loop3A_392 = arith.constant 56 : i32
    %parallel_loop3A_393 = arith.constant 1 : i32
    scf.for %parallel_loop3A_418 = %parallel_loop3A to %parallel_loop3A_392 step %parallel_loop3A_393  : i32 {
      %parallel_loop3A_419 = arith.index_cast %parallel_loop3A_418 : i32 to index
      %parallel_loop3A_420 = arith.constant 0 : index
      %parallel_loop3A_421 = tpu.vector_load %arg6[%parallel_loop3A_419, %parallel_loop3A_420] {strides = array<i32>} : memref<504x64xf32, #tpu.memory_space<vmem>>, vector<1x16xf32>,
      %parallel_loop3A_422 = vector.shape_cast %parallel_loop3A_421 : vector<1x16xf32> to vector<16xf32>
      %parallel_loop3A_423 = arith.constant 56 : i32
      %parallel_loop3A_424 = arith.addi %parallel_loop3A_423, %parallel_loop3A_418 : i32
      %parallel_loop3A_425 = arith.index_cast %parallel_loop3A_424 : i32 to index
      %parallel_loop3A_426 = arith.constant 0 : index
      %parallel_loop3A_427 = tpu.vector_load %arg6[%parallel_loop3A_425, %parallel_loop3A_426] {strides = array<i32>} : memref<504x64xf32, #tpu.memory_space<vmem>>, vector<1x16xf32>,
      %parallel_loop3A_428 = vector.shape_cast %parallel_loop3A_427 : vector<1x16xf32> to vector<16xf32>
      %parallel_loop3A_429 = arith.addf %parallel_loop3A_422, %parallel_loop3A_428 : vector<16xf32>
      %parallel_loop3A_430 = arith.constant 112 : i32
      %parallel_loop3A_431 = arith.addi %parallel_loop3A_430, %parallel_loop3A_418 : i32
      %parallel_loop3A_432 = arith.index_cast %parallel_loop3A_431 : i32 to index
      %parallel_loop3A_433 = arith.constant 0 : index
      %parallel_loop3A_434 = tpu.vector_load %arg6[%parallel_loop3A_432, %parallel_loop3A_433] {strides = array<i32>} : memref<504x64xf32, #tpu.memory_space<vmem>>, vector<1x16xf32>,
      %parallel_loop3A_435 = vector.shape_cast %parallel_loop3A_434 : vector<1x16xf32> to vector<16xf32>
      %parallel_loop3A_436 = arith.addf %parallel_loop3A_429, %parallel_loop3A_435 : vector<16xf32>
      %parallel_loop3A_437 = arith.constant 168 : i32
      %parallel_loop3A_438 = arith.addi %parallel_loop3A_437, %parallel_loop3A_418 : i32
      %parallel_loop3A_439 = arith.index_cast %parallel_loop3A_438 : i32 to index
      %parallel_loop3A_440 = arith.constant 0 : index
      %parallel_loop3A_441 = tpu.vector_load %arg6[%parallel_loop3A_439, %parallel_loop3A_440] {strides = array<i32>} : memref<504x64xf32, #tpu.memory_space<vmem>>, vector<1x16xf32>,
      %parallel_loop3A_442 = vector.shape_cast %parallel_loop3A_441 : vector<1x16xf32> to vector<16xf32>
      %parallel_loop3A_443 = arith.addf %parallel_loop3A_436, %parallel_loop3A_442 : vector<16xf32>
      %parallel_loop3A_444 = arith.constant 224 : i32
      %parallel_loop3A_445 = arith.addi %parallel_loop3A_444, %parallel_loop3A_418 : i32
      %parallel_loop3A_446 = arith.index_cast %parallel_loop3A_445 : i32 to index
      %parallel_loop3A_447 = arith.constant 0 : index
      %parallel_loop3A_448 = tpu.vector_load %arg6[%parallel_loop3A_446, %parallel_loop3A_447] {strides = array<i32>} : memref<504x64xf32, #tpu.memory_space<vmem>>, vector<1x16xf32>,
      %parallel_loop3A_449 = vector.shape_cast %parallel_loop3A_448 : vector<1x16xf32> to vector<16xf32>
      %parallel_loop3A_450 = arith.addf %parallel_loop3A_443, %parallel_loop3A_449 : vector<16xf32>
      %parallel_loop3A_451 = arith.constant 280 : i32
      %parallel_loop3A_452 = arith.addi %parallel_loop3A_451, %parallel_loop3A_418 : i32
      %parallel_loop3A_453 = arith.index_cast %parallel_loop3A_452 : i32 to index
      %parallel_loop3A_454 = arith.constant 0 : index
      %parallel_loop3A_455 = tpu.vector_load %arg6[%parallel_loop3A_453, %parallel_loop3A_454] {strides = array<i32>} : memref<504x64xf32, #tpu.memory_space<vmem>>, vector<1x16xf32>,
      %parallel_loop3A_456 = vector.shape_cast %parallel_loop3A_455 : vector<1x16xf32> to vector<16xf32>
      %parallel_loop3A_457 = arith.addf %parallel_loop3A_450, %parallel_loop3A_456 : vector<16xf32>
      %parallel_loop3A_458 = arith.constant 336 : i32
      %parallel_loop3A_459 = arith.addi %parallel_loop3A_458, %parallel_loop3A_418 : i32
      %parallel_loop3A_460 = arith.index_cast %parallel_loop3A_459 : i32 to index
      %parallel_loop3A_461 = arith.constant 0 : index
      %parallel_loop3A_462 = tpu.vector_load %arg6[%parallel_loop3A_460, %parallel_loop3A_461] {strides = array<i32>} : memref<504x64xf32, #tpu.memory_space<vmem>>, vector<1x16xf32>,
      %parallel_loop3A_463 = vector.shape_cast %parallel_loop3A_462 : vector<1x16xf32> to vector<16xf32>
      %parallel_loop3A_464 = arith.addf %parallel_loop3A_457, %parallel_loop3A_463 : vector<16xf32>
      %parallel_loop3A_465 = arith.constant 392 : i32
      %parallel_loop3A_466 = arith.addi %parallel_loop3A_465, %parallel_loop3A_418 : i32
      %parallel_loop3A_467 = arith.index_cast %parallel_loop3A_466 : i32 to index
      %parallel_loop3A_468 = arith.constant 0 : index
      %parallel_loop3A_469 = tpu.vector_load %arg6[%parallel_loop3A_467, %parallel_loop3A_468] {strides = array<i32>} : memref<504x64xf32, #tpu.memory_space<vmem>>, vector<1x16xf32>,
      %parallel_loop3A_470 = vector.shape_cast %parallel_loop3A_469 : vector<1x16xf32> to vector<16xf32>
      %parallel_loop3A_471 = arith.addf %parallel_loop3A_464, %parallel_loop3A_470 : vector<16xf32>
      %parallel_loop3A_472 = arith.constant 448 : i32
      %parallel_loop3A_473 = arith.addi %parallel_loop3A_472, %parallel_loop3A_418 : i32
      %parallel_loop3A_474 = arith.index_cast %parallel_loop3A_473 : i32 to index
      %parallel_loop3A_475 = arith.constant 0 : index
      %parallel_loop3A_476 = tpu.vector_load %arg6[%parallel_loop3A_474, %parallel_loop3A_475] {strides = array<i32>} : memref<504x64xf32, #tpu.memory_space<vmem>>, vector<1x16xf32>,
      %parallel_loop3A_477 = vector.shape_cast %parallel_loop3A_476 : vector<1x16xf32> to vector<16xf32>
      %parallel_loop3A_478 = arith.addf %parallel_loop3A_471, %parallel_loop3A_477 : vector<16xf32>
      %parallel_loop3A_479 = arith.index_cast %parallel_loop3A_418 : i32 to index
      %parallel_loop3A_480 = arith.constant 0 : index
      %parallel_loop3A_481 = tpu.vector_load %arg9[%parallel_loop3A_479, %parallel_loop3A_480] {strides = array<i32>} : memref<56x64xf32, #tpu.memory_space<vmem>>, vector<1x16xf32>,
      %parallel_loop3A_482 = vector.shape_cast %parallel_loop3A_481 : vector<1x16xf32> to vector<16xf32>
      %parallel_loop3A_483 = vector.shape_cast %parallel_loop3A_478 : vector<16xf32> to vector<1x16xf32>
      tpu.vector_store %arg9[%parallel_loop3A_479, %parallel_loop3A_480], %parallel_loop3A_483 {strides = array<i32>} : memref<56x64xf32, #tpu.memory_space<vmem>>, vector<1x16xf32>,
      %parallel_loop3A_484 = arith.index_cast %parallel_loop3A_418 : i32 to index
      %parallel_loop3A_485 = arith.constant 16 : index
      %parallel_loop3A_486 = tpu.vector_load %arg6[%parallel_loop3A_484, %parallel_loop3A_485] {strides = array<i32>} : memref<504x64xf32, #tpu.memory_space<vmem>>, vector<1x16xf32>,
      %parallel_loop3A_487 = vector.shape_cast %parallel_loop3A_486 : vector<1x16xf32> to vector<16xf32>
      %parallel_loop3A_488 = arith.constant 56 : i32
      %parallel_loop3A_489 = arith.addi %parallel_loop3A_488, %parallel_loop3A_418 : i32
      %parallel_loop3A_490 = arith.index_cast %parallel_loop3A_489 : i32 to index
      %parallel_loop3A_491 = arith.constant 16 : index
      %parallel_loop3A_492 = tpu.vector_load %arg6[%parallel_loop3A_490, %parallel_loop3A_491] {strides = array<i32>} : memref<504x64xf32, #tpu.memory_space<vmem>>, vector<1x16xf32>,
      %parallel_loop3A_493 = vector.shape_cast %parallel_loop3A_492 : vector<1x16xf32> to vector<16xf32>
      %parallel_loop3A_494 = arith.addf %parallel_loop3A_487, %parallel_loop3A_493 : vector<16xf32>
      %parallel_loop3A_495 = arith.constant 112 : i32
      %parallel_loop3A_496 = arith.addi %parallel_loop3A_495, %parallel_loop3A_418 : i32
      %parallel_loop3A_497 = arith.index_cast %parallel_loop3A_496 : i32 to index
      %parallel_loop3A_498 = arith.constant 16 : index
      %parallel_loop3A_499 = tpu.vector_load %arg6[%parallel_loop3A_497, %parallel_loop3A_498] {strides = array<i32>} : memref<504x64xf32, #tpu.memory_space<vmem>>, vector<1x16xf32>,
      %parallel_loop3A_500 = vector.shape_cast %parallel_loop3A_499 : vector<1x16xf32> to vector<16xf32>
      %parallel_loop3A_501 = arith.addf %parallel_loop3A_494, %parallel_loop3A_500 : vector<16xf32>
      %parallel_loop3A_502 = arith.constant 168 : i32
      %parallel_loop3A_503 = arith.addi %parallel_loop3A_502, %parallel_loop3A_418 : i32
      %parallel_loop3A_504 = arith.index_cast %parallel_loop3A_503 : i32 to index
      %parallel_loop3A_505 = arith.constant 16 : index
      %parallel_loop3A_506 = tpu.vector_load %arg6[%parallel_loop3A_504, %parallel_loop3A_505] {strides = array<i32>} : memref<504x64xf32, #tpu.memory_space<vmem>>, vector<1x16xf32>,
      %parallel_loop3A_507 = vector.shape_cast %parallel_loop3A_506 : vector<1x16xf32> to vector<16xf32>
      %parallel_loop3A_508 = arith.addf %parallel_loop3A_501, %parallel_loop3A_507 : vector<16xf32>
      %parallel_loop3A_509 = arith.constant 224 : i32
      %parallel_loop3A_510 = arith.addi %parallel_loop3A_509, %parallel_loop3A_418 : i32
      %parallel_loop3A_511 = arith.index_cast %parallel_loop3A_510 : i32 to index
      %parallel_loop3A_512 = arith.constant 16 : index
      %parallel_loop3A_513 = tpu.vector_load %arg6[%parallel_loop3A_511, %parallel_loop3A_512] {strides = array<i32>} : memref<504x64xf32, #tpu.memory_space<vmem>>, vector<1x16xf32>,
      %parallel_loop3A_514 = vector.shape_cast %parallel_loop3A_513 : vector<1x16xf32> to vector<16xf32>
      %parallel_loop3A_515 = arith.addf %parallel_loop3A_508, %parallel_loop3A_514 : vector<16xf32>
      %parallel_loop3A_516 = arith.constant 280 : i32
      %parallel_loop3A_517 = arith.addi %parallel_loop3A_516, %parallel_loop3A_418 : i32
      %parallel_loop3A_518 = arith.index_cast %parallel_loop3A_517 : i32 to index
      %parallel_loop3A_519 = arith.constant 16 : index
      %parallel_loop3A_520 = tpu.vector_load %arg6[%parallel_loop3A_518, %parallel_loop3A_519] {strides = array<i32>} : memref<504x64xf32, #tpu.memory_space<vmem>>, vector<1x16xf32>,
      %parallel_loop3A_521 = vector.shape_cast %parallel_loop3A_520 : vector<1x16xf32> to vector<16xf32>
      %parallel_loop3A_522 = arith.addf %parallel_loop3A_515, %parallel_loop3A_521 : vector<16xf32>
      %parallel_loop3A_523 = arith.constant 336 : i32
      %parallel_loop3A_524 = arith.addi %parallel_loop3A_523, %parallel_loop3A_418 : i32
      %parallel_loop3A_525 = arith.index_cast %parallel_loop3A_524 : i32 to index
      %parallel_loop3A_526 = arith.constant 16 : index
      %parallel_loop3A_527 = tpu.vector_load %arg6[%parallel_loop3A_525, %parallel_loop3A_526] {strides = array<i32>} : memref<504x64xf32, #tpu.memory_space<vmem>>, vector<1x16xf32>,
      %parallel_loop3A_528 = vector.shape_cast %parallel_loop3A_527 : vector<1x16xf32> to vector<16xf32>
      %parallel_loop3A_529 = arith.addf %parallel_loop3A_522, %parallel_loop3A_528 : vector<16xf32>
      %parallel_loop3A_530 = arith.constant 392 : i32
      %parallel_loop3A_531 = arith.addi %parallel_loop3A_530, %parallel_loop3A_418 : i32
      %parallel_loop3A_532 = arith.index_cast %parallel_loop3A_531 : i32 to index
      %parallel_loop3A_533 = arith.constant 16 : index
      %parallel_loop3A_534 = tpu.vector_load %arg6[%parallel_loop3A_532, %parallel_loop3A_533] {strides = array<i32>} : memref<504x64xf32, #tpu.memory_space<vmem>>, vector<1x16xf32>,
      %parallel_loop3A_535 = vector.shape_cast %parallel_loop3A_534 : vector<1x16xf32> to vector<16xf32>
      %parallel_loop3A_536 = arith.addf %parallel_loop3A_529, %parallel_loop3A_535 : vector<16xf32>
      %parallel_loop3A_537 = arith.constant 448 : i32
      %parallel_loop3A_538 = arith.addi %parallel_loop3A_537, %parallel_loop3A_418 : i32
      %parallel_loop3A_539 = arith.index_cast %parallel_loop3A_538 : i32 to index
      %parallel_loop3A_540 = arith.constant 16 : index
      %parallel_loop3A_541 = tpu.vector_load %arg6[%parallel_loop3A_539, %parallel_loop3A_540] {strides = array<i32>} : memref<504x64xf32, #tpu.memory_space<vmem>>, vector<1x16xf32>,
      %parallel_loop3A_542 = vector.shape_cast %parallel_loop3A_541 : vector<1x16xf32> to vector<16xf32>
      %parallel_loop3A_543 = arith.addf %parallel_loop3A_536, %parallel_loop3A_542 : vector<16xf32>
      %parallel_loop3A_544 = arith.index_cast %parallel_loop3A_418 : i32 to index
      %parallel_loop3A_545 = arith.constant 16 : index
      %parallel_loop3A_546 = tpu.vector_load %arg9[%parallel_loop3A_544, %parallel_loop3A_545] {strides = array<i32>} : memref<56x64xf32, #tpu.memory_space<vmem>>, vector<1x16xf32>,
      %parallel_loop3A_547 = vector.shape_cast %parallel_loop3A_546 : vector<1x16xf32> to vector<16xf32>
      %parallel_loop3A_548 = vector.shape_cast %parallel_loop3A_543 : vector<16xf32> to vector<1x16xf32>
      tpu.vector_store %arg9[%parallel_loop3A_544, %parallel_loop3A_545], %parallel_loop3A_548 {strides = array<i32>} : memref<56x64xf32, #tpu.memory_space<vmem>>, vector<1x16xf32>,
      %parallel_loop3A_549 = arith.index_cast %parallel_loop3A_418 : i32 to index
      %parallel_loop3A_550 = arith.constant 32 : index
      %parallel_loop3A_551 = tpu.vector_load %arg6[%parallel_loop3A_549, %parallel_loop3A_550] {strides = array<i32>} : memref<504x64xf32, #tpu.memory_space<vmem>>, vector<1x16xf32>,
      %parallel_loop3A_552 = vector.shape_cast %parallel_loop3A_551 : vector<1x16xf32> to vector<16xf32>
      %parallel_loop3A_553 = arith.constant 56 : i32
      %parallel_loop3A_554 = arith.addi %parallel_loop3A_553, %parallel_loop3A_418 : i32
      %parallel_loop3A_555 = arith.index_cast %parallel_loop3A_554 : i32 to index
      %parallel_loop3A_556 = arith.constant 32 : index
      %parallel_loop3A_557 = tpu.vector_load %arg6[%parallel_loop3A_555, %parallel_loop3A_556] {strides = array<i32>} : memref<504x64xf32, #tpu.memory_space<vmem>>, vector<1x16xf32>,
      %parallel_loop3A_558 = vector.shape_cast %parallel_loop3A_557 : vector<1x16xf32> to vector<16xf32>
      %parallel_loop3A_559 = arith.addf %parallel_loop3A_552, %parallel_loop3A_558 : vector<16xf32>
      %parallel_loop3A_560 = arith.constant 112 : i32
      %parallel_loop3A_561 = arith.addi %parallel_loop3A_560, %parallel_loop3A_418 : i32
      %parallel_loop3A_562 = arith.index_cast %parallel_loop3A_561 : i32 to index
      %parallel_loop3A_563 = arith.constant 32 : index
      %parallel_loop3A_564 = tpu.vector_load %arg6[%parallel_loop3A_562, %parallel_loop3A_563] {strides = array<i32>} : memref<504x64xf32, #tpu.memory_space<vmem>>, vector<1x16xf32>,
      %parallel_loop3A_565 = vector.shape_cast %parallel_loop3A_564 : vector<1x16xf32> to vector<16xf32>
      %parallel_loop3A_566 = arith.addf %parallel_loop3A_559, %parallel_loop3A_565 : vector<16xf32>
      %parallel_loop3A_567 = arith.constant 168 : i32
      %parallel_loop3A_568 = arith.addi %parallel_loop3A_567, %parallel_loop3A_418 : i32
      %parallel_loop3A_569 = arith.index_cast %parallel_loop3A_568 : i32 to index
      %parallel_loop3A_570 = arith.constant 32 : index
      %parallel_loop3A_571 = tpu.vector_load %arg6[%parallel_loop3A_569, %parallel_loop3A_570] {strides = array<i32>} : memref<504x64xf32, #tpu.memory_space<vmem>>, vector<1x16xf32>,
      %parallel_loop3A_572 = vector.shape_cast %parallel_loop3A_571 : vector<1x16xf32> to vector<16xf32>
      %parallel_loop3A_573 = arith.addf %parallel_loop3A_566, %parallel_loop3A_572 : vector<16xf32>
      %parallel_loop3A_574 = arith.constant 224 : i32
      %parallel_loop3A_575 = arith.addi %parallel_loop3A_574, %parallel_loop3A_418 : i32
      %parallel_loop3A_576 = arith.index_cast %parallel_loop3A_575 : i32 to index
      %parallel_loop3A_577 = arith.constant 32 : index
      %parallel_loop3A_578 = tpu.vector_load %arg6[%parallel_loop3A_576, %parallel_loop3A_577] {strides = array<i32>} : memref<504x64xf32, #tpu.memory_space<vmem>>, vector<1x16xf32>,
      %parallel_loop3A_579 = vector.shape_cast %parallel_loop3A_578 : vector<1x16xf32> to vector<16xf32>
      %parallel_loop3A_580 = arith.addf %parallel_loop3A_573, %parallel_loop3A_579 : vector<16xf32>
      %parallel_loop3A_581 = arith.constant 280 : i32
      %parallel_loop3A_582 = arith.addi %parallel_loop3A_581, %parallel_loop3A_418 : i32
      %parallel_loop3A_583 = arith.index_cast %parallel_loop3A_582 : i32 to index
      %parallel_loop3A_584 = arith.constant 32 : index
      %parallel_loop3A_585 = tpu.vector_load %arg6[%parallel_loop3A_583, %parallel_loop3A_584] {strides = array<i32>} : memref<504x64xf32, #tpu.memory_space<vmem>>, vector<1x16xf32>,
      %parallel_loop3A_586 = vector.shape_cast %parallel_loop3A_585 : vector<1x16xf32> to vector<16xf32>
      %parallel_loop3A_587 = arith.addf %parallel_loop3A_580, %parallel_loop3A_586 : vector<16xf32>
      %parallel_loop3A_588 = arith.constant 336 : i32
      %parallel_loop3A_589 = arith.addi %parallel_loop3A_588, %parallel_loop3A_418 : i32
      %parallel_loop3A_590 = arith.index_cast %parallel_loop3A_589 : i32 to index
      %parallel_loop3A_591 = arith.constant 32 : index
      %parallel_loop3A_592 = tpu.vector_load %arg6[%parallel_loop3A_590, %parallel_loop3A_591] {strides = array<i32>} : memref<504x64xf32, #tpu.memory_space<vmem>>, vector<1x16xf32>,
      %parallel_loop3A_593 = vector.shape_cast %parallel_loop3A_592 : vector<1x16xf32> to vector<16xf32>
      %parallel_loop3A_594 = arith.addf %parallel_loop3A_587, %parallel_loop3A_593 : vector<16xf32>
      %parallel_loop3A_595 = arith.constant 392 : i32
      %parallel_loop3A_596 = arith.addi %parallel_loop3A_595, %parallel_loop3A_418 : i32
      %parallel_loop3A_597 = arith.index_cast %parallel_loop3A_596 : i32 to index
      %parallel_loop3A_598 = arith.constant 32 : index
      %parallel_loop3A_599 = tpu.vector_load %arg6[%parallel_loop3A_597, %parallel_loop3A_598] {strides = array<i32>} : memref<504x64xf32, #tpu.memory_space<vmem>>, vector<1x16xf32>,
      %parallel_loop3A_600 = vector.shape_cast %parallel_loop3A_599 : vector<1x16xf32> to vector<16xf32>
      %parallel_loop3A_601 = arith.addf %parallel_loop3A_594, %parallel_loop3A_600 : vector<16xf32>
      %parallel_loop3A_602 = arith.constant 448 : i32
      %parallel_loop3A_603 = arith.addi %parallel_loop3A_602, %parallel_loop3A_418 : i32
      %parallel_loop3A_604 = arith.index_cast %parallel_loop3A_603 : i32 to index
      %parallel_loop3A_605 = arith.constant 32 : index
      %parallel_loop3A_606 = tpu.vector_load %arg6[%parallel_loop3A_604, %parallel_loop3A_605] {strides = array<i32>} : memref<504x64xf32, #tpu.memory_space<vmem>>, vector<1x16xf32>,
      %parallel_loop3A_607 = vector.shape_cast %parallel_loop3A_606 : vector<1x16xf32> to vector<16xf32>
      %parallel_loop3A_608 = arith.addf %parallel_loop3A_601, %parallel_loop3A_607 : vector<16xf32>
      %parallel_loop3A_609 = arith.index_cast %parallel_loop3A_418 : i32 to index
      %parallel_loop3A_610 = arith.constant 32 : index
      %parallel_loop3A_611 = tpu.vector_load %arg9[%parallel_loop3A_609, %parallel_loop3A_610] {strides = array<i32>} : memref<56x64xf32, #tpu.memory_space<vmem>>, vector<1x16xf32>,
      %parallel_loop3A_612 = vector.shape_cast %parallel_loop3A_611 : vector<1x16xf32> to vector<16xf32>
      %parallel_loop3A_613 = vector.shape_cast %parallel_loop3A_608 : vector<16xf32> to vector<1x16xf32>
      tpu.vector_store %arg9[%parallel_loop3A_609, %parallel_loop3A_610], %parallel_loop3A_613 {strides = array<i32>} : memref<56x64xf32, #tpu.memory_space<vmem>>, vector<1x16xf32>,
      %parallel_loop3A_614 = arith.index_cast %parallel_loop3A_418 : i32 to index
      %parallel_loop3A_615 = arith.constant 48 : index
      %parallel_loop3A_616 = tpu.vector_load %arg6[%parallel_loop3A_614, %parallel_loop3A_615] {strides = array<i32>} : memref<504x64xf32, #tpu.memory_space<vmem>>, vector<1x16xf32>,
      %parallel_loop3A_617 = vector.shape_cast %parallel_loop3A_616 : vector<1x16xf32> to vector<16xf32>
      %parallel_loop3A_618 = arith.constant 56 : i32
      %parallel_loop3A_619 = arith.addi %parallel_loop3A_618, %parallel_loop3A_418 : i32
      %parallel_loop3A_620 = arith.index_cast %parallel_loop3A_619 : i32 to index
      %parallel_loop3A_621 = arith.constant 48 : index
      %parallel_loop3A_622 = tpu.vector_load %arg6[%parallel_loop3A_620, %parallel_loop3A_621] {strides = array<i32>} : memref<504x64xf32, #tpu.memory_space<vmem>>, vector<1x16xf32>,
      %parallel_loop3A_623 = vector.shape_cast %parallel_loop3A_622 : vector<1x16xf32> to vector<16xf32>
      %parallel_loop3A_624 = arith.addf %parallel_loop3A_617, %parallel_loop3A_623 : vector<16xf32>
      %parallel_loop3A_625 = arith.constant 112 : i32
      %parallel_loop3A_626 = arith.addi %parallel_loop3A_625, %parallel_loop3A_418 : i32
      %parallel_loop3A_627 = arith.index_cast %parallel_loop3A_626 : i32 to index
      %parallel_loop3A_628 = arith.constant 48 : index
      %parallel_loop3A_629 = tpu.vector_load %arg6[%parallel_loop3A_627, %parallel_loop3A_628] {strides = array<i32>} : memref<504x64xf32, #tpu.memory_space<vmem>>, vector<1x16xf32>,
      %parallel_loop3A_630 = vector.shape_cast %parallel_loop3A_629 : vector<1x16xf32> to vector<16xf32>
      %parallel_loop3A_631 = arith.addf %parallel_loop3A_624, %parallel_loop3A_630 : vector<16xf32>
      %parallel_loop3A_632 = arith.constant 168 : i32
      %parallel_loop3A_633 = arith.addi %parallel_loop3A_632, %parallel_loop3A_418 : i32
      %parallel_loop3A_634 = arith.index_cast %parallel_loop3A_633 : i32 to index
      %parallel_loop3A_635 = arith.constant 48 : index
      %parallel_loop3A_636 = tpu.vector_load %arg6[%parallel_loop3A_634, %parallel_loop3A_635] {strides = array<i32>} : memref<504x64xf32, #tpu.memory_space<vmem>>, vector<1x16xf32>,
      %parallel_loop3A_637 = vector.shape_cast %parallel_loop3A_636 : vector<1x16xf32> to vector<16xf32>
      %parallel_loop3A_638 = arith.addf %parallel_loop3A_631, %parallel_loop3A_637 : vector<16xf32>
      %parallel_loop3A_639 = arith.constant 224 : i32
      %parallel_loop3A_640 = arith.addi %parallel_loop3A_639, %parallel_loop3A_418 : i32
      %parallel_loop3A_641 = arith.index_cast %parallel_loop3A_640 : i32 to index
      %parallel_loop3A_642 = arith.constant 48 : index
      %parallel_loop3A_643 = tpu.vector_load %arg6[%parallel_loop3A_641, %parallel_loop3A_642] {strides = array<i32>} : memref<504x64xf32, #tpu.memory_space<vmem>>, vector<1x16xf32>,
      %parallel_loop3A_644 = vector.shape_cast %parallel_loop3A_643 : vector<1x16xf32> to vector<16xf32>
      %parallel_loop3A_645 = arith.addf %parallel_loop3A_638, %parallel_loop3A_644 : vector<16xf32>
      %parallel_loop3A_646 = arith.constant 280 : i32
      %parallel_loop3A_647 = arith.addi %parallel_loop3A_646, %parallel_loop3A_418 : i32
      %parallel_loop3A_648 = arith.index_cast %parallel_loop3A_647 : i32 to index
      %parallel_loop3A_649 = arith.constant 48 : index
      %parallel_loop3A_650 = tpu.vector_load %arg6[%parallel_loop3A_648, %parallel_loop3A_649] {strides = array<i32>} : memref<504x64xf32, #tpu.memory_space<vmem>>, vector<1x16xf32>,
      %parallel_loop3A_651 = vector.shape_cast %parallel_loop3A_650 : vector<1x16xf32> to vector<16xf32>
      %parallel_loop3A_652 = arith.addf %parallel_loop3A_645, %parallel_loop3A_651 : vector<16xf32>
      %parallel_loop3A_653 = arith.constant 336 : i32
      %parallel_loop3A_654 = arith.addi %parallel_loop3A_653, %parallel_loop3A_418 : i32
      %parallel_loop3A_655 = arith.index_cast %parallel_loop3A_654 : i32 to index
      %parallel_loop3A_656 = arith.constant 48 : index
      %parallel_loop3A_657 = tpu.vector_load %arg6[%parallel_loop3A_655, %parallel_loop3A_656] {strides = array<i32>} : memref<504x64xf32, #tpu.memory_space<vmem>>, vector<1x16xf32>,
      %parallel_loop3A_658 = vector.shape_cast %parallel_loop3A_657 : vector<1x16xf32> to vector<16xf32>
      %parallel_loop3A_659 = arith.addf %parallel_loop3A_652, %parallel_loop3A_658 : vector<16xf32>
      %parallel_loop3A_660 = arith.constant 392 : i32
      %parallel_loop3A_661 = arith.addi %parallel_loop3A_660, %parallel_loop3A_418 : i32
      %parallel_loop3A_662 = arith.index_cast %parallel_loop3A_661 : i32 to index
      %parallel_loop3A_663 = arith.constant 48 : index
      %parallel_loop3A_664 = tpu.vector_load %arg6[%parallel_loop3A_662, %parallel_loop3A_663] {strides = array<i32>} : memref<504x64xf32, #tpu.memory_space<vmem>>, vector<1x16xf32>,
      %parallel_loop3A_665 = vector.shape_cast %parallel_loop3A_664 : vector<1x16xf32> to vector<16xf32>
      %parallel_loop3A_666 = arith.addf %parallel_loop3A_659, %parallel_loop3A_665 : vector<16xf32>
      %parallel_loop3A_667 = arith.constant 448 : i32
      %parallel_loop3A_668 = arith.addi %parallel_loop3A_667, %parallel_loop3A_418 : i32
      %parallel_loop3A_669 = arith.index_cast %parallel_loop3A_668 : i32 to index
      %parallel_loop3A_670 = arith.constant 48 : index
      %parallel_loop3A_671 = tpu.vector_load %arg6[%parallel_loop3A_669, %parallel_loop3A_670] {strides = array<i32>} : memref<504x64xf32, #tpu.memory_space<vmem>>, vector<1x16xf32>,
      %parallel_loop3A_672 = vector.shape_cast %parallel_loop3A_671 : vector<1x16xf32> to vector<16xf32>
      %parallel_loop3A_673 = arith.addf %parallel_loop3A_666, %parallel_loop3A_672 : vector<16xf32>
      %parallel_loop3A_674 = arith.index_cast %parallel_loop3A_418 : i32 to index
      %parallel_loop3A_675 = arith.constant 48 : index
      %parallel_loop3A_676 = tpu.vector_load %arg9[%parallel_loop3A_674, %parallel_loop3A_675] {strides = array<i32>} : memref<56x64xf32, #tpu.memory_space<vmem>>, vector<1x16xf32>,
      %parallel_loop3A_677 = vector.shape_cast %parallel_loop3A_676 : vector<1x16xf32> to vector<16xf32>
      %parallel_loop3A_678 = vector.shape_cast %parallel_loop3A_673 : vector<16xf32> to vector<1x16xf32>
      tpu.vector_store %arg9[%parallel_loop3A_674, %parallel_loop3A_675], %parallel_loop3A_678 {strides = array<i32>} : memref<56x64xf32, #tpu.memory_space<vmem>>, vector<1x16xf32>,
    } {sc.loop_unroll_factor = 1 : i64, sc.parallel_access}
    %add3A_394 = arith.constant 1512 : i32
    %add3A_395 = arith.addi %select_n3A, %add3A_394 : i32
    %dma_start3A_396 = arith.constant 0 : i32
    %dma_start3A_397 = tpu.memref_slice %arg4[%add3A_395, %dma_start3A_396] : memref<50000x64xf32, #tpu.memory_space<hbm>> -> memref<56x64xf32, #tpu.memory_space<hbm>>
    %dma_start3A_398 = arith.constant 0 : i32
    %dma_start3A_399 = tpu.memref_slice %arg4[%add3A_395, %dma_start3A_398] : memref<50000x64xf32, #tpu.memory_space<hbm>> -> memref<56x64xf32, #tpu.memory_space<hbm>>
    tpu.enqueue_dma source(%arg9 : memref<56x64xf32, #tpu.memory_space<vmem>>) target(%dma_start3A_399 : memref<56x64xf32, #tpu.memory_space<hbm>>) target_semaphore(%arg16 : memref<!tpu.dma_semaphore, #tpu.memory_space<semaphore_mem>>)
    %dma_wait3A_400 = arith.constant 0 : i32
    %dma_wait3A_401 = arith.constant 0 : i32
    %dma_wait3A_402 = tpu.memref_slice %arg4[%dma_wait3A_400, %dma_wait3A_401] : memref<50000x64xf32, #tpu.memory_space<hbm>> -> memref<56x64xf32, #tpu.memory_space<hbm>>
    %dma_wait3A_403 = arith.constant 0 : i32
    %dma_wait3A_404 = arith.constant 0 : i32
    %dma_wait3A_405 = tpu.memref_slice %arg4[%dma_wait3A_403, %dma_wait3A_404] : memref<50000x64xf32, #tpu.memory_space<hbm>> -> memref<56x64xf32, #tpu.memory_space<hbm>>
    tpu.wait_dma2 semaphore(%arg16 : memref<!tpu.dma_semaphore, #tpu.memory_space<semaphore_mem>>) src(%arg9 : memref<56x64xf32, #tpu.memory_space<vmem>>) dst(%dma_wait3A_405 : memref<56x64xf32, #tpu.memory_space<hbm>>)
    %dma_wait3A_406 = arith.constant 0 : i32
    %dma_wait3A_407 = arith.constant 0 : i32
    %dma_wait3A_408 = tpu.memref_slice %arg4[%dma_wait3A_406, %dma_wait3A_407] : memref<50000x64xf32, #tpu.memory_space<hbm>> -> memref<56x64xf32, #tpu.memory_space<hbm>>
    %dma_wait3A_409 = arith.constant 0 : i32
    %dma_wait3A_410 = arith.constant 0 : i32
    %dma_wait3A_411 = tpu.memref_slice %arg4[%dma_wait3A_409, %dma_wait3A_410] : memref<50000x64xf32, #tpu.memory_space<hbm>> -> memref<56x64xf32, #tpu.memory_space<hbm>>
    tpu.wait_dma2 semaphore(%arg17 : memref<!tpu.dma_semaphore, #tpu.memory_space<semaphore_mem>>) src(%arg10 : memref<56x64xf32, #tpu.memory_space<vmem>>) dst(%dma_wait3A_411 : memref<56x64xf32, #tpu.memory_space<hbm>>)
    %dma_wait3A_412 = arith.constant 0 : i32
    %dma_wait3A_413 = arith.constant 0 : i32
    %dma_wait3A_414 = tpu.memref_slice %arg4[%dma_wait3A_412, %dma_wait3A_413] : memref<50000x64xf32, #tpu.memory_space<hbm>> -> memref<56x64xf32, #tpu.memory_space<hbm>>
    %dma_wait3A_415 = arith.constant 0 : i32
    %dma_wait3A_416 = arith.constant 0 : i32
    %dma_wait3A_417 = tpu.memref_slice %arg4[%dma_wait3A_415, %dma_wait3A_416] : memref<50000x64xf32, #tpu.memory_space<hbm>> -> memref<56x64xf32, #tpu.memory_space<hbm>>
    tpu.wait_dma2 semaphore(%arg18 : memref<!tpu.dma_semaphore, #tpu.memory_space<semaphore_mem>>) src(%arg11 : memref<56x64xf32, #tpu.memory_space<vmem>>) dst(%dma_wait3A_417 : memref<56x64xf32, #tpu.memory_space<hbm>>)
    return
  }
}

module attributes {stable_mosaic.version = 14 : i64} {
  func.func @_mm_body(%arg0: i32, %arg1: memref<10000x128xf32, #tpu.memory_space<vmem>>, %arg2: memref<1x128x64xf32, #tpu.memory_space<vmem>>, %arg3: memref<5000x128xf32, #tpu.memory_space<vmem>>) attributes {dimension_semantics = [#tpu.dimension_semantics<arbitrary>], iteration_bounds = array<i64: 9>, scalar_prefetch = 0 : i64, scratch_operands = 0 : i64, tpu.core_type = #tpu.core_type<tc>, window_params = [{pipeline_mode = #tpu.pipeline_mode<synchronous>, transform_indices = @transform_0, window_bounds = array<i64: 10000, 128>}, {transform_indices = @transform_1, window_bounds = array<i64: 1, 128, 64>}, {transform_indices = @transform_2, window_bounds = array<i64: 5000, 128>}]} {
    %get3A = arith.constant 0 : index
    %get3A_0 = arith.constant 0 : index
    %get3A_1 = arith.constant 0 : index
    %get3A_2 = vector.load %arg2[%get3A, %get3A_0, %get3A_1] : memref<1x128x64xf32, #tpu.memory_space<vmem>>, vector<1x128x64xf32>
    %get3A_3 = vector.shape_cast %get3A_2 : vector<1x128x64xf32> to vector<128x64xf32>
    %convert_element_type3A = arith.truncf %get3A_3 : vector<128x64xf32> to vector<128x64xbf16>
    %get3A_4 = arith.constant 0 : index
    %get3A_5 = arith.constant 0 : index
    %get3A_6 = vector.load %arg1[%get3A_4, %get3A_5] : memref<10000x128xf32, #tpu.memory_space<vmem>>, vector<10000x128xf32>
    %convert_element_type3A_7 = arith.truncf %get3A_6 : vector<10000x128xf32> to vector<10000x128xbf16>
    %slice3A = vector.extract_strided_slice %convert_element_type3A_7 {offsets = [0, 0], sizes = [5000, 128], strides = [1, 1]} : vector<10000x128xbf16> to vector<5000x128xbf16>
    %dot_general3A = arith.constant dense<0.000000e+00> : vector<5000x64xf32>
    %dot_general3A_8 = tpu.matmul %slice3A, %convert_element_type3A, %dot_general3A {dimension_numbers = #tpu.dot_dimension_numbers<[1], [0], [0], [1], [0, 0, 1, 1], [], []>, transpose_lhs_hint = false} : vector<5000x128xbf16>, vector<128x64xbf16>, vector<5000x64xf32> -> vector<5000x64xf32>
    %slice3A_9 = vector.extract_strided_slice %convert_element_type3A_7 {offsets = [5000, 0], sizes = [5000, 128], strides = [1, 1]} : vector<10000x128xbf16> to vector<5000x128xbf16>
    %dot_general3A_10 = arith.constant dense<0.000000e+00> : vector<5000x64xf32>
    %dot_general3A_11 = tpu.matmul %slice3A_9, %convert_element_type3A, %dot_general3A_10 {dimension_numbers = #tpu.dot_dimension_numbers<[1], [0], [0], [1], [0, 0, 1, 1], [], []>, transpose_lhs_hint = false} : vector<5000x128xbf16>, vector<128x64xbf16>, vector<5000x64xf32> -> vector<5000x64xf32>
    %concatenate3A = tpu.concatenate %dot_general3A_8, %dot_general3A_11 in 1 : vector<5000x64xf32>, vector<5000x64xf32> -> vector<5000x128xf32>
    %swap3A = arith.constant 0 : index
    %swap3A_12 = arith.constant 0 : index
    %swap3A_13 = vector.load %arg3[%swap3A, %swap3A_12] : memref<5000x128xf32, #tpu.memory_space<vmem>>, vector<5000x128xf32>
    tpu.vector_store %arg3[%swap3A, %swap3A_12], %concatenate3A {strides = array<i32>} : memref<5000x128xf32, #tpu.memory_space<vmem>>, vector<5000x128xf32>,
    return
  }
  func.func @transform_0(%arg0: i32) -> (i32, i32) {
    %c0_i32 = arith.constant 0 : i32
    %c0_i32_0 = arith.constant 0 : i32
    %c0_i32_1 = arith.constant 0 : i32
    return %c0_i32, %c0_i32_0 : i32, i32
  }
  func.func @transform_1(%arg0: i32) -> (i32, i32, i32) {
    %c0_i32 = arith.constant 0 : i32
    %c0_i32_0 = arith.constant 0 : i32
    %c0_i32_1 = arith.constant 0 : i32
    return %arg0, %c0_i32, %c0_i32_0 : i32, i32, i32
  }
  func.func @transform_2(%arg0: i32) -> (i32, i32) {
    %c0_i32 = arith.constant 0 : i32
    %c0_i32_0 = arith.constant 0 : i32
    return %arg0, %c0_i32 : i32, i32
  }
}

</mosaic_0001>

<sc_bundles>
// kernel: kernel.4.cloned.1.call-start
scs
__scs_entry_jumppad:
0x0: {  	(pc) =	sbr.rel $0x88, $3  }
0x1: {  	(tag) =	ssettag $0x0;
	lr =	simm.s32 $0x1  }
0x2: {  	[smem:$0x3F9E] =	sst lr;
	_ =	strace $0xD0000000  }
0x3: {  	_ = 	snop  }
0x4: {  	_ = 	snop  }
0x5: {  	_ = 	snop  }
0x6: {  	_ = 	snop  }
0x7: {  	_ = 	snop  }
__scs_overlays_trampoline_lowered:
0x8: {  	[smem:$0x3FAD] =	sst s0  }
0x9: {  	[smem:$0x3FAE] =	sst s1  }
0xa: {  	[smem:$0x3FAF] =	sst s2  }
0xb: {  	[smem:$0x3FB0] =	sst s3  }
0xc: {  	[smem:$0x3FB1] =	sst s4  }
0xd: {  	[smem:$0x3FB2] =	sst s5  }
0xe: {  	[smem:$0x3FB3] =	sst s6  }
0xf: {  	[smem:$0x3FB4] =	sst s7  }
0x10: {  	[smem:$0x3FB5] =	sst s8  }
0x11: {  	[smem:$0x3FB6] =	sst s9;
	s0 =	simm.s32 @!p0 $0x0  }
0x12: {  	s1 =	sld [smem:$0x3F9C];
	s0 =	simm.s32 @p0 $0x1  }
0x13: {  	[smem:$0x3FB7] =	sst s0;
	s0 =	simm.s32 @!p1 $0x0  }
0x14: {  	s2 =	sld [smem:$0x3F9B];
	s0 =	simm.s32 @p1 $0x1  }
0x15: {  	[smem:$0x3FB8] =	sst s0;
	s0 =	simm.s32 @!p2 $0x0  }
0x16: {  	s3 =	sld [smem:$0x3FDB];
	s0 =	simm.s32 @p2 $0x1  }
0x17: {  	s4 =	simm.s32 $0x1BF5;
	[smem:$0x3FBA] =	sst s0  }
0x18: {  	s0 =	sld [smem:$0x3F9D];
	_ =	swait.ge [sflag:s4], $0x0  }
0x19: {  	s7 =	sld [smem:$0x3F9E]  }
0x1a: {  	s8 =	sadd.s32 $0xFFFFE003, lr  }
0x1b: {  	s9 =	sadd.s32 $0xFFFFFEF7, lr;
	s5 =	simm.s32 $0xFFFFFFFF;
	p2 =	slt.u32 s8, $0xFFFFF086  }
0x1c: {  	p1 =	slt.u32 s9, $0xF7A;
	s5 =	simm.s32 @!p2 $0x0  }
0x1d: {  	s5 =	simm.s32 @p1 $0x1;
	p0 =	seq.s32 s7, s2  }
0x1e: {  	s7 =	smul.u32 @!p0 $0xF7A, s2;
	p2 =	seq.s32 @!p0 s5, $0x0  }
0x1f: {  	s9 =	smul.u32 $0xF7A, s1;
	s8 =	simm.s32 @!p0 $0x1BF5;
	p2 =	por !p2, p0  }
0x20: {  	[sflag:s8] =	ssyncset.s32 @!p0 $0xFFFFF086;
	s6 =	sadd.s32 @!p0 s3, s7;
	s7 =	simm.s32 @!p0 $0x108  }
0x21: {  	s3 =	sadd.s32 s3, s9;
	s6 =	sadd.s32 @!p0 $0x88, s6;
	s7 =	simm.s32 @p2 $0x1082  }
0x22: {  	[simem:s7], [sflag:s8] =	dma.local @!p0 [hbm:s6], $0xF7A  }
0x23: {  	s9 =	sor.u32 $0xD0000000, s2;
	s6 =	simm.s32 $0x108;
	_ =	swait.ge @!p0 [sflag:s8], $0x0  }
0x24: {  	s3 =	sadd.s32 $0x88, s3;
	s6 =	simm.s32 @!p1 $0x1082;
	[sflag:s4] =	ssyncset.s32 $0xFFFFF086  }
0x25: {  	[simem:s6], [sflag:s4] =	dma.local [hbm:s3], $0xF7A  }
0x26: {  	[smem:$0x3F9E] =	sst s1;
	(tag) =	ssettag s2;
	_ =	strace s9  }
0x27: {  	s1 =	sld [smem:$0x3FAE]  }
0x28: {  	s2 =	sld [smem:$0x3FAF]  }
0x29: {  	s4 =	sld [smem:$0x3FB1]  }
0x2a: {  	p0 =	seq.s32 s5, $0x0;
	s5 =	sld [smem:$0x3FB2]  }
0x2b: {  	s6 =	sld [smem:$0x3FB3]  }
0x2c: {  	s7 =	sld [smem:$0x3FB4]  }
0x2d: {  	s3 =	simm.s32 $0x108;
	s8 =	sld [smem:$0x3FB5]  }
0x2e: {  	s3 =	simm.s32 @!p0 $0x1082;
	s9 =	sld [smem:$0x3FB6]  }
0x2f: {  	lr =	sadd.s32 s0, s3;
	s0 =	sld [smem:$0x3FAD]  }
0x30: {  	s3 =	sld [smem:$0x3FB0]  }
0x31: {  	[smem:$0x3FB9] =	sst s10  }
0x32: {  	s10 =	sld [smem:$0x3FB7];
	_ =	sdelay $0x3  }
0x33: {  	p0 =	seq.s32 s10, $0x1;
	s10 =	sld [smem:$0x3FB9];
	_ =	sdelay $0x3  }
0x34: {  	[smem:$0x3FB9] =	sst s10  }
0x35: {  	s10 =	sld [smem:$0x3FB8];
	_ =	sdelay $0x3  }
0x36: {  	p1 =	seq.s32 s10, $0x1;
	s10 =	sld [smem:$0x3FB9];
	_ =	sdelay $0x3  }
0x37: {  	[smem:$0x3FB9] =	sst s10  }
0x38: {  	s10 =	sld [smem:$0x3FBA]  }
0x39: {  	_ = 	snop;
	(pc) =	sbr.ind lr, $3  }
0x3a: {  	_ = 	snop  }
0x3b: {  	_ = 	snop  }
0x3c: {  	p2 =	seq.s32 s10, $0x1;
	s10 =	sld [smem:$0x3FB9]  }
0x3d: {  	_ =	shalt  }
0x3e: {  	_ =	shalt  }
0x3f: {  	_ =	shalt  }
0x40: {  	_ =	shalt  }
0x41: {  	_ =	shalt  }
0x42: {  	_ =	shalt  }
0x43: {  	_ =	shalt  }
0x44: {  	_ =	shalt  }
0x45: {  	_ =	shalt  }
0x46: {  	_ =	shalt  }
0x47: {  	_ =	shalt  }
0x48: {  	_ =	shalt  }
0x49: {  	_ =	shalt  }
0x4a: {  	_ =	shalt  }
0x4b: {  	_ =	shalt  }
0x4c: {  	_ =	shalt  }
0x4d: {  	_ =	shalt  }
0x4e: {  	_ =	shalt  }
0x4f: {  	_ =	shalt  }
0x50: {  	_ =	shalt  }
0x51: {  	_ =	shalt  }
0x52: {  	_ =	shalt  }
0x53: {  	_ =	shalt  }
0x54: {  	_ =	shalt  }
0x55: {  	_ =	shalt  }
0x56: {  	_ =	shalt  }
0x57: {  	_ =	shalt  }
0x58: {  	_ =	shalt  }
0x59: {  	_ =	shalt  }
0x5a: {  	_ =	shalt  }
0x5b: {  	_ =	shalt  }
0x5c: {  	_ =	shalt  }
0x5d: {  	_ =	shalt  }
0x5e: {  	_ =	shalt  }
0x5f: {  	_ =	shalt  }
0x60: {  	_ =	shalt  }
0x61: {  	_ =	shalt  }
0x62: {  	_ =	shalt  }
0x63: {  	_ =	shalt  }
0x64: {  	_ =	shalt  }
0x65: {  	_ =	shalt  }
0x66: {  	_ =	shalt  }
0x67: {  	_ =	shalt  }
0x68: {  	_ =	shalt  }
0x69: {  	_ =	shalt  }
0x6a: {  	_ =	shalt  }
0x6b: {  	_ =	shalt  }
0x6c: {  	_ =	shalt  }
0x6d: {  	_ =	shalt  }
0x6e: {  	_ =	shalt  }
0x6f: {  	_ =	shalt  }
0x70: {  	_ =	shalt  }
0x71: {  	_ =	shalt  }
0x72: {  	_ =	shalt  }
0x73: {  	_ =	shalt  }
0x74: {  	_ =	shalt  }
0x75: {  	_ =	shalt  }
0x76: {  	_ =	shalt  }
0x77: {  	_ =	shalt  }
0x78: {  	_ =	shalt  }
0x79: {  	_ =	shalt  }
0x7a: {  	_ =	shalt  }
0x7b: {  	_ =	shalt  }
0x7c: {  	_ =	shalt  }
0x7d: {  	_ =	shalt  }
0x7e: {  	_ =	shalt  }
0x7f: {  	_ =	shalt  }
0x80: {  	_ =	shalt  }
0x81: {  	_ =	shalt  }
0x82: {  	_ =	shalt  }
0x83: {  	_ =	shalt  }
0x84: {  	_ =	shalt  }
0x85: {  	_ =	shalt  }
0x86: {  	_ =	shalt  }
0x87: {  	_ =	shalt  }
.Lfunc_end0:
.L_simem_size_0:
called_computation_lowered:
.L_overlay_start_0:
0x88: {  	s2 =	sld [smem:$0x3FD9]  }
0x89: {  	s3 =	sld [smem:$0x3FFE];
	_ =	sdelay $0x1  }
0x8a: {  	s1 =	srdreg.scid  }
0x8b: {  	s0 =	sand.u32 $0x1, s1  }
0x8c: {  	s17 =	sshll.u32 s0, $0xA;
	s2 =	sadd.s32 s3, s2  }
0x8d: {  	s2 =	sadd.s32 s2, s17  }
0x8e: {  	[smem:$0x3FC5] =	sst s2  }
0x8f: {  	_ = 	snop  }
0x90: {  	s2 =	sld [smem:$0x3FD0];
	(tm) =	ssettm $0x1  }
0x91: {  	s18 =	sld [smem:$0x3FFB];
	_ =	sdelay $0x3  }
0x92: {  	_ =	strace s18  }
0x93: {  	s3 =	sld [smem:$0x3FFC];
	_ =	sdelay $0x3  }
0x94: {  	_ =	strace s3  }
0x95: {  	s3 =	sld [smem:$0x3FFD];
	_ =	sdelay $0x3  }
0x96: {  	_ =	strace s3  }
0x97: {  	_ =	strace $0x8FFFFFFF  }
0x98: {  	s19 =	sld [smem:$0x3FDB];
	_ =	sdelay $0x1  }
0x99: {  	s4 =	simm.s32 $_scs_section_size  }
0x9a: {  	s5 =	simm.s32 $_size__tile_overlayer_lowered;
	s6 =	simm.s32 $_tile_overlayer_lowered  }
0x9b: {  	s22 =	simm.s32 $0x1BFF;
	s21 =	sshll.u32 s6, $0x1;
	s3 =	sadd.s32 s4, s19  }
0x9c: {  	s7 =	simm.s32 $0x0;
	s20 =	sshll.u32 s5, $0x1;
	s5 =	sadd.s32 s21, s3  }
0x9d: {  	[timem:s7], [sflag:s22] =	dma.local [hbm:s5], s20  }
0x9e: {  	_ =	swait.ge [sflag:s22], s20  }
0x9f: {  	s4 =	ssub.s32 $0x0, s20;
	[sflag:s22] =	ssyncset.done $0x0  }
0xa0: {  	[sflag:s22] =	ssyncadd.s32 s4;
	_ =	sdelay $0x1  }
0xa1: {  	s23 =	simm.s32 $0x1B8B  }
0xa2: {  	_ =	swait.ge [sflag:s23], $0x1  }
0xa3: {  	[sflag:s23] =	ssyncset.done $0x0  }
0xa4: {  	s25 =	simm.s32 $0x1B8E;
	s24 =	sld [smem:$0x3FFE];
	[sflag:s23] =	ssyncadd.s32 $0xFFFFFFFF  }
0xa5: {  	s26 =	simm.s32 $execute0_lowered;
	[smem:$0x3FD2] =	sst s25  }
0xa6: {  	s5 =	sshll.u32 s26, $0x1;
	_ =	strace $0x80000046;
	[dreg:$0x1] =	wrdreg $0xFFFFFFFF  }
0xa7: {  	s28 =	simm.s32 $_size_execute0_lowered;
	s3 =	sadd.s32 s3, s5;
	[dreg:$0x0] =	wrdreg $0x0  }
0xa8: {  	s5 =	sshll.u32 s28, $0x1;
	[dreg:$0x2] =	wrdreg s3  }
0xa9: {  	[dreg:$0x3] =	wrdreg s5  }
0xaa: {  	[dreg:$0x4] =	wrdreg $0xC0  }
0xab: {  	_ =	task [dreg:s7], $0x5FFFF  }
0xac: {  	[dreg:$0x1] =	wrdreg $0xFFFFFFFF  }
0xad: {  	[dreg:$0x0] =	wrdreg $0x60  }
0xae: {  	[dreg:$0x2] =	wrdreg s24  }
0xaf: {  	[dreg:$0x3] =	wrdreg s2  }
0xb0: {  	[dreg:$0x4] =	wrdreg $0x9  }
0xb1: {  	_ =	task.clear_ibuf [dreg:s7], $0x5FFFF;
	_ =	strace $0x90000046  }
0xb2: {  	s29 =	simm.s32 $0x9;
	_ =	strace $0x80000048  }
0xb3: {  	_ =	swait.ge [sflag:s29], $0x1  }
0xb4: {  	[sflag:s29] =	ssyncadd.s32 $0xFFFFFFFF  }
0xb5: {  	_ =	strace $0x90000048  }
0xb6: {  	_ =	sfence  }
0xb7: {  	s30 =	sld [smem:$0x0];
	_ =	sdelay $0x2  }
0xb8: {  	s31 =	sshll.u32 s1, $0xD;
	s1 =	sshrl.u32 s1, $0x2  }
0xb9: {  	s3 =	sand.u32 $0x4000, s31;
	s1 =	sadd.s32 s1, s30  }
0xba: {  	s0 =	sor.u32 s3, s0;
	s1 =	sshll.u32 s1, $0x11  }
0xbb: {  	s0 =	sor.u32 s1, s0  }
0xbc: {  	s0 =	sadd.s32 $0x8F2B, s0  }
0xbd: {  	[sflag:s0] =	ssyncadd.remote.s32 $0x1  }
0xbe: {  	_ =	sfence.sel $0xFFFF  }
0xbf: {  	[dreg:$0x0] =	wrdreg $0xFFFFFFFF;
	(pc) =	sbr.abs _section_cstart, $3  }
0xc0: {  	[dreg:$0x1] =	wrdreg $0xFFFFFFFF  }
0xc1: {  	_ =	task.clear_ibuf [dreg:s7], $0x2FFFF;
	_ =	strace $0x9FFFFFFF  }
0xc2: {  	(tm) =	ssettm $0x7FFFFFFF  }
0xc3: {  	_ =	shalt  }
tec
execute0_lowered:
.L_overlay_start_1:
0x0: {  	(tag) =	ssettag $0x1  }
0x1: {  	s0 =	srdreg.scid  }
0x2: {  	s1 =	stileid.u32;
	s5 =	rddreg [dreg:$0x0]  }
0x3: {  	s3 =	rddreg [dreg:$0x1];
	s0 =	sand.u32 $0x1, s0;
	s1 =	sshll.u32 s1, $0x1  }
0x4: {  	s4 =	simm.s32 $0x0;
	s29 =	simm.s32 $0x38;
	s1 =	sor.u32 s0, s1  }
0x5: {  	s19 =	simm.s32 $0x6F20;
	s7 =	simm.s32 $0x2;
	s2 =	smul.u32 $0x620, s1  }
0x6: {  	s8 =	simm.s32 $0x3;
	s0 =	ssub.s32 $0x2, s0;
	p0 =	seq.s32 s1, $0x1F  }
0x7: {  	s9 =	simm.s32 $0x1BF20;
	s6 =	sshrl.u32 s0, $0x1;
	s2 =	simm.s32 @p0 $0xBD30  }
0x8: {  	s10 =	simm.s32 $0x4;
	s0 =	ssub.s32 s0, s6;
	s20 =	sshrl.u32 s2, $0x3  }
0x9: {  	[smem:$0x7FF] =	sst s4;
	s0 =	smax.u32 s0, $0x1;
	s1 =	sadd.s32 s20, s5  }
0xa: {  	_ =	strace $0x80000047;
	[dreg:$0xd] =	wrdreg s0;
	s21 =	sadd.s32 $0xC00, s1  }
0xb: {  	s11 =	simm.s32 $0x7;
	s22 =	sadd.s32 $0x246A, s1;
	[dreg:$0x3] =	wrdreg s21  }
0xc: {  	s12 =	simm.s32 $0x1CD20;
	s23 =	sadd.s32 $0x3CD4, s1;
	[dreg:$0x4] =	wrdreg s22  }
0xd: {  	s31 =	sshll.u32 s2, $0x3;
	s24 =	sadd.s32 $0x553E, s1;
	[dreg:$0x5] =	wrdreg s23  }
0xe: {  	s15 =	sadd.s32 $0x38, s2;
	s25 =	sadd.s32 $0x6DA8, s1;
	[dreg:$0x6] =	wrdreg s24  }
0xf: {  	s16 =	sadd.s32 $0x70, s2;
	s26 =	sadd.s32 $0x8612, s1;
	[dreg:$0x7] =	wrdreg s25  }
0x10: {  	s0 =	simm.s32 $0x0;
	s28 =	sadd.s32 $0x9E7C, s1;
	[dreg:$0x8] =	wrdreg s26  }
0x11: {  	s5 =	sadd.s32 $0xE800, s5;
	s30 =	sadd.s32 $0xB6E6, s1;
	[dreg:$0x9] =	wrdreg s28  }
0x12: {  	s20 =	simm.s32 $0x7D20;
	s1 =	sadd.s32 $0xCF50, s1;
	[dreg:$0xa] =	wrdreg s30  }
0x13: {  	[dreg:$0xb] =	wrdreg s1;
	s1 =	sadd.s32 s31, s3;
	s21 =	simm.s32 $0x8B20  }
0x14: {  	s22 =	simm.s32 $0x9920;
	s23 =	simm.s32 $0xA720;
	s1 =	sadd.s32 $0x2F40, s1  }
0x15: {  	s25 =	simm.s32 $0x1A320;
	s26 =	simm.s32 $0x1B120;
	[dreg:$0xc] =	wrdreg s1  }
.LBB2_1:
0x16: {  	[dreg:$0xe] =	wrdreg s0  }
0x17: {  	s13 =	rddreg [dreg:$0x3]  }
0x18: {  	[tilespmem:s4], [sflag:$0x1] =	stream.linear.gather [hbm4b:s13+s4], $0x620, $0x38;
	[tilespmem:$0x1DB20] =	vst v63  }
0x19: {  	s24 =	rddreg [dreg:$0x4];
	s14 =	simm.s32 $0x620  }
0x1a: {  	[tilespmem:s14], [sflag:$0x1] =	stream.linear.gather [hbm4b:s24+s4], $0x620, $0x38;
	[tilespmem:$0x1DB20] =	vst v63  }
0x1b: {  	s28 =	rddreg [dreg:$0x5];
	s17 =	simm.s32 $0xC40  }
0x1c: {  	[tilespmem:s17], [sflag:$0x1] =	stream.linear.gather [hbm4b:s28+s4], $0x620, $0x38;
	[tilespmem:$0x1DB20] =	vst v63  }
0x1d: {  	s0 =	rddreg [dreg:$0x6];
	s18 =	simm.s32 $0x1260  }
0x1e: {  	[tilespmem:s18], [sflag:$0x1] =	stream.linear.gather [hbm4b:s0+s4], $0x620, $0x38;
	[tilespmem:$0x1DB20] =	vst v63  }
0x1f: {  	s1 =	rddreg [dreg:$0x7];
	s28 =	simm.s32 $0x1880  }
0x20: {  	[tilespmem:s28], [sflag:$0x1] =	stream.linear.gather [hbm4b:s1+s4], $0x620, $0x38;
	[tilespmem:$0x1DB20] =	vst v63  }
0x21: {  	s6 =	rddreg [dreg:$0x8];
	s24 =	simm.s32 $0x1EA0  }
0x22: {  	[tilespmem:s24], [sflag:$0x1] =	stream.linear.gather [hbm4b:s6+s4], $0x620, $0x38;
	[tilespmem:$0x1DB20] =	vst v63  }
0x23: {  	s30 =	simm.s32 $0x24C0;
	s1 =	rddreg [dreg:$0x9]  }
0x24: {  	[tilespmem:s30], [sflag:$0x1] =	stream.linear.gather [hbm4b:s1+s4], $0x620, $0x38;
	[tilespmem:$0x1DB20] =	vst v63  }
0x25: {  	s31 =	simm.s32 $0x2AE0;
	s6 =	rddreg [dreg:$0xa]  }
0x26: {  	[tilespmem:s31], [sflag:$0x1] =	stream.linear.gather [hbm4b:s6+s4], $0x620, $0x38;
	[tilespmem:$0x1DB20] =	vst v63  }
0x27: {  	s13 =	rddreg [dreg:$0xb];
	s6 =	simm.s32 $0x3100  }
0x28: {  	[tilespmem:s6], [sflag:$0x1] =	stream.linear.gather [hbm4b:s13+s4], $0x620, $0x38;
	[tilespmem:$0x1DB20] =	vst v63  }
0x29: {  	s13 =	simm.s32 $0x1  }
0x2a: {  	_ =	swait.ge [sflag:s13], $0x3720  }
0x2b: {  	[sflag:s13] =	ssyncset.done $0x0  }
0x2c: {  	s1 =	simm.s32 $0x3720;
	[sflag:s13] =	ssyncadd.s32 $0xFFFFC8E0  }
0x2d: {  	[tilespmem:s1], [sflag:$0x2] =	stream.indirect.gather [hbm4b:s5+s29], $0x40, s4, s29, $0xb8;
	[tilespmem:$0x1DB20] =	vst v63  }
0x2e: {  	s1 =	simm.s32 $0x4520  }
0x2f: {  	[tilespmem:s1], [sflag:$0x2] =	stream.indirect.gather [hbm4b:s5+s29], $0x40, s14, s29, $0xb8;
	[tilespmem:$0x1DB20] =	vst v63  }
0x30: {  	s0 =	simm.s32 $0x5320  }
0x31: {  	[tilespmem:s0], [sflag:$0x2] =	stream.indirect.gather [hbm4b:s5+s29], $0x40, s17, s29, $0xb8;
	[tilespmem:$0x1DB20] =	vst v63  }
0x32: {  	s0 =	simm.s32 $0x6120  }
0x33: {  	[tilespmem:s0], [sflag:$0x2] =	stream.indirect.gather [hbm4b:s5+s29], $0x40, s18, s29, $0xb8;
	[tilespmem:$0x1DB20] =	vst v63  }
0x34: {  	_ = 	snop  }
0x35: {  	[tilespmem:s19], [sflag:$0x2] =	stream.indirect.gather [hbm4b:s5+s29], $0x40, s28, s29, $0xb8;
	[tilespmem:$0x1DB20] =	vst v63  }
0x36: {  	_ = 	snop  }
0x37: {  	[tilespmem:s20], [sflag:$0x2] =	stream.indirect.gather [hbm4b:s5+s29], $0x40, s24, s29, $0xb8;
	[tilespmem:$0x1DB20] =	vst v63  }
0x38: {  	_ = 	snop  }
0x39: {  	[tilespmem:s21], [sflag:$0x2] =	stream.indirect.gather [hbm4b:s5+s29], $0x40, s30, s29, $0xb8;
	[tilespmem:$0x1DB20] =	vst v63  }
0x3a: {  	_ = 	snop  }
0x3b: {  	[tilespmem:s22], [sflag:$0x2] =	stream.indirect.gather [hbm4b:s5+s29], $0x40, s31, s29, $0xb8;
	[tilespmem:$0x1DB20] =	vst v63  }
0x3c: {  	_ = 	snop  }
0x3d: {  	[tilespmem:s23], [sflag:$0x2] =	stream.indirect.gather [hbm4b:s5+s29], $0x40, s6, s29, $0xb8;
	[tilespmem:$0x1DB20] =	vst v63  }
0x3e: {  	s30 =	simm.s32 $0xB520  }
0x3f: {  	[tilespmem:s30], [sflag:$0x3] =	stream.indirect.gather [hbm4b:s5+s29], $0x40, s29, s29, $0xb8;
	[tilespmem:$0x1DB20] =	vst v63  }
0x40: {  	s28 =	simm.s32 $0x658;
	s31 =	simm.s32 $0xC320  }
0x41: {  	[tilespmem:s31], [sflag:$0x3] =	stream.indirect.gather [hbm4b:s5+s29], $0x40, s28, s29, $0xb8;
	[tilespmem:$0x1DB20] =	vst v63  }
0x42: {  	s14 =	simm.s32 $0xC78;
	s17 =	simm.s32 $0xD120  }
0x43: {  	[tilespmem:s17], [sflag:$0x3] =	stream.indirect.gather [hbm4b:s5+s29], $0x40, s14, s29, $0xb8;
	[tilespmem:$0x1DB20] =	vst v63  }
0x44: {  	s18 =	simm.s32 $0x1298;
	s28 =	simm.s32 $0xDF20  }
0x45: {  	[tilespmem:s28], [sflag:$0x3] =	stream.indirect.gather [hbm4b:s5+s29], $0x40, s18, s29, $0xb8;
	[tilespmem:$0x1DB20] =	vst v63  }
0x46: {  	s14 =	simm.s32 $0x18B8;
	s17 =	simm.s32 $0xED20  }
0x47: {  	[tilespmem:s17], [sflag:$0x3] =	stream.indirect.gather [hbm4b:s5+s29], $0x40, s14, s29, $0xb8;
	[tilespmem:$0x1DB20] =	vst v63  }
0x48: {  	s18 =	simm.s32 $0x1ED8;
	s28 =	simm.s32 $0xFB20  }
0x49: {  	[tilespmem:s28], [sflag:$0x3] =	stream.indirect.gather [hbm4b:s5+s29], $0x40, s18, s29, $0xb8;
	[tilespmem:$0x1DB20] =	vst v63  }
0x4a: {  	s14 =	simm.s32 $0x24F8;
	s17 =	simm.s32 $0x10920  }
0x4b: {  	[tilespmem:s17], [sflag:$0x3] =	stream.indirect.gather [hbm4b:s5+s29], $0x40, s14, s29, $0xb8;
	[tilespmem:$0x1DB20] =	vst v63  }
0x4c: {  	s18 =	simm.s32 $0x2B18;
	s28 =	simm.s32 $0x11720  }
0x4d: {  	[tilespmem:s28], [sflag:$0x3] =	stream.indirect.gather [hbm4b:s5+s29], $0x40, s18, s29, $0xb8;
	[tilespmem:$0x1DB20] =	vst v63  }
0x4e: {  	s14 =	simm.s32 $0x3138;
	s17 =	simm.s32 $0x12520  }
0x4f: {  	[tilespmem:s17], [sflag:$0x3] =	stream.indirect.gather [hbm4b:s5+s29], $0x40, s14, s29, $0xb8;
	[tilespmem:$0x1DB20] =	vst v63  }
0x50: {  	s18 =	simm.s32 $0x70;
	s28 =	simm.s32 $0x13320  }
0x51: {  	[tilespmem:s28], [sflag:$0x4] =	stream.indirect.gather [hbm4b:s5+s29], $0x40, s18, s29, $0xb8;
	[tilespmem:$0x1DB20] =	vst v63  }
0x52: {  	s14 =	simm.s32 $0x690;
	s17 =	simm.s32 $0x14120  }
0x53: {  	[tilespmem:s17], [sflag:$0x4] =	stream.indirect.gather [hbm4b:s5+s29], $0x40, s14, s29, $0xb8;
	[tilespmem:$0x1DB20] =	vst v63  }
0x54: {  	s18 =	simm.s32 $0xCB0;
	s28 =	simm.s32 $0x14F20  }
0x55: {  	[tilespmem:s28], [sflag:$0x4] =	stream.indirect.gather [hbm4b:s5+s29], $0x40, s18, s29, $0xb8;
	[tilespmem:$0x1DB20] =	vst v63  }
0x56: {  	s14 =	simm.s32 $0x12D0;
	s17 =	simm.s32 $0x15D20  }
0x57: {  	[tilespmem:s17], [sflag:$0x4] =	stream.indirect.gather [hbm4b:s5+s29], $0x40, s14, s29, $0xb8;
	[tilespmem:$0x1DB20] =	vst v63  }
0x58: {  	s18 =	simm.s32 $0x18F0;
	s28 =	simm.s32 $0x16B20  }
0x59: {  	[tilespmem:s28], [sflag:$0x4] =	stream.indirect.gather [hbm4b:s5+s29], $0x40, s18, s29, $0xb8;
	[tilespmem:$0x1DB20] =	vst v63  }
0x5a: {  	s14 =	simm.s32 $0x1F10;
	s17 =	simm.s32 $0x17920  }
0x5b: {  	[tilespmem:s17], [sflag:$0x4] =	stream.indirect.gather [hbm4b:s5+s29], $0x40, s14, s29, $0xb8;
	[tilespmem:$0x1DB20] =	vst v63  }
0x5c: {  	s18 =	simm.s32 $0x2530;
	s28 =	simm.s32 $0x18720  }
0x5d: {  	[tilespmem:s28], [sflag:$0x4] =	stream.indirect.gather [hbm4b:s5+s29], $0x40, s18, s29, $0xb8;
	[tilespmem:$0x1DB20] =	vst v63  }
0x5e: {  	s13 =	simm.s32 $0x0;
	s17 =	simm.s32 $0x2B50;
	s18 =	simm.s32 $0x19520  }
0x5f: {  	[tilespmem:s18], [sflag:$0x4] =	stream.indirect.gather [hbm4b:s5+s29], $0x40, s17, s29, $0xb8;
	[tilespmem:$0x1DB20] =	vst v63  }
0x60: {  	s24 =	simm.s32 $0x5320;
	s6 =	simm.s32 $0x3720;
	s28 =	simm.s32 $0x3170  }
0x61: {  	[tilespmem:s25], [sflag:$0x4] =	stream.indirect.gather [hbm4b:s5+s29], $0x40, s28, s29, $0xb8;
	[tilespmem:$0x1DB20] =	vst v63  }
.LBB2_2:
0x62: {  	_ =	swait.ge [sflag:s7], $0x7E00  }
0x63: {  	p0 =	seq.s32 s13, $0x0;
	[sflag:s7] =	ssyncset.done $0x0  }
0x64: {  	s14 =	simm.s32 @!p0 $0x5;
	[sflag:s7] =	ssyncadd.s32 $0xFFFF8200  }
0x65: {  	_ =	swait.ge @!p0 [sflag:s14], $0xE00  }
0x66: {  	[sflag:s14] =	ssyncset.done @!p0 $0x0  }
0x67: {  	s17 =	simm.s32 $0x0;
	[sflag:s14] =	ssyncadd.s32 @!p0 $0xFFFFF200  }
0x68: {  	v0 =	vld [tilespmem:s17+$0x3750]  }
0x69: {  	v1 =	vld [tilespmem:s17+$0x4550]  }
0x6a: {  	v2 =	vld [tilespmem:s17+$0x3720]  }
0x6b: {  	v3 =	vld [tilespmem:s17+$0x5350]  }
0x6c: {  	v4 =	vld [tilespmem:s17+$0x4520]  }
0x6d: {  	v5 =	vld [tilespmem:s17+$0x6150]  }
0x6e: {  	v6 =	vld [tilespmem:s17+$0x3730]  }
0x6f: {  	v7 =	vld [tilespmem:s17+$0x4530]  }
0x70: {  	v8 =	vld [tilespmem:s17+$0x3740]  }
0x71: {  	v9 =	vld [tilespmem:s17+$0x4540]  }
0x72: {  	v10 =	vld [tilespmem:s17+$0x5320];
	v0 =	vadd.f32 v1, v0  }
0x73: {  	v1 =	vld [tilespmem:s17+$0x6F50]  }
0x74: {  	v11 =	vld [tilespmem:s17+$0x5330];
	v0 =	vadd.f32 v3, v0  }
0x75: {  	v3 =	vld [tilespmem:s17+$0x7D50]  }
0x76: {  	v12 =	vld [tilespmem:s17+$0x6120];
	v0 =	vadd.f32 v5, v0  }
0x77: {  	v5 =	vld [tilespmem:s17+$0x8B50]  }
0x78: {  	v13 =	vld [tilespmem:s17+$0x6140];
	v0 =	vadd.f32 v1, v0  }
0x79: {  	v1 =	vld [tilespmem:s17+$0x9950]  }
0x7a: {  	v14 =	vld [tilespmem:s17+$0x6F30];
	v0 =	vadd.f32 v3, v0  }
0x7b: {  	v3 =	vld [tilespmem:s17+$0xA750]  }
0x7c: {  	v60 =	vld [tilespmem:s17+$0x7D40];
	v0 =	vadd.f32 v5, v0  }
0x7d: {  	v61 =	vld [tilespmem:s17+$0x8B40]  }
0x7e: {  	v5 =	vld [tilespmem:s17+$0x5340];
	v0 =	vadd.f32 v1, v0  }
0x7f: {  	v2 =	vadd.f32 v4, v2;
	v1 =	vld [tilespmem:s17+$0x6130]  }
0x80: {  	v4 =	vadd.f32 v7, v6;
	v6 =	vld [tilespmem:s17+$0x7D20];
	v0 =	vadd.f32 v3, v0  }
0x81: {  	v7 =	vadd.f32 v9, v8;
	v3 =	vld [tilespmem:s17+$0x6F20]  }
0x82: {  	v2 =	vadd.f32 v10, v2;
	v4 =	vadd.f32 v11, v4;
	[tilespmem:s17+$0x1B150] =	vst v0;
	v0 =	vld [tilespmem:s17+$0x6F40]  }
0x83: {  	v8 =	vld [tilespmem:s17+$0x7D30];
	v5 =	vadd.f32 v5, v7  }
0x84: {  	v2 =	vadd.f32 v12, v2;
	v7 =	vld [tilespmem:s17+$0x8B20];
	v1 =	vadd.f32 v1, v4  }
0x85: {  	v4 =	vld [tilespmem:s17+$0x8B30];
	v5 =	vadd.f32 v13, v5  }
0x86: {  	v62 =	vld [tilespmem:s17+$0x9920];
	v2 =	vadd.f32 v3, v2;
	v1 =	vadd.f32 v14, v1  }
0x87: {  	v63 =	vld [tilespmem:s17+$0x9930];
	v0 =	vadd.f32 v0, v5  }
0x88: {  	v3 =	vld [tilespmem:s17+$0x9940];
	v5 =	vadd.f32 v6, v2;
	v1 =	vadd.f32 v8, v1  }
0x89: {  	v2 =	vld [tilespmem:s17+$0xA720];
	v0 =	vadd.f32 v60, v0  }
0x8a: {  	v5 =	vadd.f32 v7, v5;
	v4 =	vadd.f32 v4, v1;
	v1 =	vld [tilespmem:s17+$0xA730]  }
0x8b: {  	s18 =	simm.s32 $0x40;
	v6 =	vadd.f32 v61, v0;
	v0 =	vld [tilespmem:s17+$0xA740]  }
0x8c: {  	s14 =	simm.s32 $0x200;
	v7 =	vld [tilespmem:s18+$0x3750];
	v5 =	vadd.f32 v62, v5;
	v4 =	vadd.f32 v63, v4  }
.LBB2_3:
0x8d: {  	p1 =	sne.s32 s14, $0x3700;
	v8 =	vld [tilespmem:s18+$0x4550];
	v3 =	vadd.f32 v3, v6  }
0x8e: {  	v6 =	vld [tilespmem:s18+$0x3720];
	v2 =	vadd.f32 v2, v5  }
0x8f: {  	v5 =	vld [tilespmem:s18+$0x5350];
	v1 =	vadd.f32 v1, v4  }
0x90: {  	v4 =	vld [tilespmem:s18+$0x4520];
	[tilespmem:s17+$0x1B120] =	vst v2;
	v0 =	vadd.f32 v0, v3  }
0x91: {  	v2 =	vld [tilespmem:s18+$0x6150];
	[tilespmem:s17+$0x1B130] =	vst v1  }
0x92: {  	v1 =	vld [tilespmem:s18+$0x3730];
	v3 =	vadd.f32 v8, v7;
	[tilespmem:s17+$0x1B140] =	vst v0;
	s17 =	smov.u32 s18  }
0x93: {  	v0 =	vld [tilespmem:s17+$0x6F50]  }
0x94: {  	v7 =	vld [tilespmem:s17+$0x4530];
	v3 =	vadd.f32 v5, v3  }
0x95: {  	v4 =	vadd.f32 v4, v6;
	v5 =	vld [tilespmem:s17+$0x7D50]  }
0x96: {  	v6 =	vld [tilespmem:s17+$0x3740];
	v2 =	vadd.f32 v2, v3  }
0x97: {  	v3 =	vld [tilespmem:s17+$0x8B50]  }
0x98: {  	v8 =	vld [tilespmem:s17+$0x4540];
	v0 =	vadd.f32 v0, v2  }
0x99: {  	v1 =	vadd.f32 v7, v1;
	v2 =	vld [tilespmem:s17+$0x9950]  }
0x9a: {  	v7 =	vld [tilespmem:s17+$0x5320];
	v0 =	vadd.f32 v5, v0  }
0x9b: {  	v5 =	vld [tilespmem:s17+$0xA750]  }
0x9c: {  	v9 =	vld [tilespmem:s17+$0x5330];
	v0 =	vadd.f32 v3, v0  }
0x9d: {  	v3 =	vadd.f32 v8, v6;
	v6 =	vld [tilespmem:s17+$0x5340]  }
0x9e: {  	v8 =	vld [tilespmem:s17+$0x6120];
	v0 =	vadd.f32 v2, v0  }
0x9f: {  	v2 =	vadd.f32 v7, v4;
	v4 =	vld [tilespmem:s17+$0x6130]  }
0xa0: {  	v7 =	vld [tilespmem:s17+$0x6140];
	v0 =	vadd.f32 v5, v0  }
0xa1: {  	v5 =	vld [tilespmem:s17+$0x6F20];
	v1 =	vadd.f32 v9, v1  }
0xa2: {  	v9 =	vld [tilespmem:s17+$0x6F30];
	v3 =	vadd.f32 v6, v3;
	[tilespmem:s17+$0x1B150] =	vst v0  }
0xa3: {  	v0 =	vadd.f32 v8, v2;
	v2 =	vld [tilespmem:s17+$0x6F40]  }
0xa4: {  	v6 =	vld [tilespmem:s17+$0x7D20];
	v1 =	vadd.f32 v4, v1  }
0xa5: {  	v4 =	vld [tilespmem:s17+$0x7D30];
	v3 =	vadd.f32 v7, v3  }
0xa6: {  	v0 =	vadd.f32 v5, v0;
	v5 =	vld [tilespmem:s17+$0x7D40]  }
0xa7: {  	v7 =	vld [tilespmem:s17+$0x8B20];
	v1 =	vadd.f32 v9, v1  }
0xa8: {  	v8 =	vld [tilespmem:s17+$0x8B30];
	v2 =	vadd.f32 v2, v3  }
0xa9: {  	v0 =	vadd.f32 v6, v0;
	v6 =	vld [tilespmem:s17+$0x8B40]  }
0xaa: {  	v9 =	vld [tilespmem:s17+$0x9920];
	v1 =	vadd.f32 v4, v1  }
0xab: {  	v4 =	vld [tilespmem:s17+$0x9930];
	v5 =	vadd.f32 v5, v2  }
.Ltmp0:
0xac: {  	v0 =	vadd.f32 v7, v0;
	v3 =	vld [tilespmem:s17+$0x9940];
	(pc) =	sbr.rel @p1 .LBB2_3-.Ltmp0, $4  }
0xad: {  	v2 =	vld [tilespmem:s17+$0xA720];
	v8 =	vadd.f32 v8, v1  }
0xae: {  	v1 =	vld [tilespmem:s17+$0xA730];
	v6 =	vadd.f32 v6, v5  }
0xaf: {  	s18 =	sshra.s32 s14, $0x2;
	v5 =	vadd.f32 v9, v0;
	v0 =	vld [tilespmem:s17+$0xA740]  }
0xb0: {  	s14 =	sadd.s32 $0x100, s14;
	v7 =	vld [tilespmem:s18+$0x3750];
	v4 =	vadd.f32 v4, v8  }
0xb1: {  	v8 =	vld [tilespmem:s18+$0x4550]  }
0xb2: {  	v9 =	vld [tilespmem:s18+$0x3720]  }
0xb3: {  	v10 =	vld [tilespmem:s18+$0x5350]  }
0xb4: {  	v11 =	vld [tilespmem:s18+$0x4520]  }
0xb5: {  	v12 =	vld [tilespmem:s18+$0x6150]  }
0xb6: {  	v13 =	vld [tilespmem:s18+$0x3730]  }
0xb7: {  	v14 =	vld [tilespmem:s18+$0x4530]  }
0xb8: {  	v40 =	vld [tilespmem:s18+$0x7D50]  }
0xb9: {  	v15 =	vld [tilespmem:s18+$0x3740]  }
0xba: {  	v41 =	vld [tilespmem:s18+$0x8B50]  }
0xbb: {  	v16 =	vld [tilespmem:s18+$0x4540];
	v7 =	vadd.f32 v8, v7  }
0xbc: {  	v8 =	vld [tilespmem:s18+$0x6F50]  }
0xbd: {  	v17 =	vld [tilespmem:s18+$0x5320];
	v7 =	vadd.f32 v10, v7  }
0xbe: {  	v42 =	vld [tilespmem:s18+$0xA750]  }
0xbf: {  	v18 =	vld [tilespmem:s18+$0x5330];
	v7 =	vadd.f32 v12, v7  }
0xc0: {  	v43 =	vld [tilespmem:s18+$0x5340]  }
0xc1: {  	v19 =	vld [tilespmem:s18+$0x6120];
	v7 =	vadd.f32 v8, v7  }
0xc2: {  	v8 =	vld [tilespmem:s18+$0x9950]  }
0xc3: {  	v20 =	vld [tilespmem:s18+$0x6140];
	v7 =	vadd.f32 v40, v7  }
0xc4: {  	v44 =	vld [tilespmem:s18+$0x6F20]  }
0xc5: {  	v21 =	vld [tilespmem:s18+$0x6F30];
	v7 =	vadd.f32 v41, v7  }
0xc6: {  	v45 =	vld [tilespmem:s18+$0x7D20]  }
0xc7: {  	v46 =	vld [tilespmem:s18+$0x7D30];
	v7 =	vadd.f32 v8, v7  }
0xc8: {  	v9 =	vadd.f32 v11, v9;
	v8 =	vld [tilespmem:s18+$0x6130]  }
0xc9: {  	v47 =	vld [tilespmem:s18+$0x7D40];
	v13 =	vadd.f32 v14, v13;
	v7 =	vadd.f32 v42, v7  }
0xca: {  	v48 =	vld [tilespmem:s18+$0x8B20];
	v15 =	vadd.f32 v16, v15;
	v9 =	vadd.f32 v17, v9  }
0xcb: {  	v13 =	vadd.f32 v18, v13;
	[tilespmem:s18+$0x1B150] =	vst v7;
	v7 =	vld [tilespmem:s18+$0x6F40]  }
0xcc: {  	v49 =	vld [tilespmem:s18+$0x8B30];
	v12 =	vadd.f32 v43, v15;
	v9 =	vadd.f32 v19, v9  }
0xcd: {  	v50 =	vld [tilespmem:s18+$0x8B40];
	v8 =	vadd.f32 v8, v13  }
0xce: {  	v51 =	vld [tilespmem:s18+$0x9920];
	v12 =	vadd.f32 v20, v12;
	v9 =	vadd.f32 v44, v9  }
0xcf: {  	v3 =	vadd.f32 v3, v6;
	v52 =	vld [tilespmem:s18+$0x9940];
	v6 =	vadd.f32 v21, v8  }
0xd0: {  	v9 =	vadd.f32 v45, v9;
	v8 =	vld [tilespmem:s18+$0x9930];
	v7 =	vadd.f32 v7, v12  }
0xd1: {  	v2 =	vadd.f32 v2, v5;
	v5 =	vadd.f32 v46, v6;
	v6 =	vld [tilespmem:s18+$0xA720]  }
0xd2: {  	v53 =	vld [tilespmem:s18+$0xA730];
	v9 =	vadd.f32 v48, v9;
	v7 =	vadd.f32 v47, v7  }
0xd3: {  	v1 =	vadd.f32 v1, v4;
	v4 =	vadd.f32 v49, v5;
	v5 =	vld [tilespmem:s18+$0xA740]  }
0xd4: {  	v9 =	vadd.f32 v51, v9;
	v7 =	vadd.f32 v50, v7  }
0xd5: {  	s14 =	smul.u32 $0xA8, s13;
	[tilespmem:s17+$0x1B120] =	vst v2;
	v0 =	vadd.f32 v0, v3;
	v2 =	vadd.f32 v8, v4  }
0xd6: {  	[tilespmem:s17+$0x1B130] =	vst v1;
	v3 =	vadd.f32 v6, v9;
	v1 =	vadd.f32 v52, v7  }
0xd7: {  	[tilespmem:s17+$0x1B140] =	vst v0;
	s17 =	sadd.s32 s2, s14;
	v0 =	vadd.f32 v53, v2  }
0xd8: {  	s17 =	sshll.u32 s17, $0x3;
	[tilespmem:s18+$0x1B120] =	vst v3;
	v1 =	vadd.f32 v5, v1  }
0xd9: {  	s17 =	sand.u32 $0x1FFFFFC0, s17;
	[tilespmem:s18+$0x1B130] =	vst v0  }
0xda: {  	s17 =	sadd.s32 s3, s17;
	[tilespmem:s18+$0x1B140] =	vst v1  }
0xdb: {  	[hbm4b:s17+s4] =	stream.linear.scatter [tilespmem:s26], [sflag:$0x5], $0xE00, $0x38;
	[tilespmem:$0x1DB20] =	vst v63  }
0xdc: {  	s18 =	sadd.s32 $0xA8, s14  }
0xdd: {  	[tilespmem:s6], [sflag:$0x2] =	stream.indirect.gather [hbm4b:s5+s29], $0x40, s18, s29, $0xb8;
	[tilespmem:$0x1DB20] =	vst v63  }
0xde: {  	s18 =	sadd.s32 $0x6C8, s14  }
0xdf: {  	[tilespmem:s1], [sflag:$0x2] =	stream.indirect.gather [hbm4b:s5+s29], $0x40, s18, s29, $0xb8;
	[tilespmem:$0x1DB20] =	vst v63  }
0xe0: {  	s18 =	sadd.s32 $0xCE8, s14  }
0xe1: {  	[tilespmem:s24], [sflag:$0x2] =	stream.indirect.gather [hbm4b:s5+s29], $0x40, s18, s29, $0xb8;
	[tilespmem:$0x1DB20] =	vst v63  }
0xe2: {  	s18 =	sadd.s32 $0x1308, s14  }
0xe3: {  	[tilespmem:s0], [sflag:$0x2] =	stream.indirect.gather [hbm4b:s5+s29], $0x40, s18, s29, $0xb8;
	[tilespmem:$0x1DB20] =	vst v63  }
0xe4: {  	s18 =	sadd.s32 $0x1928, s14  }
0xe5: {  	[tilespmem:s19], [sflag:$0x2] =	stream.indirect.gather [hbm4b:s5+s29], $0x40, s18, s29, $0xb8;
	[tilespmem:$0x1DB20] =	vst v63  }
0xe6: {  	s18 =	sadd.s32 $0x1F48, s14  }
0xe7: {  	[tilespmem:s20], [sflag:$0x2] =	stream.indirect.gather [hbm4b:s5+s29], $0x40, s18, s29, $0xb8;
	[tilespmem:$0x1DB20] =	vst v63  }
0xe8: {  	s18 =	sadd.s32 $0x2568, s14  }
0xe9: {  	[tilespmem:s21], [sflag:$0x2] =	stream.indirect.gather [hbm4b:s5+s29], $0x40, s18, s29, $0xb8;
	[tilespmem:$0x1DB20] =	vst v63  }
0xea: {  	s18 =	sadd.s32 $0x2B88, s14  }
0xeb: {  	[tilespmem:s22], [sflag:$0x2] =	stream.indirect.gather [hbm4b:s5+s29], $0x40, s18, s29, $0xb8;
	[tilespmem:$0x1DB20] =	vst v63  }
0xec: {  	s18 =	sadd.s32 $0x31A8, s14  }
0xed: {  	[tilespmem:s23], [sflag:$0x2] =	stream.indirect.gather [hbm4b:s5+s29], $0x40, s18, s29, $0xb8;
	[tilespmem:$0x1DB20] =	vst v63  }
0xee: {  	_ =	swait.ge [sflag:s8], $0x7E00  }
0xef: {  	[sflag:s8] =	ssyncset.done $0x0  }
0xf0: {  	s17 =	simm.s32 @!p0 $0x6;
	[sflag:s8] =	ssyncadd.s32 $0xFFFF8200  }
0xf1: {  	_ =	swait.ge @!p0 [sflag:s17], $0xE00  }
0xf2: {  	[sflag:s17] =	ssyncset.done @!p0 $0x0  }
0xf3: {  	[sflag:s17] =	ssyncadd.s32 @!p0 $0xFFFFF200;
	s17 =	simm.s32 $0x0  }
0xf4: {  	v0 =	vld [tilespmem:s17+$0xB550]  }
0xf5: {  	v1 =	vld [tilespmem:s17+$0xC350]  }
0xf6: {  	v2 =	vld [tilespmem:s17+$0xB520]  }
0xf7: {  	v3 =	vld [tilespmem:s17+$0xD150]  }
0xf8: {  	v4 =	vld [tilespmem:s17+$0xC320]  }
0xf9: {  	v5 =	vld [tilespmem:s17+$0xDF50]  }
0xfa: {  	v6 =	vld [tilespmem:s17+$0xB530]  }
0xfb: {  	v7 =	vld [tilespmem:s17+$0xC330]  }
0xfc: {  	v8 =	vld [tilespmem:s17+$0xB540]  }
0xfd: {  	v54 =	vld [tilespmem:s17+$0xC340]  }
0xfe: {  	v55 =	vld [tilespmem:s17+$0xD120];
	v0 =	vadd.f32 v1, v0  }
0xff: {  	v1 =	vld [tilespmem:s17+$0xED50]  }
0x100: {  	v56 =	vld [tilespmem:s17+$0xD130];
	v0 =	vadd.f32 v3, v0  }
0x101: {  	v3 =	vld [tilespmem:s17+$0xFB50]  }
0x102: {  	v57 =	vld [tilespmem:s17+$0xDF20];
	v0 =	vadd.f32 v5, v0  }
0x103: {  	v5 =	vld [tilespmem:s17+$0x10950]  }
0x104: {  	v58 =	vld [tilespmem:s17+$0xDF40];
	v0 =	vadd.f32 v1, v0  }
0x105: {  	v1 =	vld [tilespmem:s17+$0x11750]  }
0x106: {  	v59 =	vld [tilespmem:s17+$0xED30];
	v0 =	vadd.f32 v3, v0  }
0x107: {  	v3 =	vld [tilespmem:s17+$0x12550]  }
0x108: {  	v60 =	vld [tilespmem:s17+$0xFB40];
	v0 =	vadd.f32 v5, v0  }
0x109: {  	v61 =	vld [tilespmem:s17+$0x10940]  }
0x10a: {  	v5 =	vld [tilespmem:s17+$0xD140];
	v0 =	vadd.f32 v1, v0  }
0x10b: {  	v2 =	vadd.f32 v4, v2;
	v1 =	vld [tilespmem:s17+$0xDF30]  }
0x10c: {  	v4 =	vadd.f32 v7, v6;
	v6 =	vld [tilespmem:s17+$0xFB20];
	v0 =	vadd.f32 v3, v0  }
0x10d: {  	v7 =	vadd.f32 v54, v8;
	v3 =	vld [tilespmem:s17+$0xED20]  }
0x10e: {  	v2 =	vadd.f32 v55, v2;
	v4 =	vadd.f32 v56, v4;
	[tilespmem:s17+$0x1BF50] =	vst v0;
	v0 =	vld [tilespmem:s17+$0xED40]  }
0x10f: {  	v8 =	vld [tilespmem:s17+$0xFB30];
	v5 =	vadd.f32 v5, v7  }
0x110: {  	v2 =	vadd.f32 v57, v2;
	v7 =	vld [tilespmem:s17+$0x10920];
	v1 =	vadd.f32 v1, v4  }
0x111: {  	v4 =	vld [tilespmem:s17+$0x10930];
	v5 =	vadd.f32 v58, v5  }
0x112: {  	v62 =	vld [tilespmem:s17+$0x11720];
	v2 =	vadd.f32 v3, v2;
	v1 =	vadd.f32 v59, v1  }
0x113: {  	v63 =	vld [tilespmem:s17+$0x11730];
	v0 =	vadd.f32 v0, v5  }
0x114: {  	v3 =	vld [tilespmem:s17+$0x11740];
	v5 =	vadd.f32 v6, v2;
	v1 =	vadd.f32 v8, v1  }
0x115: {  	v2 =	vld [tilespmem:s17+$0x12520];
	v0 =	vadd.f32 v60, v0  }
0x116: {  	v5 =	vadd.f32 v7, v5;
	v4 =	vadd.f32 v4, v1;
	v1 =	vld [tilespmem:s17+$0x12530]  }
0x117: {  	s18 =	simm.s32 $0x40;
	v6 =	vadd.f32 v61, v0;
	v0 =	vld [tilespmem:s17+$0x12540]  }
0x118: {  	s28 =	simm.s32 $0x200;
	v7 =	vld [tilespmem:s18+$0xB550];
	v5 =	vadd.f32 v62, v5;
	v4 =	vadd.f32 v63, v4  }
.LBB2_5:
0x119: {  	p1 =	sne.s32 s28, $0x3700;
	v8 =	vld [tilespmem:s18+$0xC350];
	v3 =	vadd.f32 v3, v6  }
0x11a: {  	v6 =	vld [tilespmem:s18+$0xB520];
	v2 =	vadd.f32 v2, v5  }
0x11b: {  	v5 =	vld [tilespmem:s18+$0xD150];
	v1 =	vadd.f32 v1, v4  }
0x11c: {  	v4 =	vld [tilespmem:s18+$0xC320];
	[tilespmem:s17+$0x1BF20] =	vst v2;
	v0 =	vadd.f32 v0, v3  }
0x11d: {  	v2 =	vld [tilespmem:s18+$0xDF50];
	[tilespmem:s17+$0x1BF30] =	vst v1  }
0x11e: {  	v1 =	vld [tilespmem:s18+$0xB530];
	v3 =	vadd.f32 v8, v7;
	[tilespmem:s17+$0x1BF40] =	vst v0;
	s17 =	smov.u32 s18  }
0x11f: {  	v0 =	vld [tilespmem:s17+$0xED50]  }
0x120: {  	v7 =	vld [tilespmem:s17+$0xC330];
	v3 =	vadd.f32 v5, v3  }
0x121: {  	v4 =	vadd.f32 v4, v6;
	v5 =	vld [tilespmem:s17+$0xFB50]  }
0x122: {  	v6 =	vld [tilespmem:s17+$0xB540];
	v2 =	vadd.f32 v2, v3  }
0x123: {  	v3 =	vld [tilespmem:s17+$0x10950]  }
0x124: {  	v8 =	vld [tilespmem:s17+$0xC340];
	v0 =	vadd.f32 v0, v2  }
0x125: {  	v1 =	vadd.f32 v7, v1;
	v2 =	vld [tilespmem:s17+$0x11750]  }
0x126: {  	v7 =	vld [tilespmem:s17+$0xD120];
	v0 =	vadd.f32 v5, v0  }
0x127: {  	v5 =	vld [tilespmem:s17+$0x12550]  }
0x128: {  	v9 =	vld [tilespmem:s17+$0xD130];
	v0 =	vadd.f32 v3, v0  }
0x129: {  	v3 =	vadd.f32 v8, v6;
	v6 =	vld [tilespmem:s17+$0xD140]  }
0x12a: {  	v8 =	vld [tilespmem:s17+$0xDF20];
	v0 =	vadd.f32 v2, v0  }
0x12b: {  	v2 =	vadd.f32 v7, v4;
	v4 =	vld [tilespmem:s17+$0xDF30]  }
0x12c: {  	v7 =	vld [tilespmem:s17+$0xDF40];
	v0 =	vadd.f32 v5, v0  }
0x12d: {  	v5 =	vld [tilespmem:s17+$0xED20];
	v1 =	vadd.f32 v9, v1  }
0x12e: {  	v9 =	vld [tilespmem:s17+$0xED30];
	v3 =	vadd.f32 v6, v3;
	[tilespmem:s17+$0x1BF50] =	vst v0  }
0x12f: {  	v0 =	vadd.f32 v8, v2;
	v2 =	vld [tilespmem:s17+$0xED40]  }
0x130: {  	v6 =	vld [tilespmem:s17+$0xFB20];
	v1 =	vadd.f32 v4, v1  }
0x131: {  	v4 =	vld [tilespmem:s17+$0xFB30];
	v3 =	vadd.f32 v7, v3  }
0x132: {  	v0 =	vadd.f32 v5, v0;
	v5 =	vld [tilespmem:s17+$0xFB40]  }
0x133: {  	v7 =	vld [tilespmem:s17+$0x10920];
	v1 =	vadd.f32 v9, v1  }
0x134: {  	v8 =	vld [tilespmem:s17+$0x10930];
	v2 =	vadd.f32 v2, v3  }
0x135: {  	v0 =	vadd.f32 v6, v0;
	v6 =	vld [tilespmem:s17+$0x10940]  }
0x136: {  	v9 =	vld [tilespmem:s17+$0x11720];
	v1 =	vadd.f32 v4, v1  }
0x137: {  	v4 =	vld [tilespmem:s17+$0x11730];
	v5 =	vadd.f32 v5, v2  }
.Ltmp1:
0x138: {  	v0 =	vadd.f32 v7, v0;
	v3 =	vld [tilespmem:s17+$0x11740];
	(pc) =	sbr.rel @p1 .LBB2_5-.Ltmp1, $4  }
0x139: {  	v2 =	vld [tilespmem:s17+$0x12520];
	v8 =	vadd.f32 v8, v1  }
0x13a: {  	v1 =	vld [tilespmem:s17+$0x12530];
	v6 =	vadd.f32 v6, v5  }
0x13b: {  	s18 =	sshra.s32 s28, $0x2;
	v5 =	vadd.f32 v9, v0;
	v0 =	vld [tilespmem:s17+$0x12540]  }
0x13c: {  	s28 =	sadd.s32 $0x100, s28;
	v7 =	vld [tilespmem:s18+$0xB550];
	v4 =	vadd.f32 v4, v8  }
0x13d: {  	v8 =	vld [tilespmem:s18+$0xC350]  }
0x13e: {  	v9 =	vld [tilespmem:s18+$0xB520]  }
0x13f: {  	v10 =	vld [tilespmem:s18+$0xD150]  }
0x140: {  	v11 =	vld [tilespmem:s18+$0xC320]  }
0x141: {  	v12 =	vld [tilespmem:s18+$0xDF50]  }
0x142: {  	v13 =	vld [tilespmem:s18+$0xB530]  }
0x143: {  	v36 =	vld [tilespmem:s18+$0xED50]  }
0x144: {  	v14 =	vld [tilespmem:s18+$0xC330]  }
0x145: {  	v37 =	vld [tilespmem:s18+$0xFB50]  }
0x146: {  	v15 =	vld [tilespmem:s18+$0xB540]  }
0x147: {  	v38 =	vld [tilespmem:s18+$0x10950]  }
0x148: {  	v16 =	vld [tilespmem:s18+$0xC340]  }
0x149: {  	v39 =	vld [tilespmem:s18+$0x11750]  }
0x14a: {  	v17 =	vld [tilespmem:s18+$0xD120]  }
0x14b: {  	v40 =	vld [tilespmem:s18+$0x12550]  }
0x14c: {  	v18 =	vld [tilespmem:s18+$0xD130];
	v7 =	vadd.f32 v8, v7  }
0x14d: {  	v41 =	vld [tilespmem:s18+$0xD140]  }
0x14e: {  	v19 =	vld [tilespmem:s18+$0xDF20];
	v7 =	vadd.f32 v10, v7  }
0x14f: {  	v42 =	vld [tilespmem:s18+$0xDF30]  }
0x150: {  	v20 =	vld [tilespmem:s18+$0xDF40];
	v7 =	vadd.f32 v12, v7  }
0x151: {  	v43 =	vld [tilespmem:s18+$0xED20]  }
0x152: {  	v21 =	vld [tilespmem:s18+$0xED30];
	v7 =	vadd.f32 v36, v7  }
0x153: {  	v44 =	vld [tilespmem:s18+$0xED40]  }
0x154: {  	v45 =	vld [tilespmem:s18+$0xFB20];
	v9 =	vadd.f32 v11, v9;
	v7 =	vadd.f32 v37, v7  }
0x155: {  	v46 =	vld [tilespmem:s18+$0xFB30];
	v13 =	vadd.f32 v14, v13;
	v15 =	vadd.f32 v16, v15  }
0x156: {  	v47 =	vld [tilespmem:s18+$0xFB40];
	v9 =	vadd.f32 v17, v9;
	v7 =	vadd.f32 v38, v7  }
0x157: {  	v48 =	vld [tilespmem:s18+$0x10920];
	v13 =	vadd.f32 v18, v13;
	v12 =	vadd.f32 v41, v15  }
0x158: {  	v49 =	vld [tilespmem:s18+$0x10930];
	v9 =	vadd.f32 v19, v9;
	v7 =	vadd.f32 v39, v7  }
0x159: {  	v50 =	vld [tilespmem:s18+$0x10940];
	v8 =	vadd.f32 v42, v13;
	v12 =	vadd.f32 v20, v12  }
0x15a: {  	v51 =	vld [tilespmem:s18+$0x11720];
	v9 =	vadd.f32 v43, v9;
	v7 =	vadd.f32 v40, v7  }
0x15b: {  	v3 =	vadd.f32 v3, v6;
	v53 =	vld [tilespmem:s18+$0x11730];
	v52 =	vadd.f32 v21, v8  }
0x15c: {  	v54 =	vld [tilespmem:s18+$0x11740];
	v9 =	vadd.f32 v45, v9;
	[tilespmem:s18+$0x1BF50] =	vst v7;
	v7 =	vadd.f32 v44, v12  }
0x15d: {  	v56 =	vld [tilespmem:s18+$0x12520];
	v2 =	vadd.f32 v2, v5;
	v55 =	vadd.f32 v46, v52  }
0x15e: {  	v57 =	vld [tilespmem:s18+$0x12530];
	v9 =	vadd.f32 v48, v9;
	v7 =	vadd.f32 v47, v7  }
0x15f: {  	v59 =	vld [tilespmem:s18+$0x12540];
	v1 =	vadd.f32 v1, v4;
	v58 =	vadd.f32 v49, v55  }
0x160: {  	v9 =	vadd.f32 v51, v9;
	v7 =	vadd.f32 v50, v7  }
0x161: {  	[tilespmem:s17+$0x1BF20] =	vst v2;
	v0 =	vadd.f32 v0, v3;
	v60 =	vadd.f32 v53, v58  }
0x162: {  	p1 =	sne.s32 s13, $0x8;
	[tilespmem:s17+$0x1BF30] =	vst v1;
	v62 =	vadd.f32 v56, v9;
	v61 =	vadd.f32 v54, v7  }
.Ltmp2:
0x163: {  	[tilespmem:s17+$0x1BF40] =	vst v0;
	v63 =	vadd.f32 v57, v60;
	(pc) =	sbr.rel @p1 .LBB2_8-.Ltmp2, $4  }
0x164: {  	s28 =	sadd.s32 s14, s15;
	[tilespmem:s18+$0x1BF20] =	vst v62;
	v1 =	vadd.f32 v59, v61  }
0x165: {  	s17 =	sshll.u32 s28, $0x3;
	[tilespmem:s18+$0x1BF30] =	vst v63  }
0x166: {  	s17 =	sadd.s32 s3, s17;
	[tilespmem:s18+$0x1BF40] =	vst v1  }
0x167: {  	[hbm4b:s17+s4] =	stream.linear.scatter [tilespmem:s9], [sflag:$0x6], $0xE00, $0x38;
	[tilespmem:$0x1DB20] =	vst v63  }
.Ltmp3:
0x168: {  	(pc) =	sbr.rel .LBB2_9-.Ltmp3, $4  }
0x169: {  	_ = 	snop  }
0x16a: {  	_ =	swait.ge [sflag:s10], $0x7E00  }
0x16b: {  	[sflag:s10] =	ssyncset.done $0x0  }
0x16c: {  	[sflag:s10] =	ssyncadd.s32 $0xFFFF8200  }
.LBB2_8:
0x16d: {  	s17 =	sadd.s32 $0xE0, s14  }
0x16e: {  	[tilespmem:s30], [sflag:$0x3] =	stream.indirect.gather [hbm4b:s5+s29], $0x40, s17, s29, $0xb8;
	[tilespmem:$0x1DB20] =	vst v63  }
0x16f: {  	s18 =	sadd.s32 $0x700, s14  }
0x170: {  	[tilespmem:s31], [sflag:$0x3] =	stream.indirect.gather [hbm4b:s5+s29], $0x40, s18, s29, $0xb8;
	[tilespmem:$0x1DB20] =	vst v63  }
0x171: {  	s28 =	sadd.s32 $0xD20, s14;
	s18 =	simm.s32 $0xD120  }
0x172: {  	[tilespmem:s18], [sflag:$0x3] =	stream.indirect.gather [hbm4b:s5+s29], $0x40, s28, s29, $0xb8;
	[tilespmem:$0x1DB20] =	vst v63  }
0x173: {  	s18 =	sadd.s32 $0x1340, s14;
	s28 =	simm.s32 $0xDF20  }
0x174: {  	[tilespmem:s28], [sflag:$0x3] =	stream.indirect.gather [hbm4b:s5+s29], $0x40, s18, s29, $0xb8;
	[tilespmem:$0x1DB20] =	vst v63  }
0x175: {  	s18 =	sadd.s32 $0x1960, s14;
	s28 =	simm.s32 $0xED20  }
0x176: {  	[tilespmem:s28], [sflag:$0x3] =	stream.indirect.gather [hbm4b:s5+s29], $0x40, s18, s29, $0xb8;
	[tilespmem:$0x1DB20] =	vst v63  }
0x177: {  	s18 =	sadd.s32 $0x1F80, s14;
	s28 =	simm.s32 $0xFB20  }
0x178: {  	[tilespmem:s28], [sflag:$0x3] =	stream.indirect.gather [hbm4b:s5+s29], $0x40, s18, s29, $0xb8;
	[tilespmem:$0x1DB20] =	vst v63  }
0x179: {  	s18 =	sadd.s32 $0x25A0, s14;
	s28 =	simm.s32 $0x10920  }
0x17a: {  	[tilespmem:s28], [sflag:$0x3] =	stream.indirect.gather [hbm4b:s5+s29], $0x40, s18, s29, $0xb8;
	[tilespmem:$0x1DB20] =	vst v63  }
0x17b: {  	s18 =	sadd.s32 $0x2BC0, s14;
	s28 =	simm.s32 $0x11720  }
0x17c: {  	[tilespmem:s28], [sflag:$0x3] =	stream.indirect.gather [hbm4b:s5+s29], $0x40, s18, s29, $0xb8;
	[tilespmem:$0x1DB20] =	vst v63  }
.Ltmp4:
0x17d: {  	s18 =	sadd.s32 $0x31E0, s14;
	s28 =	simm.s32 $0x12520;
	(pc) =	sbr.rel @p0 .LBB2_10-.Ltmp4, $4  }
0x17e: {  	[tilespmem:s28], [sflag:$0x3] =	stream.indirect.gather [hbm4b:s5+s29], $0x40, s18, s29, $0xb8;
	[tilespmem:$0x1DB20] =	vst v63  }
0x17f: {  	_ =	swait.ge [sflag:s10], $0x7E00  }
0x180: {  	[sflag:s10] =	ssyncset.done $0x0  }
0x181: {  	[sflag:s10] =	ssyncadd.s32 $0xFFFF8200  }
.LBB2_9:
0x182: {  	_ =	swait.ge [sflag:s11], $0xE00  }
0x183: {  	[sflag:s11] =	ssyncset.done $0x0  }
0x184: {  	[sflag:s11] =	ssyncadd.s32 $0xFFFFF200  }
.LBB2_10:
0x185: {  	s17 =	simm.s32 $0x0  }
0x186: {  	v0 =	vld [tilespmem:s17+$0x13350]  }
0x187: {  	v1 =	vld [tilespmem:s17+$0x14150]  }
0x188: {  	v2 =	vld [tilespmem:s17+$0x13320]  }
0x189: {  	v3 =	vld [tilespmem:s17+$0x14F50]  }
0x18a: {  	v4 =	vld [tilespmem:s17+$0x14120]  }
0x18b: {  	v5 =	vld [tilespmem:s17+$0x15D50]  }
0x18c: {  	v6 =	vld [tilespmem:s17+$0x13330]  }
0x18d: {  	v7 =	vld [tilespmem:s17+$0x14130]  }
0x18e: {  	v8 =	vld [tilespmem:s17+$0x13340]  }
0x18f: {  	v9 =	vld [tilespmem:s17+$0x14140]  }
0x190: {  	v10 =	vld [tilespmem:s17+$0x14F20];
	v0 =	vadd.f32 v1, v0  }
0x191: {  	v1 =	vld [tilespmem:s17+$0x16B50]  }
0x192: {  	v11 =	vld [tilespmem:s17+$0x14F30];
	v0 =	vadd.f32 v3, v0  }
0x193: {  	v3 =	vld [tilespmem:s17+$0x17950]  }
0x194: {  	v12 =	vld [tilespmem:s17+$0x15D20];
	v0 =	vadd.f32 v5, v0  }
0x195: {  	v5 =	vld [tilespmem:s17+$0x18750]  }
0x196: {  	v13 =	vld [tilespmem:s17+$0x15D40];
	v0 =	vadd.f32 v1, v0  }
0x197: {  	v1 =	vld [tilespmem:s17+$0x19550]  }
0x198: {  	v14 =	vld [tilespmem:s17+$0x16B30];
	v0 =	vadd.f32 v3, v0  }
0x199: {  	v3 =	vld [tilespmem:s17+$0x1A350]  }
0x19a: {  	v60 =	vld [tilespmem:s17+$0x17940];
	v0 =	vadd.f32 v5, v0  }
0x19b: {  	v61 =	vld [tilespmem:s17+$0x18740]  }
0x19c: {  	v5 =	vld [tilespmem:s17+$0x14F40];
	v0 =	vadd.f32 v1, v0  }
0x19d: {  	v2 =	vadd.f32 v4, v2;
	v1 =	vld [tilespmem:s17+$0x15D30]  }
0x19e: {  	v4 =	vadd.f32 v7, v6;
	v6 =	vld [tilespmem:s17+$0x17920];
	v0 =	vadd.f32 v3, v0  }
0x19f: {  	v7 =	vadd.f32 v9, v8;
	v3 =	vld [tilespmem:s17+$0x16B20]  }
0x1a0: {  	v2 =	vadd.f32 v10, v2;
	v4 =	vadd.f32 v11, v4;
	[tilespmem:s17+$0x1CD50] =	vst v0;
	v0 =	vld [tilespmem:s17+$0x16B40]  }
0x1a1: {  	v8 =	vld [tilespmem:s17+$0x17930];
	v5 =	vadd.f32 v5, v7  }
0x1a2: {  	v2 =	vadd.f32 v12, v2;
	v7 =	vld [tilespmem:s17+$0x18720];
	v1 =	vadd.f32 v1, v4  }
0x1a3: {  	v4 =	vld [tilespmem:s17+$0x18730];
	v5 =	vadd.f32 v13, v5  }
0x1a4: {  	v62 =	vld [tilespmem:s17+$0x19520];
	v2 =	vadd.f32 v3, v2;
	v1 =	vadd.f32 v14, v1  }
0x1a5: {  	v63 =	vld [tilespmem:s17+$0x19530];
	v0 =	vadd.f32 v0, v5  }
0x1a6: {  	v3 =	vld [tilespmem:s17+$0x19540];
	v5 =	vadd.f32 v6, v2;
	v1 =	vadd.f32 v8, v1  }
0x1a7: {  	v2 =	vld [tilespmem:s17+$0x1A320];
	v0 =	vadd.f32 v60, v0  }
0x1a8: {  	v5 =	vadd.f32 v7, v5;
	v4 =	vadd.f32 v4, v1;
	v1 =	vld [tilespmem:s17+$0x1A330]  }
0x1a9: {  	s18 =	simm.s32 $0x40;
	v6 =	vadd.f32 v61, v0;
	v0 =	vld [tilespmem:s17+$0x1A340]  }
0x1aa: {  	s28 =	simm.s32 $0x200;
	v7 =	vld [tilespmem:s18+$0x13350];
	v5 =	vadd.f32 v62, v5;
	v4 =	vadd.f32 v63, v4  }
.LBB2_11:
0x1ab: {  	p0 =	sne.s32 s28, $0x3700;
	v8 =	vld [tilespmem:s18+$0x14150];
	v3 =	vadd.f32 v3, v6  }
0x1ac: {  	v6 =	vld [tilespmem:s18+$0x13320];
	v2 =	vadd.f32 v2, v5  }
0x1ad: {  	v5 =	vld [tilespmem:s18+$0x14F50];
	v1 =	vadd.f32 v1, v4  }
0x1ae: {  	v4 =	vld [tilespmem:s18+$0x14120];
	[tilespmem:s17+$0x1CD20] =	vst v2;
	v0 =	vadd.f32 v0, v3  }
0x1af: {  	v2 =	vld [tilespmem:s18+$0x15D50];
	[tilespmem:s17+$0x1CD30] =	vst v1  }
0x1b0: {  	v1 =	vld [tilespmem:s18+$0x13330];
	v3 =	vadd.f32 v8, v7;
	[tilespmem:s17+$0x1CD40] =	vst v0;
	s17 =	smov.u32 s18  }
0x1b1: {  	v0 =	vld [tilespmem:s17+$0x16B50]  }
0x1b2: {  	v7 =	vld [tilespmem:s17+$0x14130];
	v3 =	vadd.f32 v5, v3  }
0x1b3: {  	v4 =	vadd.f32 v4, v6;
	v5 =	vld [tilespmem:s17+$0x17950]  }
0x1b4: {  	v6 =	vld [tilespmem:s17+$0x13340];
	v2 =	vadd.f32 v2, v3  }
0x1b5: {  	v3 =	vld [tilespmem:s17+$0x18750]  }
0x1b6: {  	v8 =	vld [tilespmem:s17+$0x14140];
	v0 =	vadd.f32 v0, v2  }
0x1b7: {  	v1 =	vadd.f32 v7, v1;
	v2 =	vld [tilespmem:s17+$0x19550]  }
0x1b8: {  	v7 =	vld [tilespmem:s17+$0x14F20];
	v0 =	vadd.f32 v5, v0  }
0x1b9: {  	v5 =	vld [tilespmem:s17+$0x1A350]  }
0x1ba: {  	v9 =	vld [tilespmem:s17+$0x14F30];
	v0 =	vadd.f32 v3, v0  }
0x1bb: {  	v3 =	vadd.f32 v8, v6;
	v6 =	vld [tilespmem:s17+$0x14F40]  }
0x1bc: {  	v8 =	vld [tilespmem:s17+$0x15D20];
	v0 =	vadd.f32 v2, v0  }
0x1bd: {  	v2 =	vadd.f32 v7, v4;
	v4 =	vld [tilespmem:s17+$0x15D30]  }
0x1be: {  	v7 =	vld [tilespmem:s17+$0x15D40];
	v0 =	vadd.f32 v5, v0  }
0x1bf: {  	v5 =	vld [tilespmem:s17+$0x16B20];
	v1 =	vadd.f32 v9, v1  }
0x1c0: {  	v9 =	vld [tilespmem:s17+$0x16B30];
	v3 =	vadd.f32 v6, v3;
	[tilespmem:s17+$0x1CD50] =	vst v0  }
0x1c1: {  	v0 =	vadd.f32 v8, v2;
	v2 =	vld [tilespmem:s17+$0x16B40]  }
0x1c2: {  	v6 =	vld [tilespmem:s17+$0x17920];
	v1 =	vadd.f32 v4, v1  }
0x1c3: {  	v4 =	vld [tilespmem:s17+$0x17930];
	v3 =	vadd.f32 v7, v3  }
0x1c4: {  	v0 =	vadd.f32 v5, v0;
	v5 =	vld [tilespmem:s17+$0x17940]  }
0x1c5: {  	v7 =	vld [tilespmem:s17+$0x18720];
	v1 =	vadd.f32 v9, v1  }
0x1c6: {  	v8 =	vld [tilespmem:s17+$0x18730];
	v2 =	vadd.f32 v2, v3  }
0x1c7: {  	v0 =	vadd.f32 v6, v0;
	v6 =	vld [tilespmem:s17+$0x18740]  }
0x1c8: {  	v9 =	vld [tilespmem:s17+$0x19520];
	v1 =	vadd.f32 v4, v1  }
0x1c9: {  	v4 =	vld [tilespmem:s17+$0x19530];
	v5 =	vadd.f32 v5, v2  }
.Ltmp5:
0x1ca: {  	v0 =	vadd.f32 v7, v0;
	v3 =	vld [tilespmem:s17+$0x19540];
	(pc) =	sbr.rel @p0 .LBB2_11-.Ltmp5, $4  }
0x1cb: {  	v2 =	vld [tilespmem:s17+$0x1A320];
	v8 =	vadd.f32 v8, v1  }
0x1cc: {  	v1 =	vld [tilespmem:s17+$0x1A330];
	v6 =	vadd.f32 v6, v5  }
0x1cd: {  	s18 =	sshra.s32 s28, $0x2;
	v5 =	vadd.f32 v9, v0;
	v0 =	vld [tilespmem:s17+$0x1A340]  }
0x1ce: {  	s28 =	sadd.s32 $0x100, s28;
	v7 =	vld [tilespmem:s18+$0x13350];
	v4 =	vadd.f32 v4, v8  }
0x1cf: {  	v8 =	vld [tilespmem:s18+$0x14150]  }
0x1d0: {  	v9 =	vld [tilespmem:s18+$0x13320]  }
0x1d1: {  	v10 =	vld [tilespmem:s18+$0x14F50]  }
0x1d2: {  	v11 =	vld [tilespmem:s18+$0x14120]  }
0x1d3: {  	v12 =	vld [tilespmem:s18+$0x15D50]  }
0x1d4: {  	v13 =	vld [tilespmem:s18+$0x13330]  }
0x1d5: {  	v36 =	vld [tilespmem:s18+$0x16B50]  }
0x1d6: {  	v14 =	vld [tilespmem:s18+$0x14130]  }
0x1d7: {  	v37 =	vld [tilespmem:s18+$0x17950]  }
0x1d8: {  	v15 =	vld [tilespmem:s18+$0x13340]  }
0x1d9: {  	v38 =	vld [tilespmem:s18+$0x18750]  }
0x1da: {  	v16 =	vld [tilespmem:s18+$0x14140]  }
0x1db: {  	v39 =	vld [tilespmem:s18+$0x19550]  }
0x1dc: {  	v17 =	vld [tilespmem:s18+$0x14F20]  }
0x1dd: {  	v40 =	vld [tilespmem:s18+$0x1A350]  }
0x1de: {  	v18 =	vld [tilespmem:s18+$0x14F30];
	v7 =	vadd.f32 v8, v7  }
0x1df: {  	v41 =	vld [tilespmem:s18+$0x14F40]  }
0x1e0: {  	v19 =	vld [tilespmem:s18+$0x15D20];
	v7 =	vadd.f32 v10, v7  }
0x1e1: {  	v42 =	vld [tilespmem:s18+$0x15D30]  }
0x1e2: {  	v20 =	vld [tilespmem:s18+$0x15D40];
	v7 =	vadd.f32 v12, v7  }
0x1e3: {  	v43 =	vld [tilespmem:s18+$0x16B20]  }
0x1e4: {  	v21 =	vld [tilespmem:s18+$0x16B30];
	v7 =	vadd.f32 v36, v7  }
0x1e5: {  	v44 =	vld [tilespmem:s18+$0x16B40]  }
0x1e6: {  	v45 =	vld [tilespmem:s18+$0x17920];
	v9 =	vadd.f32 v11, v9;
	v7 =	vadd.f32 v37, v7  }
0x1e7: {  	v46 =	vld [tilespmem:s18+$0x17930];
	v13 =	vadd.f32 v14, v13;
	v15 =	vadd.f32 v16, v15  }
0x1e8: {  	v47 =	vld [tilespmem:s18+$0x17940];
	v9 =	vadd.f32 v17, v9;
	v7 =	vadd.f32 v38, v7  }
0x1e9: {  	v48 =	vld [tilespmem:s18+$0x18720];
	v13 =	vadd.f32 v18, v13;
	v12 =	vadd.f32 v41, v15  }
0x1ea: {  	v49 =	vld [tilespmem:s18+$0x18730];
	v9 =	vadd.f32 v19, v9;
	v7 =	vadd.f32 v39, v7  }
0x1eb: {  	v50 =	vld [tilespmem:s18+$0x18740];
	v8 =	vadd.f32 v42, v13;
	v12 =	vadd.f32 v20, v12  }
0x1ec: {  	v51 =	vld [tilespmem:s18+$0x19520];
	v9 =	vadd.f32 v43, v9;
	v7 =	vadd.f32 v40, v7  }
0x1ed: {  	v3 =	vadd.f32 v3, v6;
	v53 =	vld [tilespmem:s18+$0x19530];
	v52 =	vadd.f32 v21, v8  }
0x1ee: {  	v54 =	vld [tilespmem:s18+$0x19540];
	v9 =	vadd.f32 v45, v9;
	[tilespmem:s18+$0x1CD50] =	vst v7;
	v7 =	vadd.f32 v44, v12  }
0x1ef: {  	v56 =	vld [tilespmem:s18+$0x1A320];
	v2 =	vadd.f32 v2, v5;
	v55 =	vadd.f32 v46, v52  }
0x1f0: {  	v57 =	vld [tilespmem:s18+$0x1A330];
	v9 =	vadd.f32 v48, v9;
	v7 =	vadd.f32 v47, v7  }
0x1f1: {  	v59 =	vld [tilespmem:s18+$0x1A340];
	v1 =	vadd.f32 v1, v4;
	v58 =	vadd.f32 v49, v55  }
0x1f2: {  	v9 =	vadd.f32 v51, v9;
	v7 =	vadd.f32 v50, v7  }
0x1f3: {  	[tilespmem:s17+$0x1CD20] =	vst v2;
	v0 =	vadd.f32 v0, v3;
	v60 =	vadd.f32 v53, v58  }
0x1f4: {  	p0 =	seq.s32 s13, $0x8;
	[tilespmem:s17+$0x1CD30] =	vst v1;
	v62 =	vadd.f32 v56, v9;
	v61 =	vadd.f32 v54, v7  }
.Ltmp6:
0x1f5: {  	[tilespmem:s17+$0x1CD40] =	vst v0;
	v63 =	vadd.f32 v57, v60;
	(pc) =	sbr.rel @p0 .LBB2_14-.Ltmp6, $4  }
0x1f6: {  	s28 =	sadd.s32 s14, s16;
	[tilespmem:s18+$0x1CD20] =	vst v62;
	v1 =	vadd.f32 v59, v61  }
0x1f7: {  	s17 =	sshll.u32 s28, $0x3;
	[tilespmem:s18+$0x1CD30] =	vst v63  }
0x1f8: {  	s17 =	sadd.s32 s3, s17;
	[tilespmem:s18+$0x1CD40] =	vst v1  }
0x1f9: {  	[hbm4b:s17+s4] =	stream.linear.scatter [tilespmem:s12], [sflag:$0x7], $0xE00, $0x38;
	[tilespmem:$0x1DB20] =	vst v63  }
0x1fa: {  	s17 =	sadd.s32 $0x118, s14;
	s18 =	simm.s32 $0x13320  }
0x1fb: {  	[tilespmem:s18], [sflag:$0x4] =	stream.indirect.gather [hbm4b:s5+s29], $0x40, s17, s29, $0xb8;
	[tilespmem:$0x1DB20] =	vst v63  }
0x1fc: {  	s28 =	simm.s32 $0x14120;
	s18 =	sadd.s32 $0x738, s14  }
0x1fd: {  	[tilespmem:s28], [sflag:$0x4] =	stream.indirect.gather [hbm4b:s5+s29], $0x40, s18, s29, $0xb8;
	[tilespmem:$0x1DB20] =	vst v63  }
0x1fe: {  	s18 =	sadd.s32 $0xD58, s14;
	s28 =	simm.s32 $0x14F20  }
0x1ff: {  	[tilespmem:s28], [sflag:$0x4] =	stream.indirect.gather [hbm4b:s5+s29], $0x40, s18, s29, $0xb8;
	[tilespmem:$0x1DB20] =	vst v63  }
0x200: {  	s18 =	sadd.s32 $0x1378, s14;
	s28 =	simm.s32 $0x15D20  }
0x201: {  	[tilespmem:s28], [sflag:$0x4] =	stream.indirect.gather [hbm4b:s5+s29], $0x40, s18, s29, $0xb8;
	[tilespmem:$0x1DB20] =	vst v63  }
0x202: {  	s18 =	sadd.s32 $0x1998, s14;
	s28 =	simm.s32 $0x16B20  }
0x203: {  	[tilespmem:s28], [sflag:$0x4] =	stream.indirect.gather [hbm4b:s5+s29], $0x40, s18, s29, $0xb8;
	[tilespmem:$0x1DB20] =	vst v63  }
0x204: {  	s18 =	sadd.s32 $0x1FB8, s14;
	s28 =	simm.s32 $0x17920  }
0x205: {  	[tilespmem:s28], [sflag:$0x4] =	stream.indirect.gather [hbm4b:s5+s29], $0x40, s18, s29, $0xb8;
	[tilespmem:$0x1DB20] =	vst v63  }
0x206: {  	s18 =	sadd.s32 $0x25D8, s14;
	s28 =	simm.s32 $0x18720  }
0x207: {  	[tilespmem:s28], [sflag:$0x4] =	stream.indirect.gather [hbm4b:s5+s29], $0x40, s18, s29, $0xb8;
	[tilespmem:$0x1DB20] =	vst v63  }
.Ltmp7:
0x208: {  	_ = 	snop;
	(pc) =	sbr.rel .LBB2_2-.Ltmp7, $4  }
0x209: {  	s18 =	sadd.s32 $0x2BF8, s14;
	s28 =	simm.s32 $0x19520  }
0x20a: {  	[tilespmem:s28], [sflag:$0x4] =	stream.indirect.gather [hbm4b:s5+s29], $0x40, s18, s29, $0xb8;
	[tilespmem:$0x1DB20] =	vst v63  }
0x20b: {  	s13 =	sadd.s32 $0x1, s13;
	s28 =	sadd.s32 $0x3218, s14  }
0x20c: {  	[tilespmem:s25], [sflag:$0x4] =	stream.indirect.gather [hbm4b:s5+s29], $0x40, s28, s29, $0xb8;
	[tilespmem:$0x1DB20] =	vst v63  }
.LBB2_14:
0x20d: {  	_ =	swait.ge [sflag:s7], $0x7E00  }
0x20e: {  	[sflag:s7] =	ssyncset.done $0x0  }
0x20f: {  	s0 =	simm.s32 $0x5;
	[sflag:s7] =	ssyncadd.s32 $0xFFFF8200  }
0x210: {  	_ =	swait.ge [sflag:s0], $0xE00  }
0x211: {  	[sflag:s0] =	ssyncset.done $0x0  }
0x212: {  	s13 =	simm.s32 $0x0;
	[sflag:s0] =	ssyncadd.s32 $0xFFFFF200  }
0x213: {  	v0 =	vld [tilespmem:s13+$0x3750]  }
0x214: {  	v1 =	vld [tilespmem:s13+$0x4550]  }
0x215: {  	v2 =	vld [tilespmem:s13+$0x3720]  }
0x216: {  	v3 =	vld [tilespmem:s13+$0x5350]  }
0x217: {  	v4 =	vld [tilespmem:s13+$0x4520]  }
0x218: {  	v5 =	vld [tilespmem:s13+$0x6150]  }
0x219: {  	v6 =	vld [tilespmem:s13+$0x3730]  }
0x21a: {  	v7 =	vld [tilespmem:s13+$0x4530]  }
0x21b: {  	v8 =	vld [tilespmem:s13+$0x3740]  }
0x21c: {  	v9 =	vld [tilespmem:s13+$0x4540]  }
0x21d: {  	v10 =	vld [tilespmem:s13+$0x5320];
	v0 =	vadd.f32 v1, v0  }
0x21e: {  	v1 =	vld [tilespmem:s13+$0x6F50]  }
0x21f: {  	v11 =	vld [tilespmem:s13+$0x5330];
	v0 =	vadd.f32 v3, v0  }
0x220: {  	v3 =	vld [tilespmem:s13+$0x7D50]  }
0x221: {  	v12 =	vld [tilespmem:s13+$0x6120];
	v0 =	vadd.f32 v5, v0  }
0x222: {  	v5 =	vld [tilespmem:s13+$0x8B50]  }
0x223: {  	v13 =	vld [tilespmem:s13+$0x6140];
	v0 =	vadd.f32 v1, v0  }
0x224: {  	v1 =	vld [tilespmem:s13+$0x9950]  }
0x225: {  	v14 =	vld [tilespmem:s13+$0x6F30];
	v0 =	vadd.f32 v3, v0  }
0x226: {  	v3 =	vld [tilespmem:s13+$0xA750]  }
0x227: {  	v60 =	vld [tilespmem:s13+$0x7D40];
	v0 =	vadd.f32 v5, v0  }
0x228: {  	v61 =	vld [tilespmem:s13+$0x8B40]  }
0x229: {  	v5 =	vld [tilespmem:s13+$0x5340];
	v0 =	vadd.f32 v1, v0  }
0x22a: {  	v2 =	vadd.f32 v4, v2;
	v1 =	vld [tilespmem:s13+$0x6130]  }
0x22b: {  	v4 =	vadd.f32 v7, v6;
	v6 =	vld [tilespmem:s13+$0x7D20];
	v0 =	vadd.f32 v3, v0  }
0x22c: {  	v7 =	vadd.f32 v9, v8;
	v3 =	vld [tilespmem:s13+$0x6F20]  }
0x22d: {  	v2 =	vadd.f32 v10, v2;
	v4 =	vadd.f32 v11, v4;
	[tilespmem:s13+$0x1B150] =	vst v0;
	v0 =	vld [tilespmem:s13+$0x6F40]  }
0x22e: {  	v8 =	vld [tilespmem:s13+$0x7D30];
	v5 =	vadd.f32 v5, v7  }
0x22f: {  	v2 =	vadd.f32 v12, v2;
	v7 =	vld [tilespmem:s13+$0x8B20];
	v1 =	vadd.f32 v1, v4  }
0x230: {  	v4 =	vld [tilespmem:s13+$0x8B30];
	v5 =	vadd.f32 v13, v5  }
0x231: {  	v62 =	vld [tilespmem:s13+$0x9920];
	v2 =	vadd.f32 v3, v2;
	v1 =	vadd.f32 v14, v1  }
0x232: {  	v63 =	vld [tilespmem:s13+$0x9930];
	v0 =	vadd.f32 v0, v5  }
0x233: {  	v3 =	vld [tilespmem:s13+$0x9940];
	v5 =	vadd.f32 v6, v2;
	v1 =	vadd.f32 v8, v1  }
0x234: {  	v2 =	vld [tilespmem:s13+$0xA720];
	v0 =	vadd.f32 v60, v0  }
0x235: {  	v5 =	vadd.f32 v7, v5;
	v4 =	vadd.f32 v4, v1;
	v1 =	vld [tilespmem:s13+$0xA730]  }
0x236: {  	s17 =	simm.s32 $0x40;
	v6 =	vadd.f32 v61, v0;
	v0 =	vld [tilespmem:s13+$0xA740]  }
0x237: {  	s14 =	simm.s32 $0x200;
	v7 =	vld [tilespmem:s17+$0x3750];
	v5 =	vadd.f32 v62, v5;
	v4 =	vadd.f32 v63, v4  }
.LBB2_15:
0x238: {  	p0 =	sne.s32 s14, $0x3700;
	v8 =	vld [tilespmem:s17+$0x4550];
	v3 =	vadd.f32 v3, v6  }
0x239: {  	v6 =	vld [tilespmem:s17+$0x3720];
	v2 =	vadd.f32 v2, v5  }
0x23a: {  	v5 =	vld [tilespmem:s17+$0x5350];
	v1 =	vadd.f32 v1, v4  }
0x23b: {  	v4 =	vld [tilespmem:s17+$0x4520];
	[tilespmem:s13+$0x1B120] =	vst v2;
	v0 =	vadd.f32 v0, v3  }
0x23c: {  	v2 =	vld [tilespmem:s17+$0x6150];
	[tilespmem:s13+$0x1B130] =	vst v1  }
0x23d: {  	v1 =	vld [tilespmem:s17+$0x3730];
	v3 =	vadd.f32 v8, v7;
	[tilespmem:s13+$0x1B140] =	vst v0;
	s13 =	smov.u32 s17  }
0x23e: {  	v0 =	vld [tilespmem:s13+$0x6F50]  }
0x23f: {  	v7 =	vld [tilespmem:s13+$0x4530];
	v3 =	vadd.f32 v5, v3  }
0x240: {  	v4 =	vadd.f32 v4, v6;
	v5 =	vld [tilespmem:s13+$0x7D50]  }
0x241: {  	v6 =	vld [tilespmem:s13+$0x3740];
	v2 =	vadd.f32 v2, v3  }
0x242: {  	v3 =	vld [tilespmem:s13+$0x8B50]  }
0x243: {  	v8 =	vld [tilespmem:s13+$0x4540];
	v0 =	vadd.f32 v0, v2  }
0x244: {  	v1 =	vadd.f32 v7, v1;
	v2 =	vld [tilespmem:s13+$0x9950]  }
0x245: {  	v7 =	vld [tilespmem:s13+$0x5320];
	v0 =	vadd.f32 v5, v0  }
0x246: {  	v5 =	vld [tilespmem:s13+$0xA750]  }
0x247: {  	v9 =	vld [tilespmem:s13+$0x5330];
	v0 =	vadd.f32 v3, v0  }
0x248: {  	v3 =	vadd.f32 v8, v6;
	v6 =	vld [tilespmem:s13+$0x5340]  }
0x249: {  	v8 =	vld [tilespmem:s13+$0x6120];
	v0 =	vadd.f32 v2, v0  }
0x24a: {  	v2 =	vadd.f32 v7, v4;
	v4 =	vld [tilespmem:s13+$0x6130]  }
0x24b: {  	v7 =	vld [tilespmem:s13+$0x6140];
	v0 =	vadd.f32 v5, v0  }
0x24c: {  	v5 =	vld [tilespmem:s13+$0x6F20];
	v1 =	vadd.f32 v9, v1  }
0x24d: {  	v9 =	vld [tilespmem:s13+$0x6F30];
	v3 =	vadd.f32 v6, v3;
	[tilespmem:s13+$0x1B150] =	vst v0  }
0x24e: {  	v0 =	vadd.f32 v8, v2;
	v2 =	vld [tilespmem:s13+$0x6F40]  }
0x24f: {  	v6 =	vld [tilespmem:s13+$0x7D20];
	v1 =	vadd.f32 v4, v1  }
0x250: {  	v4 =	vld [tilespmem:s13+$0x7D30];
	v3 =	vadd.f32 v7, v3  }
0x251: {  	v0 =	vadd.f32 v5, v0;
	v5 =	vld [tilespmem:s13+$0x7D40]  }
0x252: {  	v7 =	vld [tilespmem:s13+$0x8B20];
	v1 =	vadd.f32 v9, v1  }
0x253: {  	v8 =	vld [tilespmem:s13+$0x8B30];
	v2 =	vadd.f32 v2, v3  }
0x254: {  	v0 =	vadd.f32 v6, v0;
	v6 =	vld [tilespmem:s13+$0x8B40]  }
0x255: {  	v9 =	vld [tilespmem:s13+$0x9920];
	v1 =	vadd.f32 v4, v1  }
0x256: {  	v4 =	vld [tilespmem:s13+$0x9930];
	v5 =	vadd.f32 v5, v2  }
.Ltmp8:
0x257: {  	v0 =	vadd.f32 v7, v0;
	v3 =	vld [tilespmem:s13+$0x9940];
	(pc) =	sbr.rel @p0 .LBB2_15-.Ltmp8, $4  }
0x258: {  	v2 =	vld [tilespmem:s13+$0xA720];
	v8 =	vadd.f32 v8, v1  }
0x259: {  	v1 =	vld [tilespmem:s13+$0xA730];
	v6 =	vadd.f32 v6, v5  }
0x25a: {  	s17 =	sshra.s32 s14, $0x2;
	v5 =	vadd.f32 v9, v0;
	v0 =	vld [tilespmem:s13+$0xA740]  }
0x25b: {  	s14 =	sadd.s32 $0x100, s14;
	v7 =	vld [tilespmem:s17+$0x3750];
	v4 =	vadd.f32 v4, v8  }
0x25c: {  	v8 =	vld [tilespmem:s17+$0x4550]  }
0x25d: {  	v9 =	vld [tilespmem:s17+$0x3720]  }
0x25e: {  	v10 =	vld [tilespmem:s17+$0x5350]  }
0x25f: {  	v11 =	vld [tilespmem:s17+$0x4520]  }
0x260: {  	v12 =	vld [tilespmem:s17+$0x6150]  }
0x261: {  	v13 =	vld [tilespmem:s17+$0x3730]  }
0x262: {  	v36 =	vld [tilespmem:s17+$0x6F50]  }
0x263: {  	v14 =	vld [tilespmem:s17+$0x4530]  }
0x264: {  	v37 =	vld [tilespmem:s17+$0x7D50]  }
0x265: {  	v15 =	vld [tilespmem:s17+$0x3740]  }
0x266: {  	v38 =	vld [tilespmem:s17+$0x8B50]  }
0x267: {  	v16 =	vld [tilespmem:s17+$0x4540]  }
0x268: {  	v39 =	vld [tilespmem:s17+$0x9950]  }
0x269: {  	v17 =	vld [tilespmem:s17+$0x5320]  }
0x26a: {  	v40 =	vld [tilespmem:s17+$0xA750]  }
0x26b: {  	v18 =	vld [tilespmem:s17+$0x5330];
	v7 =	vadd.f32 v8, v7  }
0x26c: {  	v41 =	vld [tilespmem:s17+$0x5340]  }
0x26d: {  	v19 =	vld [tilespmem:s17+$0x6120];
	v7 =	vadd.f32 v10, v7  }
0x26e: {  	v42 =	vld [tilespmem:s17+$0x6130]  }
0x26f: {  	v20 =	vld [tilespmem:s17+$0x6140];
	v7 =	vadd.f32 v12, v7  }
0x270: {  	v43 =	vld [tilespmem:s17+$0x6F20]  }
0x271: {  	v21 =	vld [tilespmem:s17+$0x6F30];
	v7 =	vadd.f32 v36, v7  }
0x272: {  	v44 =	vld [tilespmem:s17+$0x6F40]  }
0x273: {  	v45 =	vld [tilespmem:s17+$0x7D20];
	v9 =	vadd.f32 v11, v9;
	v7 =	vadd.f32 v37, v7  }
0x274: {  	v46 =	vld [tilespmem:s17+$0x7D30];
	v13 =	vadd.f32 v14, v13;
	v15 =	vadd.f32 v16, v15  }
0x275: {  	v47 =	vld [tilespmem:s17+$0x7D40];
	v9 =	vadd.f32 v17, v9;
	v7 =	vadd.f32 v38, v7  }
0x276: {  	v48 =	vld [tilespmem:s17+$0x8B20];
	v13 =	vadd.f32 v18, v13;
	v12 =	vadd.f32 v41, v15  }
0x277: {  	v49 =	vld [tilespmem:s17+$0x8B30];
	v9 =	vadd.f32 v19, v9;
	v7 =	vadd.f32 v39, v7  }
0x278: {  	v50 =	vld [tilespmem:s17+$0x8B40];
	v8 =	vadd.f32 v42, v13;
	v12 =	vadd.f32 v20, v12  }
0x279: {  	v51 =	vld [tilespmem:s17+$0x9920];
	v9 =	vadd.f32 v43, v9;
	v7 =	vadd.f32 v40, v7  }
0x27a: {  	v3 =	vadd.f32 v3, v6;
	v53 =	vld [tilespmem:s17+$0x9930];
	v52 =	vadd.f32 v21, v8  }
0x27b: {  	v54 =	vld [tilespmem:s17+$0x9940];
	v9 =	vadd.f32 v45, v9;
	[tilespmem:s17+$0x1B150] =	vst v7;
	v7 =	vadd.f32 v44, v12  }
0x27c: {  	v56 =	vld [tilespmem:s17+$0xA720];
	v2 =	vadd.f32 v2, v5;
	v55 =	vadd.f32 v46, v52  }
0x27d: {  	v57 =	vld [tilespmem:s17+$0xA730];
	v9 =	vadd.f32 v48, v9;
	v7 =	vadd.f32 v47, v7  }
0x27e: {  	v59 =	vld [tilespmem:s17+$0xA740];
	v1 =	vadd.f32 v1, v4;
	v58 =	vadd.f32 v49, v55  }
0x27f: {  	v9 =	vadd.f32 v51, v9;
	v7 =	vadd.f32 v50, v7  }
0x280: {  	[tilespmem:s13+$0x1B120] =	vst v2;
	v0 =	vadd.f32 v0, v3;
	v60 =	vadd.f32 v53, v58  }
0x281: {  	[tilespmem:s13+$0x1B130] =	vst v1;
	v62 =	vadd.f32 v56, v9;
	v61 =	vadd.f32 v54, v7  }
0x282: {  	[tilespmem:s13+$0x1B140] =	vst v0;
	v63 =	vadd.f32 v57, v60  }
0x283: {  	[tilespmem:s17+$0x1B120] =	vst v62;
	v1 =	vadd.f32 v59, v61  }
0x284: {  	[tilespmem:s17+$0x1B130] =	vst v63  }
0x285: {  	[tilespmem:s17+$0x1B140] =	vst v1  }
0x286: {  	s13 =	rddreg [dreg:$0xc]  }
0x287: {  	[hbm4b:s13+s4] =	stream.linear.scatter [tilespmem:s26], [sflag:$0x5], $0xE00, $0x38;
	[tilespmem:$0x1DB20] =	vst v63  }
0x288: {  	_ =	swait.ge [sflag:s0], $0xE00  }
0x289: {  	[sflag:s0] =	ssyncset.done $0x0  }
0x28a: {  	s28 =	simm.s32 $0x6;
	[sflag:s0] =	ssyncadd.s32 $0xFFFFF200  }
0x28b: {  	_ =	swait.ge [sflag:s28], $0xE00  }
0x28c: {  	[sflag:s28] =	ssyncset.done $0x0  }
0x28d: {  	[sflag:s28] =	ssyncadd.s32 $0xFFFFF200  }
0x28e: {  	_ =	swait.ge [sflag:s11], $0xE00  }
0x28f: {  	s30 =	rddreg [dreg:$0xe]  }
0x290: {  	s31 =	rddreg [dreg:$0xd];
	s0 =	sadd.s32 $0x1, s30  }
0x291: {  	p0 =	sne.s32 s0, s31  }
.Ltmp9:
0x292: {  	_ = 	snop;
	(pc) =	sbr.rel @p0 .LBB2_1-.Ltmp9, $3  }
0x293: {  	_ =	sdelay $0x1  }
0x294: {  	[sflag:s11] =	ssyncset.done $0x0  }
0x295: {  	[sflag:s11] =	ssyncadd.s32 $0xFFFFF200  }
0x296: {  	_ =	sfence.sel $0x180000  }
0x297: {  	[bflag:$0x0] =	sbarrier.arrive $0xFFFF  }
0x298: {  	_ =	strace $0x90000047  }
0x299: {  	s0 =	stileid.u32;
	[bflag:$0x2] =	sbarrier.arrive $0xFFFF  }
0x29a: {  	p0 =	sne.s32 s0, $0x0;
	s0 =	rddreg [dreg:$0x2]  }
0x29b: {  	s0 =	sadd.s32 @!p0 $0x100000, s0  }
0x29c: {  	[sflag:s0] =	ssyncadd.tile.s32 @!p0 $0x1;
	_ =	shalt  }
.Lfunc_end2:
_tile_overlayer_lowered:
.L_overlay_start_2:
0x29d: {  	(tag) =	ssettag $0x2  }
0x29e: {  	s0 =	rddreg [dreg:$0x0];
	s2 =	stileid.u32  }
0x29f: {  	s1 =	rddreg [dreg:$0x1];
	p0 =	sne.s32 s2, $0x0  }
0x2a0: {  	s3 =	rddreg [dreg:$0x2];
	[bflag:$0x3] =	sbarrier.arrive $0xFFFF;
	s2 =	simm.s32 @!p0 $0x1C08  }
0x2a1: {  	[timem:s3], [sflag:s2] =	dma.local @!p0 [hbm:s0], s1  }
0x2a2: {  	s0 =	simm.s32 @!p0 $0x8  }
0x2a3: {  	_ =	swait.ge @!p0 [sflag:s0], s1  }
0x2a4: {  	s1 =	ssub.s32 @!p0 $0x0, s1;
	[sflag:s0] =	ssyncset.done @!p0 $0x0  }
0x2a5: {  	[sflag:s0] =	ssyncadd.s32 @!p0 s1  }
0x2a6: {  	[bflag:$0x3] =	sbarrier.arrive $0xFFFF  }
0x2a7: {  	_ =	shalt  }

</sc_bundles>
